<compile_context>
chip_gen: v7x
topology: tpu7x:2x2x1
jax: 0.10.2.dev20260603
libtpu: 0.0.44.dev20260713+nightly
codegen_flags: <defaults>
</compile_context>

<pallas_src>
import jax
import jax.numpy as jnp
from jax import lax
from jax.experimental import pallas as pl
from jax.experimental.pallas import tpu as pltpu
from jax.experimental.pallas import tpu_sc as plsc

N = 10000
E = 320000
D = 128
NC, NS = 2, 16
C = 128
NCHUNK = 80
EP = NC * NS * NCHUNK * C
NP = 10240
RPT = NP // NS
ZR = 80

_MESH = dict(core_axis_name="c", subcore_axis_name="s",
             num_cores=NC, num_subcores=NS)


def _sc_agg_body(h_hbm, src_hbm, dst_hbm, zeros_hbm, acc_out,
                 src_v0, dst_v0, rows_v0, src_v1, dst_v1, rows_v1,
                 zrow_v, acc_sh, gsem0, gsem1, ssem0, ssem1):
    cid = lax.axis_index("c")
    sid = lax.axis_index("s")
    ebase = (cid * NS + sid) * NCHUNK * C

    pltpu.sync_copy(zeros_hbm, zrow_v)
    for k in range(RPT // ZR):
        pltpu.sync_copy(zrow_v, acc_sh.at[pl.ds(sid * RPT + k * ZR, ZR)])
    plsc.subcore_barrier()

    bufs = ((src_v0, dst_v0, rows_v0, gsem0, ssem0),
            (src_v1, dst_v1, rows_v1, gsem1, ssem1))

    def fetch(j, buf):
        src_v, dst_v, rows_v, gsem, _ = buf
        pltpu.sync_copy(src_hbm.at[pl.ds(ebase + j * C, C)], src_v)
        pltpu.sync_copy(dst_hbm.at[pl.ds(ebase + j * C, C)], dst_v)
        pltpu.async_copy(h_hbm.at[src_v], rows_v, gsem)

    def start_scatter(buf):
        src_v, dst_v, rows_v, gsem, ssem = buf
        pltpu.make_async_copy(h_hbm.at[src_v], rows_v, gsem).wait()
        pltpu.async_copy(rows_v, acc_sh.at[dst_v], ssem, add=True)

    def wait_scatter(buf):
        src_v, dst_v, rows_v, _, ssem = buf
        pltpu.make_async_copy(rows_v, acc_sh.at[dst_v], ssem).wait()

    fetch(0, bufs[0])
    fetch(1, bufs[1])

    def body(jj, carry):
        j0 = 2 * jj
        start_scatter(bufs[0])

        @pl.when(j0 + 2 < NCHUNK)
        def _():
            wait_scatter(bufs[0])
            fetch(j0 + 2, bufs[0])

        start_scatter(bufs[1])

        @pl.when(j0 + 3 < NCHUNK)
        def _():
            wait_scatter(bufs[1])
            fetch(j0 + 3, bufs[1])

        return carry

    lax.fori_loop(0, NCHUNK // 2, body, 0)
    wait_scatter(bufs[0])
    wait_scatter(bufs[1])
    plsc.subcore_barrier()

    pltpu.sync_copy(acc_sh.at[pl.ds(sid * RPT, RPT)],
                    acc_out.at[cid, pl.ds(sid * RPT, RPT)])


_sc_agg = pl.kernel(
    _sc_agg_body,
    out_type=jax.ShapeDtypeStruct((NC, NP, D), jnp.float32),
    mesh=plsc.VectorSubcoreMesh(**_MESH),
    scratch_types=[
        pltpu.VMEM((C,), jnp.int32),
        pltpu.VMEM((C,), jnp.int32),
        pltpu.VMEM((C, D), jnp.float32),
        pltpu.VMEM((C,), jnp.int32),
        pltpu.VMEM((C,), jnp.int32),
        pltpu.VMEM((C, D), jnp.float32),
        pltpu.VMEM((ZR, D), jnp.float32),
        pltpu.VMEM_SHARED((NP, D), jnp.float32),
        pltpu.SemaphoreType.DMA,
        pltpu.SemaphoreType.DMA,
        pltpu.SemaphoreType.DMA,
        pltpu.SemaphoreType.DMA,
    ],
)


def _sc_deg_body(dst_hbm, zeros_hbm, ones_hbm, deg_out,
                 dst_v0, dst_v1, ones_v, deg_sh, ssem0, ssem1):
    cid = lax.axis_index("c")
    sid = lax.axis_index("s")
    ebase = (cid * NS + sid) * NCHUNK * C

    pltpu.sync_copy(zeros_hbm, ones_v.at[pl.ds(0, ZR)])
    for k in range(RPT // ZR):
        pltpu.sync_copy(ones_v.at[pl.ds(0, ZR)],
                        deg_sh.at[pl.ds(sid * RPT + k * ZR, ZR)])
    pltpu.sync_copy(ones_hbm, ones_v)
    plsc.subcore_barrier()

    bufs = ((dst_v0, ssem0), (dst_v1, ssem1))

    def fetch_scatter(j, buf):
        dst_v, ssem = buf
        pltpu.sync_copy(dst_hbm.at[pl.ds(ebase + j * C, C)], dst_v)
        pltpu.async_copy(ones_v, deg_sh.at[dst_v], ssem, add=True)

    def wait_scatter(buf):
        dst_v, ssem = buf
        pltpu.make_async_copy(ones_v, deg_sh.at[dst_v], ssem).wait()

    fetch_scatter(0, bufs[0])

    def body(jj, carry):
        j0 = 2 * jj
        fetch_scatter(j0 + 1, bufs[1])
        wait_scatter(bufs[0])

        @pl.when(j0 + 2 < NCHUNK)
        def _():
            fetch_scatter(j0 + 2, bufs[0])

        wait_scatter(bufs[1])
        return carry

    lax.fori_loop(0, NCHUNK // 2, body, 0)
    plsc.subcore_barrier()

    pltpu.sync_copy(deg_sh.at[pl.ds(sid * RPT, RPT)],
                    deg_out.at[cid, pl.ds(sid * RPT, RPT)])


_sc_deg = pl.kernel(
    _sc_deg_body,
    out_type=jax.ShapeDtypeStruct((NC, NP, D), jnp.float32),
    mesh=plsc.VectorSubcoreMesh(**_MESH),
    scratch_types=[
        pltpu.VMEM((C,), jnp.int32),
        pltpu.VMEM((C,), jnp.int32),
        pltpu.VMEM((C, D), jnp.float32),
        pltpu.VMEM_SHARED((NP, D), jnp.float32),
        pltpu.SemaphoreType.DMA,
        pltpu.SemaphoreType.DMA,
    ],
)


def _tc_layer_body(h_ref, acc_ref, deg_ref, wl_ref, b_ref, wr_ref, o_ref):
    deg = deg_ref[0, :, 0:1] + deg_ref[1, :, 0:1]
    mean = (acc_ref[0] + acc_ref[1]) * (1.0 / jnp.maximum(deg, 1.0))
    o = (jnp.dot(mean, wl_ref[...], preferred_element_type=jnp.float32)
         + b_ref[...]
         + jnp.dot(h_ref[...], wr_ref[...], preferred_element_type=jnp.float32))
    o_ref[...] = jnp.maximum(o, 0.0)


_TC_R = 2000


def _tc_layer(h, acc, deg, wl_t, b, wr_t):
    return pl.pallas_call(
        _tc_layer_body,
        grid=(N // _TC_R,),
        in_specs=[
            pl.BlockSpec((_TC_R, D), lambda i: (i, 0)),
            pl.BlockSpec((NC, _TC_R, D), lambda i: (0, i, 0)),
            pl.BlockSpec((NC, _TC_R, D), lambda i: (0, i, 0)),
            pl.BlockSpec((D, D), lambda i: (0, 0)),
            pl.BlockSpec((1, D), lambda i: (0, 0)),
            pl.BlockSpec((D, D), lambda i: (0, 0)),
        ],
        out_specs=pl.BlockSpec((_TC_R, D), lambda i: (i, 0)),
        out_shape=jax.ShapeDtypeStruct((N, D), jnp.float32),
    )(h, acc, deg, wl_t, b, wr_t)


def kernel(x, edge_index, W_l0, b_l0, W_r0, W_l1, b_l1, W_r1):
    src = edge_index[0].astype(jnp.int32)
    dst = edge_index[1].astype(jnp.int32)
    src = jnp.concatenate([src, jnp.zeros((EP - E,), jnp.int32)])
    dst = jnp.concatenate([dst, jnp.full((EP - E,), N, jnp.int32)])
    zeros = jnp.zeros((ZR, D), jnp.float32)
    ones = jnp.ones((C, D), jnp.float32)

    deg = _sc_deg(dst, zeros, ones)
    acc0 = _sc_agg(x, src, dst, zeros)
    h1 = _tc_layer(x, acc0, deg, W_l0.T, b_l0.reshape(1, D), W_r0.T)
    acc1 = _sc_agg(h1, src, dst, zeros)
    out = _tc_layer(h1, acc1, deg, W_l1.T, b_l1.reshape(1, D), W_r1.T)
    return out

# --- scband reference (transcript-rebuilt; emitter-appended) ---
"""Pipeline reference for scband-graph-sagebackbone-4578435137604 (READ-ONLY COPY).

The authoritative reference and input builder live on the scoring server;
editing this copy changes nothing except your own understanding.
"""

import jax, jax.numpy as jnp
import numpy as np

N_NODES = 10000
N_EDGES = 320000
D = 128


def setup_inputs(seed: int = 0) -> dict:
    key = jax.random.key(seed)
    ks = jax.random.split(key, 10)
    x = jax.random.normal(ks[0], (N_NODES, D), dtype=jnp.float32)
    edge_index = jax.random.randint(ks[1], (2, N_EDGES), 0, N_NODES).astype(jnp.int64)
    # SAGEConv params: lin_l (aggregated neighbors, has bias), lin_r (root, no bias)
    W_l0 = jax.random.normal(ks[2], (D, D), dtype=jnp.float32) * 0.05
    b_l0 = jnp.zeros((D,), dtype=jnp.float32)
    W_r0 = jax.random.normal(ks[3], (D, D), dtype=jnp.float32) * 0.05
    W_l1 = jax.random.normal(ks[4], (D, D), dtype=jnp.float32) * 0.05
    b_l1 = jnp.zeros((D,), dtype=jnp.float32)
    W_r1 = jax.random.normal(ks[5], (D, D), dtype=jnp.float32) * 0.05
    return {"x": x, "edge_index": edge_index,
            "W_l0": W_l0, "b_l0": b_l0, "W_r0": W_r0,
            "W_l1": W_l1, "b_l1": b_l1, "W_r1": W_r1}


def _sage_conv(h, src, dst, W_l, b_l, W_r, n_nodes):
    # PyG SAGEConv, aggr='mean', project=False, normalize=False:
    # out = lin_l(mean_{j in N(i)} x_j) + lin_r(x_i)
    msg = h[src]  # gather source node features per edge
    agg = jax.ops.segment_sum(msg, dst, num_segments=n_nodes)
    deg = jax.ops.segment_sum(jnp.ones((src.shape[0], 1), h.dtype), dst, num_segments=n_nodes)
    mean = agg / jnp.clip(deg, 1.0, None)
    return mean @ W_l.T + b_l + h @ W_r.T


def reference(x, edge_index, W_l0, b_l0, W_r0, W_l1, b_l1, W_r1):
    src = edge_index[0]
    dst = edge_index[1]
    # layer 0: conv -> norm(Identity) -> relu -> dropout(p=0)
    h = _sage_conv(x, src, dst, W_l0, b_l0, W_r0, N_NODES)
    h = jax.nn.relu(h)
    # layer 1
    h = _sage_conv(h, src, dst, W_l1, b_l1, W_r1, N_NODES)
    h = jax.nn.relu(h)
    return h

if __name__ == "__main__":
    import jax
    _d = setup_inputs()
    print(jax.jit(kernel)(*tuple(_d.values())))

</pallas_src>

<mosaic_0001>
#map = affine_map<(d0, d1) -> (0)>
#map1 = affine_map<(d0, d1) -> (0, 0)>
#map2 = affine_map<(d0, d1) -> (0, 0, 0)>
module attributes {stable_mosaic.version = 14 : i64} {
  func.func @_sc_deg_body(%arg0: i32, %arg1: i32, %arg2: memref<327680xi32, #tpu.memory_space<hbm>>, %arg3: memref<80x128xf32, #tpu.memory_space<hbm>>, %arg4: memref<128x128xf32, #tpu.memory_space<hbm>>, %arg5: memref<2x10240x128xf32, #tpu.memory_space<hbm>>, %arg6: memref<128xi32, #tpu.memory_space<vmem>>, %arg7: memref<128xi32, #tpu.memory_space<vmem>>, %arg8: memref<128x128xf32, #tpu.memory_space<vmem>>, %arg9: memref<10240x128xf32, #tpu.memory_space<vmem_shared>>, %arg10: memref<!tpu.dma_semaphore, #tpu.memory_space<semaphore_mem>>, %arg11: memref<!tpu.dma_semaphore, #tpu.memory_space<semaphore_mem>>) attributes {dimension_semantics = [#tpu.dimension_semantics<core_parallel>, #tpu.dimension_semantics<subcore_parallel>], iteration_bounds = array<i64: 2, 16>, scalar_prefetch = 0 : i64, scratch_operands = 6 : i64, tpu.core_type = #tpu.core_type<sc_vector_subcore>, window_params = [{transform_indices = #map}, {transform_indices = #map1}, {transform_indices = #map1}, {transform_indices = #map2}]} {
    %mul3A = arith.constant 16 : i32
    %mul3A_0 = arith.muli %arg0, %mul3A : i32
    %add3A = arith.addi %mul3A_0, %arg1 : i32
    %mul3A_1 = arith.constant 80 : i32
    %mul3A_2 = arith.muli %add3A, %mul3A_1 : i32
    %mul3A_3 = arith.constant 128 : i32
    %mul3A_4 = arith.muli %mul3A_2, %mul3A_3 : i32
    "tpu.region"() ({
      %run_scoped3A = tpu.sem_alloc : memref<!tpu.dma_semaphore, #tpu.memory_space<semaphore_mem>>
      %dma_start3A_51 = arith.constant 0 : i32
      %dma_start3A_52 = arith.constant 0 : i32
      %dma_start3A_53 = tpu.memref_slice %arg8[%dma_start3A_51, %dma_start3A_52] : memref<128x128xf32, #tpu.memory_space<vmem>> -> memref<80x128xf32, #tpu.memory_space<vmem>>
      %dma_start3A_54 = arith.constant 0 : i32
      %dma_start3A_55 = arith.constant 0 : i32
      %dma_start3A_56 = tpu.memref_slice %arg8[%dma_start3A_54, %dma_start3A_55] : memref<128x128xf32, #tpu.memory_space<vmem>> -> memref<80x128xf32, #tpu.memory_space<vmem>>
      tpu.enqueue_dma source(%arg3 : memref<80x128xf32, #tpu.memory_space<hbm>>) target(%dma_start3A_56 : memref<80x128xf32, #tpu.memory_space<vmem>>) target_semaphore(%run_scoped3A : memref<!tpu.dma_semaphore, #tpu.memory_space<semaphore_mem>>)
      %dma_wait3A = arith.constant 0 : i32
      %dma_wait3A_57 = arith.constant 0 : i32
      %dma_wait3A_58 = tpu.memref_slice %arg8[%dma_wait3A, %dma_wait3A_57] : memref<128x128xf32, #tpu.memory_space<vmem>> -> memref<80x128xf32, #tpu.memory_space<vmem>>
      %dma_wait3A_59 = arith.constant 0 : i32
      %dma_wait3A_60 = arith.constant 0 : i32
      %dma_wait3A_61 = tpu.memref_slice %arg8[%dma_wait3A_59, %dma_wait3A_60] : memref<128x128xf32, #tpu.memory_space<vmem>> -> memref<80x128xf32, #tpu.memory_space<vmem>>
      tpu.wait_dma2 semaphore(%run_scoped3A : memref<!tpu.dma_semaphore, #tpu.memory_space<semaphore_mem>>) src(%arg3 : memref<80x128xf32, #tpu.memory_space<hbm>>) dst(%dma_wait3A_61 : memref<80x128xf32, #tpu.memory_space<vmem>>)
      tpu.yield
    }) : () -> ()
    %mul3A_5 = arith.constant 640 : i32
    %mul3A_6 = arith.muli %arg1, %mul3A_5 : i32
    %add3A_7 = arith.constant 0 : i32
    %add3A_8 = arith.addi %mul3A_6, %add3A_7 : i32
    "tpu.region"() ({
      %run_scoped3A = tpu.sem_alloc : memref<!tpu.dma_semaphore, #tpu.memory_space<semaphore_mem>>
      %dma_start3A_51 = arith.constant 0 : i32
      %dma_start3A_52 = arith.constant 0 : i32
      %dma_start3A_53 = tpu.memref_slice %arg8[%dma_start3A_51, %dma_start3A_52] : memref<128x128xf32, #tpu.memory_space<vmem>> -> memref<80x128xf32, #tpu.memory_space<vmem>>
      %dma_start3A_54 = arith.constant 0 : i32
      %dma_start3A_55 = tpu.memref_slice %arg9[%add3A_8, %dma_start3A_54] : memref<10240x128xf32, #tpu.memory_space<vmem_shared>> -> memref<80x128xf32, #tpu.memory_space<vmem_shared>>
      %dma_start3A_56 = arith.constant 0 : i32
      %dma_start3A_57 = tpu.memref_slice %arg9[%add3A_8, %dma_start3A_56] : memref<10240x128xf32, #tpu.memory_space<vmem_shared>> -> memref<80x128xf32, #tpu.memory_space<vmem_shared>>
      %dma_start3A_58 = arith.constant 0 : i32
      %dma_start3A_59 = arith.constant 0 : i32
      %dma_start3A_60 = tpu.memref_slice %arg8[%dma_start3A_58, %dma_start3A_59] : memref<128x128xf32, #tpu.memory_space<vmem>> -> memref<80x128xf32, #tpu.memory_space<vmem>>
      tpu.enqueue_dma source(%dma_start3A_60 : memref<80x128xf32, #tpu.memory_space<vmem>>) target(%dma_start3A_57 : memref<80x128xf32, #tpu.memory_space<vmem_shared>>) target_semaphore(%run_scoped3A : memref<!tpu.dma_semaphore, #tpu.memory_space<semaphore_mem>>)
      %dma_wait3A = arith.constant 0 : i32
      %dma_wait3A_61 = arith.constant 0 : i32
      %dma_wait3A_62 = tpu.memref_slice %arg8[%dma_wait3A, %dma_wait3A_61] : memref<128x128xf32, #tpu.memory_space<vmem>> -> memref<80x128xf32, #tpu.memory_space<vmem>>
      %dma_wait3A_63 = arith.constant 0 : i32
      %dma_wait3A_64 = tpu.memref_slice %arg9[%add3A_8, %dma_wait3A_63] : memref<10240x128xf32, #tpu.memory_space<vmem_shared>> -> memref<80x128xf32, #tpu.memory_space<vmem_shared>>
      %dma_wait3A_65 = arith.constant 0 : i32
      %dma_wait3A_66 = tpu.memref_slice %arg9[%add3A_8, %dma_wait3A_65] : memref<10240x128xf32, #tpu.memory_space<vmem_shared>> -> memref<80x128xf32, #tpu.memory_space<vmem_shared>>
      %dma_wait3A_67 = arith.constant 0 : i32
      %dma_wait3A_68 = arith.constant 0 : i32
      %dma_wait3A_69 = tpu.memref_slice %arg8[%dma_wait3A_67, %dma_wait3A_68] : memref<128x128xf32, #tpu.memory_space<vmem>> -> memref<80x128xf32, #tpu.memory_space<vmem>>
      tpu.wait_dma2 semaphore(%run_scoped3A : memref<!tpu.dma_semaphore, #tpu.memory_space<semaphore_mem>>) src(%dma_wait3A_69 : memref<80x128xf32, #tpu.memory_space<vmem>>) dst(%dma_wait3A_66 : memref<80x128xf32, #tpu.memory_space<vmem_shared>>)
      tpu.yield
    }) : () -> ()
    %mul3A_9 = arith.constant 640 : i32
    %mul3A_10 = arith.muli %arg1, %mul3A_9 : i32
    %add3A_11 = arith.constant 80 : i32
    %add3A_12 = arith.addi %mul3A_10, %add3A_11 : i32
    "tpu.region"() ({
      %run_scoped3A = tpu.sem_alloc : memref<!tpu.dma_semaphore, #tpu.memory_space<semaphore_mem>>
      %dma_start3A_51 = arith.constant 0 : i32
      %dma_start3A_52 = arith.constant 0 : i32
      %dma_start3A_53 = tpu.memref_slice %arg8[%dma_start3A_51, %dma_start3A_52] : memref<128x128xf32, #tpu.memory_space<vmem>> -> memref<80x128xf32, #tpu.memory_space<vmem>>
      %dma_start3A_54 = arith.constant 0 : i32
      %dma_start3A_55 = tpu.memref_slice %arg9[%add3A_12, %dma_start3A_54] : memref<10240x128xf32, #tpu.memory_space<vmem_shared>> -> memref<80x128xf32, #tpu.memory_space<vmem_shared>>
      %dma_start3A_56 = arith.constant 0 : i32
      %dma_start3A_57 = tpu.memref_slice %arg9[%add3A_12, %dma_start3A_56] : memref<10240x128xf32, #tpu.memory_space<vmem_shared>> -> memref<80x128xf32, #tpu.memory_space<vmem_shared>>
      %dma_start3A_58 = arith.constant 0 : i32
      %dma_start3A_59 = arith.constant 0 : i32
      %dma_start3A_60 = tpu.memref_slice %arg8[%dma_start3A_58, %dma_start3A_59] : memref<128x128xf32, #tpu.memory_space<vmem>> -> memref<80x128xf32, #tpu.memory_space<vmem>>
      tpu.enqueue_dma source(%dma_start3A_60 : memref<80x128xf32, #tpu.memory_space<vmem>>) target(%dma_start3A_57 : memref<80x128xf32, #tpu.memory_space<vmem_shared>>) target_semaphore(%run_scoped3A : memref<!tpu.dma_semaphore, #tpu.memory_space<semaphore_mem>>)
      %dma_wait3A = arith.constant 0 : i32
      %dma_wait3A_61 = arith.constant 0 : i32
      %dma_wait3A_62 = tpu.memref_slice %arg8[%dma_wait3A, %dma_wait3A_61] : memref<128x128xf32, #tpu.memory_space<vmem>> -> memref<80x128xf32, #tpu.memory_space<vmem>>
      %dma_wait3A_63 = arith.constant 0 : i32
      %dma_wait3A_64 = tpu.memref_slice %arg9[%add3A_12, %dma_wait3A_63] : memref<10240x128xf32, #tpu.memory_space<vmem_shared>> -> memref<80x128xf32, #tpu.memory_space<vmem_shared>>
      %dma_wait3A_65 = arith.constant 0 : i32
      %dma_wait3A_66 = tpu.memref_slice %arg9[%add3A_12, %dma_wait3A_65] : memref<10240x128xf32, #tpu.memory_space<vmem_shared>> -> memref<80x128xf32, #tpu.memory_space<vmem_shared>>
      %dma_wait3A_67 = arith.constant 0 : i32
      %dma_wait3A_68 = arith.constant 0 : i32
      %dma_wait3A_69 = tpu.memref_slice %arg8[%dma_wait3A_67, %dma_wait3A_68] : memref<128x128xf32, #tpu.memory_space<vmem>> -> memref<80x128xf32, #tpu.memory_space<vmem>>
      tpu.wait_dma2 semaphore(%run_scoped3A : memref<!tpu.dma_semaphore, #tpu.memory_space<semaphore_mem>>) src(%dma_wait3A_69 : memref<80x128xf32, #tpu.memory_space<vmem>>) dst(%dma_wait3A_66 : memref<80x128xf32, #tpu.memory_space<vmem_shared>>)
      tpu.yield
    }) : () -> ()
    %mul3A_13 = arith.constant 640 : i32
    %mul3A_14 = arith.muli %arg1, %mul3A_13 : i32
    %add3A_15 = arith.constant 160 : i32
    %add3A_16 = arith.addi %mul3A_14, %add3A_15 : i32
    "tpu.region"() ({
      %run_scoped3A = tpu.sem_alloc : memref<!tpu.dma_semaphore, #tpu.memory_space<semaphore_mem>>
      %dma_start3A_51 = arith.constant 0 : i32
      %dma_start3A_52 = arith.constant 0 : i32
      %dma_start3A_53 = tpu.memref_slice %arg8[%dma_start3A_51, %dma_start3A_52] : memref<128x128xf32, #tpu.memory_space<vmem>> -> memref<80x128xf32, #tpu.memory_space<vmem>>
      %dma_start3A_54 = arith.constant 0 : i32
      %dma_start3A_55 = tpu.memref_slice %arg9[%add3A_16, %dma_start3A_54] : memref<10240x128xf32, #tpu.memory_space<vmem_shared>> -> memref<80x128xf32, #tpu.memory_space<vmem_shared>>
      %dma_start3A_56 = arith.constant 0 : i32
      %dma_start3A_57 = tpu.memref_slice %arg9[%add3A_16, %dma_start3A_56] : memref<10240x128xf32, #tpu.memory_space<vmem_shared>> -> memref<80x128xf32, #tpu.memory_space<vmem_shared>>
      %dma_start3A_58 = arith.constant 0 : i32
      %dma_start3A_59 = arith.constant 0 : i32
      %dma_start3A_60 = tpu.memref_slice %arg8[%dma_start3A_58, %dma_start3A_59] : memref<128x128xf32, #tpu.memory_space<vmem>> -> memref<80x128xf32, #tpu.memory_space<vmem>>
      tpu.enqueue_dma source(%dma_start3A_60 : memref<80x128xf32, #tpu.memory_space<vmem>>) target(%dma_start3A_57 : memref<80x128xf32, #tpu.memory_space<vmem_shared>>) target_semaphore(%run_scoped3A : memref<!tpu.dma_semaphore, #tpu.memory_space<semaphore_mem>>)
      %dma_wait3A = arith.constant 0 : i32
      %dma_wait3A_61 = arith.constant 0 : i32
      %dma_wait3A_62 = tpu.memref_slice %arg8[%dma_wait3A, %dma_wait3A_61] : memref<128x128xf32, #tpu.memory_space<vmem>> -> memref<80x128xf32, #tpu.memory_space<vmem>>
      %dma_wait3A_63 = arith.constant 0 : i32
      %dma_wait3A_64 = tpu.memref_slice %arg9[%add3A_16, %dma_wait3A_63] : memref<10240x128xf32, #tpu.memory_space<vmem_shared>> -> memref<80x128xf32, #tpu.memory_space<vmem_shared>>
      %dma_wait3A_65 = arith.constant 0 : i32
      %dma_wait3A_66 = tpu.memref_slice %arg9[%add3A_16, %dma_wait3A_65] : memref<10240x128xf32, #tpu.memory_space<vmem_shared>> -> memref<80x128xf32, #tpu.memory_space<vmem_shared>>
      %dma_wait3A_67 = arith.constant 0 : i32
      %dma_wait3A_68 = arith.constant 0 : i32
      %dma_wait3A_69 = tpu.memref_slice %arg8[%dma_wait3A_67, %dma_wait3A_68] : memref<128x128xf32, #tpu.memory_space<vmem>> -> memref<80x128xf32, #tpu.memory_space<vmem>>
      tpu.wait_dma2 semaphore(%run_scoped3A : memref<!tpu.dma_semaphore, #tpu.memory_space<semaphore_mem>>) src(%dma_wait3A_69 : memref<80x128xf32, #tpu.memory_space<vmem>>) dst(%dma_wait3A_66 : memref<80x128xf32, #tpu.memory_space<vmem_shared>>)
      tpu.yield
    }) : () -> ()
    %mul3A_17 = arith.constant 640 : i32
    %mul3A_18 = arith.muli %arg1, %mul3A_17 : i32
    %add3A_19 = arith.constant 240 : i32
    %add3A_20 = arith.addi %mul3A_18, %add3A_19 : i32
    "tpu.region"() ({
      %run_scoped3A = tpu.sem_alloc : memref<!tpu.dma_semaphore, #tpu.memory_space<semaphore_mem>>
      %dma_start3A_51 = arith.constant 0 : i32
      %dma_start3A_52 = arith.constant 0 : i32
      %dma_start3A_53 = tpu.memref_slice %arg8[%dma_start3A_51, %dma_start3A_52] : memref<128x128xf32, #tpu.memory_space<vmem>> -> memref<80x128xf32, #tpu.memory_space<vmem>>
      %dma_start3A_54 = arith.constant 0 : i32
      %dma_start3A_55 = tpu.memref_slice %arg9[%add3A_20, %dma_start3A_54] : memref<10240x128xf32, #tpu.memory_space<vmem_shared>> -> memref<80x128xf32, #tpu.memory_space<vmem_shared>>
      %dma_start3A_56 = arith.constant 0 : i32
      %dma_start3A_57 = tpu.memref_slice %arg9[%add3A_20, %dma_start3A_56] : memref<10240x128xf32, #tpu.memory_space<vmem_shared>> -> memref<80x128xf32, #tpu.memory_space<vmem_shared>>
      %dma_start3A_58 = arith.constant 0 : i32
      %dma_start3A_59 = arith.constant 0 : i32
      %dma_start3A_60 = tpu.memref_slice %arg8[%dma_start3A_58, %dma_start3A_59] : memref<128x128xf32, #tpu.memory_space<vmem>> -> memref<80x128xf32, #tpu.memory_space<vmem>>
      tpu.enqueue_dma source(%dma_start3A_60 : memref<80x128xf32, #tpu.memory_space<vmem>>) target(%dma_start3A_57 : memref<80x128xf32, #tpu.memory_space<vmem_shared>>) target_semaphore(%run_scoped3A : memref<!tpu.dma_semaphore, #tpu.memory_space<semaphore_mem>>)
      %dma_wait3A = arith.constant 0 : i32
      %dma_wait3A_61 = arith.constant 0 : i32
      %dma_wait3A_62 = tpu.memref_slice %arg8[%dma_wait3A, %dma_wait3A_61] : memref<128x128xf32, #tpu.memory_space<vmem>> -> memref<80x128xf32, #tpu.memory_space<vmem>>
      %dma_wait3A_63 = arith.constant 0 : i32
      %dma_wait3A_64 = tpu.memref_slice %arg9[%add3A_20, %dma_wait3A_63] : memref<10240x128xf32, #tpu.memory_space<vmem_shared>> -> memref<80x128xf32, #tpu.memory_space<vmem_shared>>
      %dma_wait3A_65 = arith.constant 0 : i32
      %dma_wait3A_66 = tpu.memref_slice %arg9[%add3A_20, %dma_wait3A_65] : memref<10240x128xf32, #tpu.memory_space<vmem_shared>> -> memref<80x128xf32, #tpu.memory_space<vmem_shared>>
      %dma_wait3A_67 = arith.constant 0 : i32
      %dma_wait3A_68 = arith.constant 0 : i32
      %dma_wait3A_69 = tpu.memref_slice %arg8[%dma_wait3A_67, %dma_wait3A_68] : memref<128x128xf32, #tpu.memory_space<vmem>> -> memref<80x128xf32, #tpu.memory_space<vmem>>
      tpu.wait_dma2 semaphore(%run_scoped3A : memref<!tpu.dma_semaphore, #tpu.memory_space<semaphore_mem>>) src(%dma_wait3A_69 : memref<80x128xf32, #tpu.memory_space<vmem>>) dst(%dma_wait3A_66 : memref<80x128xf32, #tpu.memory_space<vmem_shared>>)
      tpu.yield
    }) : () -> ()
    %mul3A_21 = arith.constant 640 : i32
    %mul3A_22 = arith.muli %arg1, %mul3A_21 : i32
    %add3A_23 = arith.constant 320 : i32
    %add3A_24 = arith.addi %mul3A_22, %add3A_23 : i32
    "tpu.region"() ({
      %run_scoped3A = tpu.sem_alloc : memref<!tpu.dma_semaphore, #tpu.memory_space<semaphore_mem>>
      %dma_start3A_51 = arith.constant 0 : i32
      %dma_start3A_52 = arith.constant 0 : i32
      %dma_start3A_53 = tpu.memref_slice %arg8[%dma_start3A_51, %dma_start3A_52] : memref<128x128xf32, #tpu.memory_space<vmem>> -> memref<80x128xf32, #tpu.memory_space<vmem>>
      %dma_start3A_54 = arith.constant 0 : i32
      %dma_start3A_55 = tpu.memref_slice %arg9[%add3A_24, %dma_start3A_54] : memref<10240x128xf32, #tpu.memory_space<vmem_shared>> -> memref<80x128xf32, #tpu.memory_space<vmem_shared>>
      %dma_start3A_56 = arith.constant 0 : i32
      %dma_start3A_57 = tpu.memref_slice %arg9[%add3A_24, %dma_start3A_56] : memref<10240x128xf32, #tpu.memory_space<vmem_shared>> -> memref<80x128xf32, #tpu.memory_space<vmem_shared>>
      %dma_start3A_58 = arith.constant 0 : i32
      %dma_start3A_59 = arith.constant 0 : i32
      %dma_start3A_60 = tpu.memref_slice %arg8[%dma_start3A_58, %dma_start3A_59] : memref<128x128xf32, #tpu.memory_space<vmem>> -> memref<80x128xf32, #tpu.memory_space<vmem>>
      tpu.enqueue_dma source(%dma_start3A_60 : memref<80x128xf32, #tpu.memory_space<vmem>>) target(%dma_start3A_57 : memref<80x128xf32, #tpu.memory_space<vmem_shared>>) target_semaphore(%run_scoped3A : memref<!tpu.dma_semaphore, #tpu.memory_space<semaphore_mem>>)
      %dma_wait3A = arith.constant 0 : i32
      %dma_wait3A_61 = arith.constant 0 : i32
      %dma_wait3A_62 = tpu.memref_slice %arg8[%dma_wait3A, %dma_wait3A_61] : memref<128x128xf32, #tpu.memory_space<vmem>> -> memref<80x128xf32, #tpu.memory_space<vmem>>
      %dma_wait3A_63 = arith.constant 0 : i32
      %dma_wait3A_64 = tpu.memref_slice %arg9[%add3A_24, %dma_wait3A_63] : memref<10240x128xf32, #tpu.memory_space<vmem_shared>> -> memref<80x128xf32, #tpu.memory_space<vmem_shared>>
      %dma_wait3A_65 = arith.constant 0 : i32
      %dma_wait3A_66 = tpu.memref_slice %arg9[%add3A_24, %dma_wait3A_65] : memref<10240x128xf32, #tpu.memory_space<vmem_shared>> -> memref<80x128xf32, #tpu.memory_space<vmem_shared>>
      %dma_wait3A_67 = arith.constant 0 : i32
      %dma_wait3A_68 = arith.constant 0 : i32
      %dma_wait3A_69 = tpu.memref_slice %arg8[%dma_wait3A_67, %dma_wait3A_68] : memref<128x128xf32, #tpu.memory_space<vmem>> -> memref<80x128xf32, #tpu.memory_space<vmem>>
      tpu.wait_dma2 semaphore(%run_scoped3A : memref<!tpu.dma_semaphore, #tpu.memory_space<semaphore_mem>>) src(%dma_wait3A_69 : memref<80x128xf32, #tpu.memory_space<vmem>>) dst(%dma_wait3A_66 : memref<80x128xf32, #tpu.memory_space<vmem_shared>>)
      tpu.yield
    }) : () -> ()
    %mul3A_25 = arith.constant 640 : i32
    %mul3A_26 = arith.muli %arg1, %mul3A_25 : i32
    %add3A_27 = arith.constant 400 : i32
    %add3A_28 = arith.addi %mul3A_26, %add3A_27 : i32
    "tpu.region"() ({
      %run_scoped3A = tpu.sem_alloc : memref<!tpu.dma_semaphore, #tpu.memory_space<semaphore_mem>>
      %dma_start3A_51 = arith.constant 0 : i32
      %dma_start3A_52 = arith.constant 0 : i32
      %dma_start3A_53 = tpu.memref_slice %arg8[%dma_start3A_51, %dma_start3A_52] : memref<128x128xf32, #tpu.memory_space<vmem>> -> memref<80x128xf32, #tpu.memory_space<vmem>>
      %dma_start3A_54 = arith.constant 0 : i32
      %dma_start3A_55 = tpu.memref_slice %arg9[%add3A_28, %dma_start3A_54] : memref<10240x128xf32, #tpu.memory_space<vmem_shared>> -> memref<80x128xf32, #tpu.memory_space<vmem_shared>>
      %dma_start3A_56 = arith.constant 0 : i32
      %dma_start3A_57 = tpu.memref_slice %arg9[%add3A_28, %dma_start3A_56] : memref<10240x128xf32, #tpu.memory_space<vmem_shared>> -> memref<80x128xf32, #tpu.memory_space<vmem_shared>>
      %dma_start3A_58 = arith.constant 0 : i32
      %dma_start3A_59 = arith.constant 0 : i32
      %dma_start3A_60 = tpu.memref_slice %arg8[%dma_start3A_58, %dma_start3A_59] : memref<128x128xf32, #tpu.memory_space<vmem>> -> memref<80x128xf32, #tpu.memory_space<vmem>>
      tpu.enqueue_dma source(%dma_start3A_60 : memref<80x128xf32, #tpu.memory_space<vmem>>) target(%dma_start3A_57 : memref<80x128xf32, #tpu.memory_space<vmem_shared>>) target_semaphore(%run_scoped3A : memref<!tpu.dma_semaphore, #tpu.memory_space<semaphore_mem>>)
      %dma_wait3A = arith.constant 0 : i32
      %dma_wait3A_61 = arith.constant 0 : i32
      %dma_wait3A_62 = tpu.memref_slice %arg8[%dma_wait3A, %dma_wait3A_61] : memref<128x128xf32, #tpu.memory_space<vmem>> -> memref<80x128xf32, #tpu.memory_space<vmem>>
      %dma_wait3A_63 = arith.constant 0 : i32
      %dma_wait3A_64 = tpu.memref_slice %arg9[%add3A_28, %dma_wait3A_63] : memref<10240x128xf32, #tpu.memory_space<vmem_shared>> -> memref<80x128xf32, #tpu.memory_space<vmem_shared>>
      %dma_wait3A_65 = arith.constant 0 : i32
      %dma_wait3A_66 = tpu.memref_slice %arg9[%add3A_28, %dma_wait3A_65] : memref<10240x128xf32, #tpu.memory_space<vmem_shared>> -> memref<80x128xf32, #tpu.memory_space<vmem_shared>>
      %dma_wait3A_67 = arith.constant 0 : i32
      %dma_wait3A_68 = arith.constant 0 : i32
      %dma_wait3A_69 = tpu.memref_slice %arg8[%dma_wait3A_67, %dma_wait3A_68] : memref<128x128xf32, #tpu.memory_space<vmem>> -> memref<80x128xf32, #tpu.memory_space<vmem>>
      tpu.wait_dma2 semaphore(%run_scoped3A : memref<!tpu.dma_semaphore, #tpu.memory_space<semaphore_mem>>) src(%dma_wait3A_69 : memref<80x128xf32, #tpu.memory_space<vmem>>) dst(%dma_wait3A_66 : memref<80x128xf32, #tpu.memory_space<vmem_shared>>)
      tpu.yield
    }) : () -> ()
    %mul3A_29 = arith.constant 640 : i32
    %mul3A_30 = arith.muli %arg1, %mul3A_29 : i32
    %add3A_31 = arith.constant 480 : i32
    %add3A_32 = arith.addi %mul3A_30, %add3A_31 : i32
    "tpu.region"() ({
      %run_scoped3A = tpu.sem_alloc : memref<!tpu.dma_semaphore, #tpu.memory_space<semaphore_mem>>
      %dma_start3A_51 = arith.constant 0 : i32
      %dma_start3A_52 = arith.constant 0 : i32
      %dma_start3A_53 = tpu.memref_slice %arg8[%dma_start3A_51, %dma_start3A_52] : memref<128x128xf32, #tpu.memory_space<vmem>> -> memref<80x128xf32, #tpu.memory_space<vmem>>
      %dma_start3A_54 = arith.constant 0 : i32
      %dma_start3A_55 = tpu.memref_slice %arg9[%add3A_32, %dma_start3A_54] : memref<10240x128xf32, #tpu.memory_space<vmem_shared>> -> memref<80x128xf32, #tpu.memory_space<vmem_shared>>
      %dma_start3A_56 = arith.constant 0 : i32
      %dma_start3A_57 = tpu.memref_slice %arg9[%add3A_32, %dma_start3A_56] : memref<10240x128xf32, #tpu.memory_space<vmem_shared>> -> memref<80x128xf32, #tpu.memory_space<vmem_shared>>
      %dma_start3A_58 = arith.constant 0 : i32
      %dma_start3A_59 = arith.constant 0 : i32
      %dma_start3A_60 = tpu.memref_slice %arg8[%dma_start3A_58, %dma_start3A_59] : memref<128x128xf32, #tpu.memory_space<vmem>> -> memref<80x128xf32, #tpu.memory_space<vmem>>
      tpu.enqueue_dma source(%dma_start3A_60 : memref<80x128xf32, #tpu.memory_space<vmem>>) target(%dma_start3A_57 : memref<80x128xf32, #tpu.memory_space<vmem_shared>>) target_semaphore(%run_scoped3A : memref<!tpu.dma_semaphore, #tpu.memory_space<semaphore_mem>>)
      %dma_wait3A = arith.constant 0 : i32
      %dma_wait3A_61 = arith.constant 0 : i32
      %dma_wait3A_62 = tpu.memref_slice %arg8[%dma_wait3A, %dma_wait3A_61] : memref<128x128xf32, #tpu.memory_space<vmem>> -> memref<80x128xf32, #tpu.memory_space<vmem>>
      %dma_wait3A_63 = arith.constant 0 : i32
      %dma_wait3A_64 = tpu.memref_slice %arg9[%add3A_32, %dma_wait3A_63] : memref<10240x128xf32, #tpu.memory_space<vmem_shared>> -> memref<80x128xf32, #tpu.memory_space<vmem_shared>>
      %dma_wait3A_65 = arith.constant 0 : i32
      %dma_wait3A_66 = tpu.memref_slice %arg9[%add3A_32, %dma_wait3A_65] : memref<10240x128xf32, #tpu.memory_space<vmem_shared>> -> memref<80x128xf32, #tpu.memory_space<vmem_shared>>
      %dma_wait3A_67 = arith.constant 0 : i32
      %dma_wait3A_68 = arith.constant 0 : i32
      %dma_wait3A_69 = tpu.memref_slice %arg8[%dma_wait3A_67, %dma_wait3A_68] : memref<128x128xf32, #tpu.memory_space<vmem>> -> memref<80x128xf32, #tpu.memory_space<vmem>>
      tpu.wait_dma2 semaphore(%run_scoped3A : memref<!tpu.dma_semaphore, #tpu.memory_space<semaphore_mem>>) src(%dma_wait3A_69 : memref<80x128xf32, #tpu.memory_space<vmem>>) dst(%dma_wait3A_66 : memref<80x128xf32, #tpu.memory_space<vmem_shared>>)
      tpu.yield
    }) : () -> ()
    %mul3A_33 = arith.constant 640 : i32
    %mul3A_34 = arith.muli %arg1, %mul3A_33 : i32
    %add3A_35 = arith.constant 560 : i32
    %add3A_36 = arith.addi %mul3A_34, %add3A_35 : i32
    "tpu.region"() ({
      %run_scoped3A = tpu.sem_alloc : memref<!tpu.dma_semaphore, #tpu.memory_space<semaphore_mem>>
      %dma_start3A_51 = arith.constant 0 : i32
      %dma_start3A_52 = arith.constant 0 : i32
      %dma_start3A_53 = tpu.memref_slice %arg8[%dma_start3A_51, %dma_start3A_52] : memref<128x128xf32, #tpu.memory_space<vmem>> -> memref<80x128xf32, #tpu.memory_space<vmem>>
      %dma_start3A_54 = arith.constant 0 : i32
      %dma_start3A_55 = tpu.memref_slice %arg9[%add3A_36, %dma_start3A_54] : memref<10240x128xf32, #tpu.memory_space<vmem_shared>> -> memref<80x128xf32, #tpu.memory_space<vmem_shared>>
      %dma_start3A_56 = arith.constant 0 : i32
      %dma_start3A_57 = tpu.memref_slice %arg9[%add3A_36, %dma_start3A_56] : memref<10240x128xf32, #tpu.memory_space<vmem_shared>> -> memref<80x128xf32, #tpu.memory_space<vmem_shared>>
      %dma_start3A_58 = arith.constant 0 : i32
      %dma_start3A_59 = arith.constant 0 : i32
      %dma_start3A_60 = tpu.memref_slice %arg8[%dma_start3A_58, %dma_start3A_59] : memref<128x128xf32, #tpu.memory_space<vmem>> -> memref<80x128xf32, #tpu.memory_space<vmem>>
      tpu.enqueue_dma source(%dma_start3A_60 : memref<80x128xf32, #tpu.memory_space<vmem>>) target(%dma_start3A_57 : memref<80x128xf32, #tpu.memory_space<vmem_shared>>) target_semaphore(%run_scoped3A : memref<!tpu.dma_semaphore, #tpu.memory_space<semaphore_mem>>)
      %dma_wait3A = arith.constant 0 : i32
      %dma_wait3A_61 = arith.constant 0 : i32
      %dma_wait3A_62 = tpu.memref_slice %arg8[%dma_wait3A, %dma_wait3A_61] : memref<128x128xf32, #tpu.memory_space<vmem>> -> memref<80x128xf32, #tpu.memory_space<vmem>>
      %dma_wait3A_63 = arith.constant 0 : i32
      %dma_wait3A_64 = tpu.memref_slice %arg9[%add3A_36, %dma_wait3A_63] : memref<10240x128xf32, #tpu.memory_space<vmem_shared>> -> memref<80x128xf32, #tpu.memory_space<vmem_shared>>
      %dma_wait3A_65 = arith.constant 0 : i32
      %dma_wait3A_66 = tpu.memref_slice %arg9[%add3A_36, %dma_wait3A_65] : memref<10240x128xf32, #tpu.memory_space<vmem_shared>> -> memref<80x128xf32, #tpu.memory_space<vmem_shared>>
      %dma_wait3A_67 = arith.constant 0 : i32
      %dma_wait3A_68 = arith.constant 0 : i32
      %dma_wait3A_69 = tpu.memref_slice %arg8[%dma_wait3A_67, %dma_wait3A_68] : memref<128x128xf32, #tpu.memory_space<vmem>> -> memref<80x128xf32, #tpu.memory_space<vmem>>
      tpu.wait_dma2 semaphore(%run_scoped3A : memref<!tpu.dma_semaphore, #tpu.memory_space<semaphore_mem>>) src(%dma_wait3A_69 : memref<80x128xf32, #tpu.memory_space<vmem>>) dst(%dma_wait3A_66 : memref<80x128xf32, #tpu.memory_space<vmem_shared>>)
      tpu.yield
    }) : () -> ()
    "tpu.region"() ({
      %run_scoped3A = tpu.sem_alloc : memref<!tpu.dma_semaphore, #tpu.memory_space<semaphore_mem>>
      tpu.enqueue_dma source(%arg4 : memref<128x128xf32, #tpu.memory_space<hbm>>) target(%arg8 : memref<128x128xf32, #tpu.memory_space<vmem>>) target_semaphore(%run_scoped3A : memref<!tpu.dma_semaphore, #tpu.memory_space<semaphore_mem>>)
      tpu.wait_dma2 semaphore(%run_scoped3A : memref<!tpu.dma_semaphore, #tpu.memory_space<semaphore_mem>>) src(%arg4 : memref<128x128xf32, #tpu.memory_space<hbm>>) dst(%arg8 : memref<128x128xf32, #tpu.memory_space<vmem>>)
      tpu.yield
    }) : () -> ()
    %barrier3A = arith.constant 0 : index
    tpu.barrier barrier_id(%barrier3A)
    %add3A_37 = arith.constant 0 : i32
    %add3A_38 = arith.addi %mul3A_4, %add3A_37 : i32
    "tpu.region"() ({
      %run_scoped3A = tpu.sem_alloc : memref<!tpu.dma_semaphore, #tpu.memory_space<semaphore_mem>>
      %dma_start3A_51 = tpu.memref_slice %arg2[%add3A_38] : memref<327680xi32, #tpu.memory_space<hbm>> -> memref<128xi32, #tpu.memory_space<hbm>>
      %dma_start3A_52 = tpu.memref_slice %arg2[%add3A_38] : memref<327680xi32, #tpu.memory_space<hbm>> -> memref<128xi32, #tpu.memory_space<hbm>>
      tpu.enqueue_dma source(%dma_start3A_52 : memref<128xi32, #tpu.memory_space<hbm>>) target(%arg6 : memref<128xi32, #tpu.memory_space<vmem>>) target_semaphore(%run_scoped3A : memref<!tpu.dma_semaphore, #tpu.memory_space<semaphore_mem>>)
      %dma_wait3A = tpu.memref_slice %arg2[%add3A_38] : memref<327680xi32, #tpu.memory_space<hbm>> -> memref<128xi32, #tpu.memory_space<hbm>>
      %dma_wait3A_53 = tpu.memref_slice %arg2[%add3A_38] : memref<327680xi32, #tpu.memory_space<hbm>> -> memref<128xi32, #tpu.memory_space<hbm>>
      tpu.wait_dma2 semaphore(%run_scoped3A : memref<!tpu.dma_semaphore, #tpu.memory_space<semaphore_mem>>) src(%dma_wait3A_53 : memref<128xi32, #tpu.memory_space<hbm>>) dst(%arg6 : memref<128xi32, #tpu.memory_space<vmem>>)
      tpu.yield
    }) : () -> ()
    %dma_start3A = arith.constant 0 : i32
    %dma_start3A_39 = arith.constant 0 : i32
    %dma_start3A_40 = tpu.memref_slice %arg9[%dma_start3A, %dma_start3A_39] : memref<10240x128xf32, #tpu.memory_space<vmem_shared>> -> memref<10240x128xf32, #tpu.memory_space<vmem_shared>>
    tpu.enqueue_indirect_dma source(%arg8 : memref<128x128xf32, #tpu.memory_space<vmem>>) target(%dma_start3A_40 : memref<10240x128xf32, #tpu.memory_space<vmem_shared>>) offsets(%arg6 : memref<128xi32, #tpu.memory_space<vmem>>) semaphore(%arg10 : memref<!tpu.dma_semaphore, #tpu.memory_space<semaphore_mem>>) {add = true}
    %scan3A = arith.constant 0 : i32
    %scan3A_41 = arith.constant 0 : i32
    %scan3A_42 = arith.constant 40 : i32
    %scan3A_43 = arith.addi %scan3A_41, %scan3A_42 : i32
    %scan3A_44 = arith.constant 1 : i32
    scf.for %scan3A_51 = %scan3A_41 to %scan3A_43 step %scan3A_44  : i32 {
      %mul3A_52 = arith.constant 2 : i32
      %mul3A_53 = arith.muli %mul3A_52, %scan3A_51 : i32
      %add3A_54 = arith.constant 1 : i32
      %add3A_55 = arith.addi %mul3A_53, %add3A_54 : i32
      %mul3A_56 = arith.constant 128 : i32
      %mul3A_57 = arith.muli %add3A_55, %mul3A_56 : i32
      %add3A_58 = arith.addi %mul3A_4, %mul3A_57 : i32
      "tpu.region"() ({
        %run_scoped3A = tpu.sem_alloc : memref<!tpu.dma_semaphore, #tpu.memory_space<semaphore_mem>>
        %dma_start3A_71 = tpu.memref_slice %arg2[%add3A_58] : memref<327680xi32, #tpu.memory_space<hbm>> -> memref<128xi32, #tpu.memory_space<hbm>>
        %dma_start3A_72 = tpu.memref_slice %arg2[%add3A_58] : memref<327680xi32, #tpu.memory_space<hbm>> -> memref<128xi32, #tpu.memory_space<hbm>>
        tpu.enqueue_dma source(%dma_start3A_72 : memref<128xi32, #tpu.memory_space<hbm>>) target(%arg7 : memref<128xi32, #tpu.memory_space<vmem>>) target_semaphore(%run_scoped3A : memref<!tpu.dma_semaphore, #tpu.memory_space<semaphore_mem>>)
        %dma_wait3A_73 = tpu.memref_slice %arg2[%add3A_58] : memref<327680xi32, #tpu.memory_space<hbm>> -> memref<128xi32, #tpu.memory_space<hbm>>
        %dma_wait3A_74 = tpu.memref_slice %arg2[%add3A_58] : memref<327680xi32, #tpu.memory_space<hbm>> -> memref<128xi32, #tpu.memory_space<hbm>>
        tpu.wait_dma2 semaphore(%run_scoped3A : memref<!tpu.dma_semaphore, #tpu.memory_space<semaphore_mem>>) src(%dma_wait3A_74 : memref<128xi32, #tpu.memory_space<hbm>>) dst(%arg7 : memref<128xi32, #tpu.memory_space<vmem>>)
        tpu.yield
      }) : () -> ()
      %dma_start3A_59 = arith.constant 0 : i32
      %dma_start3A_60 = arith.constant 0 : i32
      %dma_start3A_61 = tpu.memref_slice %arg9[%dma_start3A_59, %dma_start3A_60] : memref<10240x128xf32, #tpu.memory_space<vmem_shared>> -> memref<10240x128xf32, #tpu.memory_space<vmem_shared>>
      tpu.enqueue_indirect_dma source(%arg8 : memref<128x128xf32, #tpu.memory_space<vmem>>) target(%dma_start3A_61 : memref<10240x128xf32, #tpu.memory_space<vmem_shared>>) offsets(%arg7 : memref<128xi32, #tpu.memory_space<vmem>>) semaphore(%arg11 : memref<!tpu.dma_semaphore, #tpu.memory_space<semaphore_mem>>) {add = true}
      %dma_wait3A = arith.constant 0 : i32
      %dma_wait3A_62 = arith.constant 0 : i32
      %dma_wait3A_63 = tpu.memref_slice %arg9[%dma_wait3A, %dma_wait3A_62] : memref<10240x128xf32, #tpu.memory_space<vmem_shared>> -> memref<10240x128xf32, #tpu.memory_space<vmem_shared>>
      tpu.wait_indirect_dma semaphore(%arg10 : memref<!tpu.dma_semaphore, #tpu.memory_space<semaphore_mem>>) src(%arg8 : memref<128x128xf32, #tpu.memory_space<vmem>>) dst(%dma_wait3A_63 : memref<10240x128xf32, #tpu.memory_space<vmem_shared>>)
      %add3A_64 = arith.constant 2 : i32
      %add3A_65 = arith.addi %mul3A_53, %add3A_64 : i32
      %lt3A = arith.constant 80 : i32
      %lt3A_66 = arith.cmpi slt, %add3A_65, %lt3A : i32
      %convert_element_type3A = arith.extui %lt3A_66 : i1 to i32
      %cond3A = arith.constant 0 : i32
      %cond3A_67 = arith.cmpi ne, %convert_element_type3A, %cond3A : i32
      scf.if %cond3A_67 {
        %add3A_71 = arith.constant 2 : i32
        %add3A_72 = arith.addi %mul3A_53, %add3A_71 : i32
        %mul3A_73 = arith.constant 128 : i32
        %mul3A_74 = arith.muli %add3A_72, %mul3A_73 : i32
        %add3A_75 = arith.addi %mul3A_4, %mul3A_74 : i32
        "tpu.region"() ({
          %run_scoped3A = tpu.sem_alloc : memref<!tpu.dma_semaphore, #tpu.memory_space<semaphore_mem>>
          %dma_start3A_79 = tpu.memref_slice %arg2[%add3A_75] : memref<327680xi32, #tpu.memory_space<hbm>> -> memref<128xi32, #tpu.memory_space<hbm>>
          %dma_start3A_80 = tpu.memref_slice %arg2[%add3A_75] : memref<327680xi32, #tpu.memory_space<hbm>> -> memref<128xi32, #tpu.memory_space<hbm>>
          tpu.enqueue_dma source(%dma_start3A_80 : memref<128xi32, #tpu.memory_space<hbm>>) target(%arg6 : memref<128xi32, #tpu.memory_space<vmem>>) target_semaphore(%run_scoped3A : memref<!tpu.dma_semaphore, #tpu.memory_space<semaphore_mem>>)
          %dma_wait3A_81 = tpu.memref_slice %arg2[%add3A_75] : memref<327680xi32, #tpu.memory_space<hbm>> -> memref<128xi32, #tpu.memory_space<hbm>>
          %dma_wait3A_82 = tpu.memref_slice %arg2[%add3A_75] : memref<327680xi32, #tpu.memory_space<hbm>> -> memref<128xi32, #tpu.memory_space<hbm>>
          tpu.wait_dma2 semaphore(%run_scoped3A : memref<!tpu.dma_semaphore, #tpu.memory_space<semaphore_mem>>) src(%dma_wait3A_82 : memref<128xi32, #tpu.memory_space<hbm>>) dst(%arg6 : memref<128xi32, #tpu.memory_space<vmem>>)
          tpu.yield
        }) : () -> ()
        %dma_start3A_76 = arith.constant 0 : i32
        %dma_start3A_77 = arith.constant 0 : i32
        %dma_start3A_78 = tpu.memref_slice %arg9[%dma_start3A_76, %dma_start3A_77] : memref<10240x128xf32, #tpu.memory_space<vmem_shared>> -> memref<10240x128xf32, #tpu.memory_space<vmem_shared>>
        tpu.enqueue_indirect_dma source(%arg8 : memref<128x128xf32, #tpu.memory_space<vmem>>) target(%dma_start3A_78 : memref<10240x128xf32, #tpu.memory_space<vmem_shared>>) offsets(%arg6 : memref<128xi32, #tpu.memory_space<vmem>>) semaphore(%arg10 : memref<!tpu.dma_semaphore, #tpu.memory_space<semaphore_mem>>) {add = true}
      } else {
      }
      %dma_wait3A_68 = arith.constant 0 : i32
      %dma_wait3A_69 = arith.constant 0 : i32
      %dma_wait3A_70 = tpu.memref_slice %arg9[%dma_wait3A_68, %dma_wait3A_69] : memref<10240x128xf32, #tpu.memory_space<vmem_shared>> -> memref<10240x128xf32, #tpu.memory_space<vmem_shared>>
      tpu.wait_indirect_dma semaphore(%arg11 : memref<!tpu.dma_semaphore, #tpu.memory_space<semaphore_mem>>) src(%arg8 : memref<128x128xf32, #tpu.memory_space<vmem>>) dst(%dma_wait3A_70 : memref<10240x128xf32, #tpu.memory_space<vmem_shared>>)
    }
    %scan3A_45 = arith.constant 40 : i32
    %barrier3A_46 = arith.constant 0 : index
    tpu.barrier barrier_id(%barrier3A_46)
    %mul3A_47 = arith.constant 640 : i32
    %mul3A_48 = arith.muli %arg1, %mul3A_47 : i32
    %mul3A_49 = arith.constant 640 : i32
    %mul3A_50 = arith.muli %arg1, %mul3A_49 : i32
    "tpu.region"() ({
      %run_scoped3A = tpu.sem_alloc : memref<!tpu.dma_semaphore, #tpu.memory_space<semaphore_mem>>
      %dma_start3A_51 = arith.constant 0 : i32
      %dma_start3A_52 = tpu.memref_slice %arg5[%arg0, %mul3A_50, %dma_start3A_51] : memref<2x10240x128xf32, #tpu.memory_space<hbm>> -> memref<1x640x128xf32, #tpu.memory_space<hbm>>
      %dma_start3A_53 = tpu.memref_squeeze %dma_start3A_52 : memref<1x640x128xf32, #tpu.memory_space<hbm>> -> memref<640x128xf32, #tpu.memory_space<hbm>>
      %dma_start3A_54 = arith.constant 0 : i32
      %dma_start3A_55 = tpu.memref_slice %arg9[%mul3A_48, %dma_start3A_54] : memref<10240x128xf32, #tpu.memory_space<vmem_shared>> -> memref<640x128xf32, #tpu.memory_space<vmem_shared>>
      tpu.enqueue_dma source(%dma_start3A_55 : memref<640x128xf32, #tpu.memory_space<vmem_shared>>) target(%dma_start3A_53 : memref<640x128xf32, #tpu.memory_space<hbm>>) target_semaphore(%run_scoped3A : memref<!tpu.dma_semaphore, #tpu.memory_space<semaphore_mem>>)
      %dma_wait3A = arith.constant 0 : i32
      %dma_wait3A_56 = tpu.memref_slice %arg5[%arg0, %mul3A_50, %dma_wait3A] : memref<2x10240x128xf32, #tpu.memory_space<hbm>> -> memref<1x640x128xf32, #tpu.memory_space<hbm>>
      %dma_wait3A_57 = tpu.memref_squeeze %dma_wait3A_56 : memref<1x640x128xf32, #tpu.memory_space<hbm>> -> memref<640x128xf32, #tpu.memory_space<hbm>>
      %dma_wait3A_58 = arith.constant 0 : i32
      %dma_wait3A_59 = tpu.memref_slice %arg9[%mul3A_48, %dma_wait3A_58] : memref<10240x128xf32, #tpu.memory_space<vmem_shared>> -> memref<640x128xf32, #tpu.memory_space<vmem_shared>>
      tpu.wait_dma2 semaphore(%run_scoped3A : memref<!tpu.dma_semaphore, #tpu.memory_space<semaphore_mem>>) src(%dma_wait3A_59 : memref<640x128xf32, #tpu.memory_space<vmem_shared>>) dst(%dma_wait3A_57 : memref<640x128xf32, #tpu.memory_space<hbm>>)
      tpu.yield
    }) : () -> ()
    return
  }
}

#map = affine_map<(d0, d1) -> (0, 0)>
#map1 = affine_map<(d0, d1) -> (0)>
#map2 = affine_map<(d0, d1) -> (0, 0, 0)>
module attributes {stable_mosaic.version = 14 : i64} {
  func.func @_sc_agg_body(%arg0: i32, %arg1: i32, %arg2: memref<10000x128xf32, #tpu.memory_space<hbm>>, %arg3: memref<327680xi32, #tpu.memory_space<hbm>>, %arg4: memref<327680xi32, #tpu.memory_space<hbm>>, %arg5: memref<80x128xf32, #tpu.memory_space<hbm>>, %arg6: memref<2x10240x128xf32, #tpu.memory_space<hbm>>, %arg7: memref<128xi32, #tpu.memory_space<vmem>>, %arg8: memref<128xi32, #tpu.memory_space<vmem>>, %arg9: memref<128x128xf32, #tpu.memory_space<vmem>>, %arg10: memref<128xi32, #tpu.memory_space<vmem>>, %arg11: memref<128xi32, #tpu.memory_space<vmem>>, %arg12: memref<128x128xf32, #tpu.memory_space<vmem>>, %arg13: memref<80x128xf32, #tpu.memory_space<vmem>>, %arg14: memref<10240x128xf32, #tpu.memory_space<vmem_shared>>, %arg15: memref<!tpu.dma_semaphore, #tpu.memory_space<semaphore_mem>>, %arg16: memref<!tpu.dma_semaphore, #tpu.memory_space<semaphore_mem>>, %arg17: memref<!tpu.dma_semaphore, #tpu.memory_space<semaphore_mem>>, %arg18: memref<!tpu.dma_semaphore, #tpu.memory_space<semaphore_mem>>) attributes {dimension_semantics = [#tpu.dimension_semantics<core_parallel>, #tpu.dimension_semantics<subcore_parallel>], iteration_bounds = array<i64: 2, 16>, scalar_prefetch = 0 : i64, scratch_operands = 12 : i64, tpu.core_type = #tpu.core_type<sc_vector_subcore>, window_params = [{transform_indices = #map}, {transform_indices = #map1}, {transform_indices = #map1}, {transform_indices = #map}, {transform_indices = #map2}]} {
    %mul3A = arith.constant 16 : i32
    %mul3A_0 = arith.muli %arg0, %mul3A : i32
    %add3A = arith.addi %mul3A_0, %arg1 : i32
    %mul3A_1 = arith.constant 80 : i32
    %mul3A_2 = arith.muli %add3A, %mul3A_1 : i32
    %mul3A_3 = arith.constant 128 : i32
    %mul3A_4 = arith.muli %mul3A_2, %mul3A_3 : i32
    "tpu.region"() ({
      %run_scoped3A = tpu.sem_alloc : memref<!tpu.dma_semaphore, #tpu.memory_space<semaphore_mem>>
      tpu.enqueue_dma source(%arg5 : memref<80x128xf32, #tpu.memory_space<hbm>>) target(%arg13 : memref<80x128xf32, #tpu.memory_space<vmem>>) target_semaphore(%run_scoped3A : memref<!tpu.dma_semaphore, #tpu.memory_space<semaphore_mem>>)
      tpu.wait_dma2 semaphore(%run_scoped3A : memref<!tpu.dma_semaphore, #tpu.memory_space<semaphore_mem>>) src(%arg5 : memref<80x128xf32, #tpu.memory_space<hbm>>) dst(%arg13 : memref<80x128xf32, #tpu.memory_space<vmem>>)
      tpu.yield
    }) : () -> ()
    %mul3A_5 = arith.constant 640 : i32
    %mul3A_6 = arith.muli %arg1, %mul3A_5 : i32
    %add3A_7 = arith.constant 0 : i32
    %add3A_8 = arith.addi %mul3A_6, %add3A_7 : i32
    "tpu.region"() ({
      %run_scoped3A = tpu.sem_alloc : memref<!tpu.dma_semaphore, #tpu.memory_space<semaphore_mem>>
      %dma_start3A_65 = arith.constant 0 : i32
      %dma_start3A_66 = tpu.memref_slice %arg14[%add3A_8, %dma_start3A_65] : memref<10240x128xf32, #tpu.memory_space<vmem_shared>> -> memref<80x128xf32, #tpu.memory_space<vmem_shared>>
      %dma_start3A_67 = arith.constant 0 : i32
      %dma_start3A_68 = tpu.memref_slice %arg14[%add3A_8, %dma_start3A_67] : memref<10240x128xf32, #tpu.memory_space<vmem_shared>> -> memref<80x128xf32, #tpu.memory_space<vmem_shared>>
      tpu.enqueue_dma source(%arg13 : memref<80x128xf32, #tpu.memory_space<vmem>>) target(%dma_start3A_68 : memref<80x128xf32, #tpu.memory_space<vmem_shared>>) target_semaphore(%run_scoped3A : memref<!tpu.dma_semaphore, #tpu.memory_space<semaphore_mem>>)
      %dma_wait3A_69 = arith.constant 0 : i32
      %dma_wait3A_70 = tpu.memref_slice %arg14[%add3A_8, %dma_wait3A_69] : memref<10240x128xf32, #tpu.memory_space<vmem_shared>> -> memref<80x128xf32, #tpu.memory_space<vmem_shared>>
      %dma_wait3A_71 = arith.constant 0 : i32
      %dma_wait3A_72 = tpu.memref_slice %arg14[%add3A_8, %dma_wait3A_71] : memref<10240x128xf32, #tpu.memory_space<vmem_shared>> -> memref<80x128xf32, #tpu.memory_space<vmem_shared>>
      tpu.wait_dma2 semaphore(%run_scoped3A : memref<!tpu.dma_semaphore, #tpu.memory_space<semaphore_mem>>) src(%arg13 : memref<80x128xf32, #tpu.memory_space<vmem>>) dst(%dma_wait3A_72 : memref<80x128xf32, #tpu.memory_space<vmem_shared>>)
      tpu.yield
    }) : () -> ()
    %mul3A_9 = arith.constant 640 : i32
    %mul3A_10 = arith.muli %arg1, %mul3A_9 : i32
    %add3A_11 = arith.constant 80 : i32
    %add3A_12 = arith.addi %mul3A_10, %add3A_11 : i32
    "tpu.region"() ({
      %run_scoped3A = tpu.sem_alloc : memref<!tpu.dma_semaphore, #tpu.memory_space<semaphore_mem>>
      %dma_start3A_65 = arith.constant 0 : i32
      %dma_start3A_66 = tpu.memref_slice %arg14[%add3A_12, %dma_start3A_65] : memref<10240x128xf32, #tpu.memory_space<vmem_shared>> -> memref<80x128xf32, #tpu.memory_space<vmem_shared>>
      %dma_start3A_67 = arith.constant 0 : i32
      %dma_start3A_68 = tpu.memref_slice %arg14[%add3A_12, %dma_start3A_67] : memref<10240x128xf32, #tpu.memory_space<vmem_shared>> -> memref<80x128xf32, #tpu.memory_space<vmem_shared>>
      tpu.enqueue_dma source(%arg13 : memref<80x128xf32, #tpu.memory_space<vmem>>) target(%dma_start3A_68 : memref<80x128xf32, #tpu.memory_space<vmem_shared>>) target_semaphore(%run_scoped3A : memref<!tpu.dma_semaphore, #tpu.memory_space<semaphore_mem>>)
      %dma_wait3A_69 = arith.constant 0 : i32
      %dma_wait3A_70 = tpu.memref_slice %arg14[%add3A_12, %dma_wait3A_69] : memref<10240x128xf32, #tpu.memory_space<vmem_shared>> -> memref<80x128xf32, #tpu.memory_space<vmem_shared>>
      %dma_wait3A_71 = arith.constant 0 : i32
      %dma_wait3A_72 = tpu.memref_slice %arg14[%add3A_12, %dma_wait3A_71] : memref<10240x128xf32, #tpu.memory_space<vmem_shared>> -> memref<80x128xf32, #tpu.memory_space<vmem_shared>>
      tpu.wait_dma2 semaphore(%run_scoped3A : memref<!tpu.dma_semaphore, #tpu.memory_space<semaphore_mem>>) src(%arg13 : memref<80x128xf32, #tpu.memory_space<vmem>>) dst(%dma_wait3A_72 : memref<80x128xf32, #tpu.memory_space<vmem_shared>>)
      tpu.yield
    }) : () -> ()
    %mul3A_13 = arith.constant 640 : i32
    %mul3A_14 = arith.muli %arg1, %mul3A_13 : i32
    %add3A_15 = arith.constant 160 : i32
    %add3A_16 = arith.addi %mul3A_14, %add3A_15 : i32
    "tpu.region"() ({
      %run_scoped3A = tpu.sem_alloc : memref<!tpu.dma_semaphore, #tpu.memory_space<semaphore_mem>>
      %dma_start3A_65 = arith.constant 0 : i32
      %dma_start3A_66 = tpu.memref_slice %arg14[%add3A_16, %dma_start3A_65] : memref<10240x128xf32, #tpu.memory_space<vmem_shared>> -> memref<80x128xf32, #tpu.memory_space<vmem_shared>>
      %dma_start3A_67 = arith.constant 0 : i32
      %dma_start3A_68 = tpu.memref_slice %arg14[%add3A_16, %dma_start3A_67] : memref<10240x128xf32, #tpu.memory_space<vmem_shared>> -> memref<80x128xf32, #tpu.memory_space<vmem_shared>>
      tpu.enqueue_dma source(%arg13 : memref<80x128xf32, #tpu.memory_space<vmem>>) target(%dma_start3A_68 : memref<80x128xf32, #tpu.memory_space<vmem_shared>>) target_semaphore(%run_scoped3A : memref<!tpu.dma_semaphore, #tpu.memory_space<semaphore_mem>>)
      %dma_wait3A_69 = arith.constant 0 : i32
      %dma_wait3A_70 = tpu.memref_slice %arg14[%add3A_16, %dma_wait3A_69] : memref<10240x128xf32, #tpu.memory_space<vmem_shared>> -> memref<80x128xf32, #tpu.memory_space<vmem_shared>>
      %dma_wait3A_71 = arith.constant 0 : i32
      %dma_wait3A_72 = tpu.memref_slice %arg14[%add3A_16, %dma_wait3A_71] : memref<10240x128xf32, #tpu.memory_space<vmem_shared>> -> memref<80x128xf32, #tpu.memory_space<vmem_shared>>
      tpu.wait_dma2 semaphore(%run_scoped3A : memref<!tpu.dma_semaphore, #tpu.memory_space<semaphore_mem>>) src(%arg13 : memref<80x128xf32, #tpu.memory_space<vmem>>) dst(%dma_wait3A_72 : memref<80x128xf32, #tpu.memory_space<vmem_shared>>)
      tpu.yield
    }) : () -> ()
    %mul3A_17 = arith.constant 640 : i32
    %mul3A_18 = arith.muli %arg1, %mul3A_17 : i32
    %add3A_19 = arith.constant 240 : i32
    %add3A_20 = arith.addi %mul3A_18, %add3A_19 : i32
    "tpu.region"() ({
      %run_scoped3A = tpu.sem_alloc : memref<!tpu.dma_semaphore, #tpu.memory_space<semaphore_mem>>
      %dma_start3A_65 = arith.constant 0 : i32
      %dma_start3A_66 = tpu.memref_slice %arg14[%add3A_20, %dma_start3A_65] : memref<10240x128xf32, #tpu.memory_space<vmem_shared>> -> memref<80x128xf32, #tpu.memory_space<vmem_shared>>
      %dma_start3A_67 = arith.constant 0 : i32
      %dma_start3A_68 = tpu.memref_slice %arg14[%add3A_20, %dma_start3A_67] : memref<10240x128xf32, #tpu.memory_space<vmem_shared>> -> memref<80x128xf32, #tpu.memory_space<vmem_shared>>
      tpu.enqueue_dma source(%arg13 : memref<80x128xf32, #tpu.memory_space<vmem>>) target(%dma_start3A_68 : memref<80x128xf32, #tpu.memory_space<vmem_shared>>) target_semaphore(%run_scoped3A : memref<!tpu.dma_semaphore, #tpu.memory_space<semaphore_mem>>)
      %dma_wait3A_69 = arith.constant 0 : i32
      %dma_wait3A_70 = tpu.memref_slice %arg14[%add3A_20, %dma_wait3A_69] : memref<10240x128xf32, #tpu.memory_space<vmem_shared>> -> memref<80x128xf32, #tpu.memory_space<vmem_shared>>
      %dma_wait3A_71 = arith.constant 0 : i32
      %dma_wait3A_72 = tpu.memref_slice %arg14[%add3A_20, %dma_wait3A_71] : memref<10240x128xf32, #tpu.memory_space<vmem_shared>> -> memref<80x128xf32, #tpu.memory_space<vmem_shared>>
      tpu.wait_dma2 semaphore(%run_scoped3A : memref<!tpu.dma_semaphore, #tpu.memory_space<semaphore_mem>>) src(%arg13 : memref<80x128xf32, #tpu.memory_space<vmem>>) dst(%dma_wait3A_72 : memref<80x128xf32, #tpu.memory_space<vmem_shared>>)
      tpu.yield
    }) : () -> ()
    %mul3A_21 = arith.constant 640 : i32
    %mul3A_22 = arith.muli %arg1, %mul3A_21 : i32
    %add3A_23 = arith.constant 320 : i32
    %add3A_24 = arith.addi %mul3A_22, %add3A_23 : i32
    "tpu.region"() ({
      %run_scoped3A = tpu.sem_alloc : memref<!tpu.dma_semaphore, #tpu.memory_space<semaphore_mem>>
      %dma_start3A_65 = arith.constant 0 : i32
      %dma_start3A_66 = tpu.memref_slice %arg14[%add3A_24, %dma_start3A_65] : memref<10240x128xf32, #tpu.memory_space<vmem_shared>> -> memref<80x128xf32, #tpu.memory_space<vmem_shared>>
      %dma_start3A_67 = arith.constant 0 : i32
      %dma_start3A_68 = tpu.memref_slice %arg14[%add3A_24, %dma_start3A_67] : memref<10240x128xf32, #tpu.memory_space<vmem_shared>> -> memref<80x128xf32, #tpu.memory_space<vmem_shared>>
      tpu.enqueue_dma source(%arg13 : memref<80x128xf32, #tpu.memory_space<vmem>>) target(%dma_start3A_68 : memref<80x128xf32, #tpu.memory_space<vmem_shared>>) target_semaphore(%run_scoped3A : memref<!tpu.dma_semaphore, #tpu.memory_space<semaphore_mem>>)
      %dma_wait3A_69 = arith.constant 0 : i32
      %dma_wait3A_70 = tpu.memref_slice %arg14[%add3A_24, %dma_wait3A_69] : memref<10240x128xf32, #tpu.memory_space<vmem_shared>> -> memref<80x128xf32, #tpu.memory_space<vmem_shared>>
      %dma_wait3A_71 = arith.constant 0 : i32
      %dma_wait3A_72 = tpu.memref_slice %arg14[%add3A_24, %dma_wait3A_71] : memref<10240x128xf32, #tpu.memory_space<vmem_shared>> -> memref<80x128xf32, #tpu.memory_space<vmem_shared>>
      tpu.wait_dma2 semaphore(%run_scoped3A : memref<!tpu.dma_semaphore, #tpu.memory_space<semaphore_mem>>) src(%arg13 : memref<80x128xf32, #tpu.memory_space<vmem>>) dst(%dma_wait3A_72 : memref<80x128xf32, #tpu.memory_space<vmem_shared>>)
      tpu.yield
    }) : () -> ()
    %mul3A_25 = arith.constant 640 : i32
    %mul3A_26 = arith.muli %arg1, %mul3A_25 : i32
    %add3A_27 = arith.constant 400 : i32
    %add3A_28 = arith.addi %mul3A_26, %add3A_27 : i32
    "tpu.region"() ({
      %run_scoped3A = tpu.sem_alloc : memref<!tpu.dma_semaphore, #tpu.memory_space<semaphore_mem>>
      %dma_start3A_65 = arith.constant 0 : i32
      %dma_start3A_66 = tpu.memref_slice %arg14[%add3A_28, %dma_start3A_65] : memref<10240x128xf32, #tpu.memory_space<vmem_shared>> -> memref<80x128xf32, #tpu.memory_space<vmem_shared>>
      %dma_start3A_67 = arith.constant 0 : i32
      %dma_start3A_68 = tpu.memref_slice %arg14[%add3A_28, %dma_start3A_67] : memref<10240x128xf32, #tpu.memory_space<vmem_shared>> -> memref<80x128xf32, #tpu.memory_space<vmem_shared>>
      tpu.enqueue_dma source(%arg13 : memref<80x128xf32, #tpu.memory_space<vmem>>) target(%dma_start3A_68 : memref<80x128xf32, #tpu.memory_space<vmem_shared>>) target_semaphore(%run_scoped3A : memref<!tpu.dma_semaphore, #tpu.memory_space<semaphore_mem>>)
      %dma_wait3A_69 = arith.constant 0 : i32
      %dma_wait3A_70 = tpu.memref_slice %arg14[%add3A_28, %dma_wait3A_69] : memref<10240x128xf32, #tpu.memory_space<vmem_shared>> -> memref<80x128xf32, #tpu.memory_space<vmem_shared>>
      %dma_wait3A_71 = arith.constant 0 : i32
      %dma_wait3A_72 = tpu.memref_slice %arg14[%add3A_28, %dma_wait3A_71] : memref<10240x128xf32, #tpu.memory_space<vmem_shared>> -> memref<80x128xf32, #tpu.memory_space<vmem_shared>>
      tpu.wait_dma2 semaphore(%run_scoped3A : memref<!tpu.dma_semaphore, #tpu.memory_space<semaphore_mem>>) src(%arg13 : memref<80x128xf32, #tpu.memory_space<vmem>>) dst(%dma_wait3A_72 : memref<80x128xf32, #tpu.memory_space<vmem_shared>>)
      tpu.yield
    }) : () -> ()
    %mul3A_29 = arith.constant 640 : i32
    %mul3A_30 = arith.muli %arg1, %mul3A_29 : i32
    %add3A_31 = arith.constant 480 : i32
    %add3A_32 = arith.addi %mul3A_30, %add3A_31 : i32
    "tpu.region"() ({
      %run_scoped3A = tpu.sem_alloc : memref<!tpu.dma_semaphore, #tpu.memory_space<semaphore_mem>>
      %dma_start3A_65 = arith.constant 0 : i32
      %dma_start3A_66 = tpu.memref_slice %arg14[%add3A_32, %dma_start3A_65] : memref<10240x128xf32, #tpu.memory_space<vmem_shared>> -> memref<80x128xf32, #tpu.memory_space<vmem_shared>>
      %dma_start3A_67 = arith.constant 0 : i32
      %dma_start3A_68 = tpu.memref_slice %arg14[%add3A_32, %dma_start3A_67] : memref<10240x128xf32, #tpu.memory_space<vmem_shared>> -> memref<80x128xf32, #tpu.memory_space<vmem_shared>>
      tpu.enqueue_dma source(%arg13 : memref<80x128xf32, #tpu.memory_space<vmem>>) target(%dma_start3A_68 : memref<80x128xf32, #tpu.memory_space<vmem_shared>>) target_semaphore(%run_scoped3A : memref<!tpu.dma_semaphore, #tpu.memory_space<semaphore_mem>>)
      %dma_wait3A_69 = arith.constant 0 : i32
      %dma_wait3A_70 = tpu.memref_slice %arg14[%add3A_32, %dma_wait3A_69] : memref<10240x128xf32, #tpu.memory_space<vmem_shared>> -> memref<80x128xf32, #tpu.memory_space<vmem_shared>>
      %dma_wait3A_71 = arith.constant 0 : i32
      %dma_wait3A_72 = tpu.memref_slice %arg14[%add3A_32, %dma_wait3A_71] : memref<10240x128xf32, #tpu.memory_space<vmem_shared>> -> memref<80x128xf32, #tpu.memory_space<vmem_shared>>
      tpu.wait_dma2 semaphore(%run_scoped3A : memref<!tpu.dma_semaphore, #tpu.memory_space<semaphore_mem>>) src(%arg13 : memref<80x128xf32, #tpu.memory_space<vmem>>) dst(%dma_wait3A_72 : memref<80x128xf32, #tpu.memory_space<vmem_shared>>)
      tpu.yield
    }) : () -> ()
    %mul3A_33 = arith.constant 640 : i32
    %mul3A_34 = arith.muli %arg1, %mul3A_33 : i32
    %add3A_35 = arith.constant 560 : i32
    %add3A_36 = arith.addi %mul3A_34, %add3A_35 : i32
    "tpu.region"() ({
      %run_scoped3A = tpu.sem_alloc : memref<!tpu.dma_semaphore, #tpu.memory_space<semaphore_mem>>
      %dma_start3A_65 = arith.constant 0 : i32
      %dma_start3A_66 = tpu.memref_slice %arg14[%add3A_36, %dma_start3A_65] : memref<10240x128xf32, #tpu.memory_space<vmem_shared>> -> memref<80x128xf32, #tpu.memory_space<vmem_shared>>
      %dma_start3A_67 = arith.constant 0 : i32
      %dma_start3A_68 = tpu.memref_slice %arg14[%add3A_36, %dma_start3A_67] : memref<10240x128xf32, #tpu.memory_space<vmem_shared>> -> memref<80x128xf32, #tpu.memory_space<vmem_shared>>
      tpu.enqueue_dma source(%arg13 : memref<80x128xf32, #tpu.memory_space<vmem>>) target(%dma_start3A_68 : memref<80x128xf32, #tpu.memory_space<vmem_shared>>) target_semaphore(%run_scoped3A : memref<!tpu.dma_semaphore, #tpu.memory_space<semaphore_mem>>)
      %dma_wait3A_69 = arith.constant 0 : i32
      %dma_wait3A_70 = tpu.memref_slice %arg14[%add3A_36, %dma_wait3A_69] : memref<10240x128xf32, #tpu.memory_space<vmem_shared>> -> memref<80x128xf32, #tpu.memory_space<vmem_shared>>
      %dma_wait3A_71 = arith.constant 0 : i32
      %dma_wait3A_72 = tpu.memref_slice %arg14[%add3A_36, %dma_wait3A_71] : memref<10240x128xf32, #tpu.memory_space<vmem_shared>> -> memref<80x128xf32, #tpu.memory_space<vmem_shared>>
      tpu.wait_dma2 semaphore(%run_scoped3A : memref<!tpu.dma_semaphore, #tpu.memory_space<semaphore_mem>>) src(%arg13 : memref<80x128xf32, #tpu.memory_space<vmem>>) dst(%dma_wait3A_72 : memref<80x128xf32, #tpu.memory_space<vmem_shared>>)
      tpu.yield
    }) : () -> ()
    %barrier3A = arith.constant 0 : index
    tpu.barrier barrier_id(%barrier3A)
    %add3A_37 = arith.constant 0 : i32
    %add3A_38 = arith.addi %mul3A_4, %add3A_37 : i32
    "tpu.region"() ({
      %run_scoped3A = tpu.sem_alloc : memref<!tpu.dma_semaphore, #tpu.memory_space<semaphore_mem>>
      %dma_start3A_65 = tpu.memref_slice %arg3[%add3A_38] : memref<327680xi32, #tpu.memory_space<hbm>> -> memref<128xi32, #tpu.memory_space<hbm>>
      %dma_start3A_66 = tpu.memref_slice %arg3[%add3A_38] : memref<327680xi32, #tpu.memory_space<hbm>> -> memref<128xi32, #tpu.memory_space<hbm>>
      tpu.enqueue_dma source(%dma_start3A_66 : memref<128xi32, #tpu.memory_space<hbm>>) target(%arg7 : memref<128xi32, #tpu.memory_space<vmem>>) target_semaphore(%run_scoped3A : memref<!tpu.dma_semaphore, #tpu.memory_space<semaphore_mem>>)
      %dma_wait3A_67 = tpu.memref_slice %arg3[%add3A_38] : memref<327680xi32, #tpu.memory_space<hbm>> -> memref<128xi32, #tpu.memory_space<hbm>>
      %dma_wait3A_68 = tpu.memref_slice %arg3[%add3A_38] : memref<327680xi32, #tpu.memory_space<hbm>> -> memref<128xi32, #tpu.memory_space<hbm>>
      tpu.wait_dma2 semaphore(%run_scoped3A : memref<!tpu.dma_semaphore, #tpu.memory_space<semaphore_mem>>) src(%dma_wait3A_68 : memref<128xi32, #tpu.memory_space<hbm>>) dst(%arg7 : memref<128xi32, #tpu.memory_space<vmem>>)
      tpu.yield
    }) : () -> ()
    %add3A_39 = arith.constant 0 : i32
    %add3A_40 = arith.addi %mul3A_4, %add3A_39 : i32
    "tpu.region"() ({
      %run_scoped3A = tpu.sem_alloc : memref<!tpu.dma_semaphore, #tpu.memory_space<semaphore_mem>>
      %dma_start3A_65 = tpu.memref_slice %arg4[%add3A_40] : memref<327680xi32, #tpu.memory_space<hbm>> -> memref<128xi32, #tpu.memory_space<hbm>>
      %dma_start3A_66 = tpu.memref_slice %arg4[%add3A_40] : memref<327680xi32, #tpu.memory_space<hbm>> -> memref<128xi32, #tpu.memory_space<hbm>>
      tpu.enqueue_dma source(%dma_start3A_66 : memref<128xi32, #tpu.memory_space<hbm>>) target(%arg8 : memref<128xi32, #tpu.memory_space<vmem>>) target_semaphore(%run_scoped3A : memref<!tpu.dma_semaphore, #tpu.memory_space<semaphore_mem>>)
      %dma_wait3A_67 = tpu.memref_slice %arg4[%add3A_40] : memref<327680xi32, #tpu.memory_space<hbm>> -> memref<128xi32, #tpu.memory_space<hbm>>
      %dma_wait3A_68 = tpu.memref_slice %arg4[%add3A_40] : memref<327680xi32, #tpu.memory_space<hbm>> -> memref<128xi32, #tpu.memory_space<hbm>>
      tpu.wait_dma2 semaphore(%run_scoped3A : memref<!tpu.dma_semaphore, #tpu.memory_space<semaphore_mem>>) src(%dma_wait3A_68 : memref<128xi32, #tpu.memory_space<hbm>>) dst(%arg8 : memref<128xi32, #tpu.memory_space<vmem>>)
      tpu.yield
    }) : () -> ()
    %dma_start3A = arith.constant 0 : i32
    %dma_start3A_41 = arith.constant 0 : i32
    %dma_start3A_42 = tpu.memref_slice %arg2[%dma_start3A, %dma_start3A_41] : memref<10000x128xf32, #tpu.memory_space<hbm>> -> memref<10000x128xf32, #tpu.memory_space<hbm>>
    tpu.enqueue_indirect_dma source(%dma_start3A_42 : memref<10000x128xf32, #tpu.memory_space<hbm>>) target(%arg9 : memref<128x128xf32, #tpu.memory_space<vmem>>) offsets(%arg7 : memref<128xi32, #tpu.memory_space<vmem>>) semaphore(%arg15 : memref<!tpu.dma_semaphore, #tpu.memory_space<semaphore_mem>>)
    %add3A_43 = arith.constant 128 : i32
    %add3A_44 = arith.addi %mul3A_4, %add3A_43 : i32
    "tpu.region"() ({
      %run_scoped3A = tpu.sem_alloc : memref<!tpu.dma_semaphore, #tpu.memory_space<semaphore_mem>>
      %dma_start3A_65 = tpu.memref_slice %arg3[%add3A_44] : memref<327680xi32, #tpu.memory_space<hbm>> -> memref<128xi32, #tpu.memory_space<hbm>>
      %dma_start3A_66 = tpu.memref_slice %arg3[%add3A_44] : memref<327680xi32, #tpu.memory_space<hbm>> -> memref<128xi32, #tpu.memory_space<hbm>>
      tpu.enqueue_dma source(%dma_start3A_66 : memref<128xi32, #tpu.memory_space<hbm>>) target(%arg10 : memref<128xi32, #tpu.memory_space<vmem>>) target_semaphore(%run_scoped3A : memref<!tpu.dma_semaphore, #tpu.memory_space<semaphore_mem>>)
      %dma_wait3A_67 = tpu.memref_slice %arg3[%add3A_44] : memref<327680xi32, #tpu.memory_space<hbm>> -> memref<128xi32, #tpu.memory_space<hbm>>
      %dma_wait3A_68 = tpu.memref_slice %arg3[%add3A_44] : memref<327680xi32, #tpu.memory_space<hbm>> -> memref<128xi32, #tpu.memory_space<hbm>>
      tpu.wait_dma2 semaphore(%run_scoped3A : memref<!tpu.dma_semaphore, #tpu.memory_space<semaphore_mem>>) src(%dma_wait3A_68 : memref<128xi32, #tpu.memory_space<hbm>>) dst(%arg10 : memref<128xi32, #tpu.memory_space<vmem>>)
      tpu.yield
    }) : () -> ()
    %add3A_45 = arith.constant 128 : i32
    %add3A_46 = arith.addi %mul3A_4, %add3A_45 : i32
    "tpu.region"() ({
      %run_scoped3A = tpu.sem_alloc : memref<!tpu.dma_semaphore, #tpu.memory_space<semaphore_mem>>
      %dma_start3A_65 = tpu.memref_slice %arg4[%add3A_46] : memref<327680xi32, #tpu.memory_space<hbm>> -> memref<128xi32, #tpu.memory_space<hbm>>
      %dma_start3A_66 = tpu.memref_slice %arg4[%add3A_46] : memref<327680xi32, #tpu.memory_space<hbm>> -> memref<128xi32, #tpu.memory_space<hbm>>
      tpu.enqueue_dma source(%dma_start3A_66 : memref<128xi32, #tpu.memory_space<hbm>>) target(%arg11 : memref<128xi32, #tpu.memory_space<vmem>>) target_semaphore(%run_scoped3A : memref<!tpu.dma_semaphore, #tpu.memory_space<semaphore_mem>>)
      %dma_wait3A_67 = tpu.memref_slice %arg4[%add3A_46] : memref<327680xi32, #tpu.memory_space<hbm>> -> memref<128xi32, #tpu.memory_space<hbm>>
      %dma_wait3A_68 = tpu.memref_slice %arg4[%add3A_46] : memref<327680xi32, #tpu.memory_space<hbm>> -> memref<128xi32, #tpu.memory_space<hbm>>
      tpu.wait_dma2 semaphore(%run_scoped3A : memref<!tpu.dma_semaphore, #tpu.memory_space<semaphore_mem>>) src(%dma_wait3A_68 : memref<128xi32, #tpu.memory_space<hbm>>) dst(%arg11 : memref<128xi32, #tpu.memory_space<vmem>>)
      tpu.yield
    }) : () -> ()
    %dma_start3A_47 = arith.constant 0 : i32
    %dma_start3A_48 = arith.constant 0 : i32
    %dma_start3A_49 = tpu.memref_slice %arg2[%dma_start3A_47, %dma_start3A_48] : memref<10000x128xf32, #tpu.memory_space<hbm>> -> memref<10000x128xf32, #tpu.memory_space<hbm>>
    tpu.enqueue_indirect_dma source(%dma_start3A_49 : memref<10000x128xf32, #tpu.memory_space<hbm>>) target(%arg12 : memref<128x128xf32, #tpu.memory_space<vmem>>) offsets(%arg10 : memref<128xi32, #tpu.memory_space<vmem>>) semaphore(%arg16 : memref<!tpu.dma_semaphore, #tpu.memory_space<semaphore_mem>>)
    %scan3A = arith.constant 0 : i32
    %scan3A_50 = arith.constant 0 : i32
    %scan3A_51 = arith.constant 40 : i32
    %scan3A_52 = arith.addi %scan3A_50, %scan3A_51 : i32
    %scan3A_53 = arith.constant 1 : i32
    scf.for %scan3A_65 = %scan3A_50 to %scan3A_52 step %scan3A_53  : i32 {
      %mul3A_66 = arith.constant 2 : i32
      %mul3A_67 = arith.muli %mul3A_66, %scan3A_65 : i32
      %dma_wait3A_68 = arith.constant 0 : i32
      %dma_wait3A_69 = arith.constant 0 : i32
      %dma_wait3A_70 = tpu.memref_slice %arg2[%dma_wait3A_68, %dma_wait3A_69] : memref<10000x128xf32, #tpu.memory_space<hbm>> -> memref<10000x128xf32, #tpu.memory_space<hbm>>
      tpu.wait_indirect_dma semaphore(%arg15 : memref<!tpu.dma_semaphore, #tpu.memory_space<semaphore_mem>>) src(%dma_wait3A_70 : memref<10000x128xf32, #tpu.memory_space<hbm>>) dst(%arg9 : memref<128x128xf32, #tpu.memory_space<vmem>>)
      %dma_start3A_71 = arith.constant 0 : i32
      %dma_start3A_72 = arith.constant 0 : i32
      %dma_start3A_73 = tpu.memref_slice %arg14[%dma_start3A_71, %dma_start3A_72] : memref<10240x128xf32, #tpu.memory_space<vmem_shared>> -> memref<10240x128xf32, #tpu.memory_space<vmem_shared>>
      tpu.enqueue_indirect_dma source(%arg9 : memref<128x128xf32, #tpu.memory_space<vmem>>) target(%dma_start3A_73 : memref<10240x128xf32, #tpu.memory_space<vmem_shared>>) offsets(%arg8 : memref<128xi32, #tpu.memory_space<vmem>>) semaphore(%arg17 : memref<!tpu.dma_semaphore, #tpu.memory_space<semaphore_mem>>) {add = true}
      %add3A_74 = arith.constant 2 : i32
      %add3A_75 = arith.addi %mul3A_67, %add3A_74 : i32
      %lt3A = arith.constant 80 : i32
      %lt3A_76 = arith.cmpi slt, %add3A_75, %lt3A : i32
      %convert_element_type3A = arith.extui %lt3A_76 : i1 to i32
      %cond3A = arith.constant 0 : i32
      %cond3A_77 = arith.cmpi ne, %convert_element_type3A, %cond3A : i32
      scf.if %cond3A_77 {
        %dma_wait3A_91 = arith.constant 0 : i32
        %dma_wait3A_92 = arith.constant 0 : i32
        %dma_wait3A_93 = tpu.memref_slice %arg14[%dma_wait3A_91, %dma_wait3A_92] : memref<10240x128xf32, #tpu.memory_space<vmem_shared>> -> memref<10240x128xf32, #tpu.memory_space<vmem_shared>>
        tpu.wait_indirect_dma semaphore(%arg17 : memref<!tpu.dma_semaphore, #tpu.memory_space<semaphore_mem>>) src(%arg9 : memref<128x128xf32, #tpu.memory_space<vmem>>) dst(%dma_wait3A_93 : memref<10240x128xf32, #tpu.memory_space<vmem_shared>>)
        %add3A_94 = arith.constant 2 : i32
        %add3A_95 = arith.addi %mul3A_67, %add3A_94 : i32
        %mul3A_96 = arith.constant 128 : i32
        %mul3A_97 = arith.muli %add3A_95, %mul3A_96 : i32
        %add3A_98 = arith.addi %mul3A_4, %mul3A_97 : i32
        "tpu.region"() ({
          %run_scoped3A = tpu.sem_alloc : memref<!tpu.dma_semaphore, #tpu.memory_space<semaphore_mem>>
          %dma_start3A_105 = tpu.memref_slice %arg3[%add3A_98] : memref<327680xi32, #tpu.memory_space<hbm>> -> memref<128xi32, #tpu.memory_space<hbm>>
          %dma_start3A_106 = tpu.memref_slice %arg3[%add3A_98] : memref<327680xi32, #tpu.memory_space<hbm>> -> memref<128xi32, #tpu.memory_space<hbm>>
          tpu.enqueue_dma source(%dma_start3A_106 : memref<128xi32, #tpu.memory_space<hbm>>) target(%arg7 : memref<128xi32, #tpu.memory_space<vmem>>) target_semaphore(%run_scoped3A : memref<!tpu.dma_semaphore, #tpu.memory_space<semaphore_mem>>)
          %dma_wait3A_107 = tpu.memref_slice %arg3[%add3A_98] : memref<327680xi32, #tpu.memory_space<hbm>> -> memref<128xi32, #tpu.memory_space<hbm>>
          %dma_wait3A_108 = tpu.memref_slice %arg3[%add3A_98] : memref<327680xi32, #tpu.memory_space<hbm>> -> memref<128xi32, #tpu.memory_space<hbm>>
          tpu.wait_dma2 semaphore(%run_scoped3A : memref<!tpu.dma_semaphore, #tpu.memory_space<semaphore_mem>>) src(%dma_wait3A_108 : memref<128xi32, #tpu.memory_space<hbm>>) dst(%arg7 : memref<128xi32, #tpu.memory_space<vmem>>)
          tpu.yield
        }) : () -> ()
        %mul3A_99 = arith.constant 128 : i32
        %mul3A_100 = arith.muli %add3A_95, %mul3A_99 : i32
        %add3A_101 = arith.addi %mul3A_4, %mul3A_100 : i32
        "tpu.region"() ({
          %run_scoped3A = tpu.sem_alloc : memref<!tpu.dma_semaphore, #tpu.memory_space<semaphore_mem>>
          %dma_start3A_105 = tpu.memref_slice %arg4[%add3A_101] : memref<327680xi32, #tpu.memory_space<hbm>> -> memref<128xi32, #tpu.memory_space<hbm>>
          %dma_start3A_106 = tpu.memref_slice %arg4[%add3A_101] : memref<327680xi32, #tpu.memory_space<hbm>> -> memref<128xi32, #tpu.memory_space<hbm>>
          tpu.enqueue_dma source(%dma_start3A_106 : memref<128xi32, #tpu.memory_space<hbm>>) target(%arg8 : memref<128xi32, #tpu.memory_space<vmem>>) target_semaphore(%run_scoped3A : memref<!tpu.dma_semaphore, #tpu.memory_space<semaphore_mem>>)
          %dma_wait3A_107 = tpu.memref_slice %arg4[%add3A_101] : memref<327680xi32, #tpu.memory_space<hbm>> -> memref<128xi32, #tpu.memory_space<hbm>>
          %dma_wait3A_108 = tpu.memref_slice %arg4[%add3A_101] : memref<327680xi32, #tpu.memory_space<hbm>> -> memref<128xi32, #tpu.memory_space<hbm>>
          tpu.wait_dma2 semaphore(%run_scoped3A : memref<!tpu.dma_semaphore, #tpu.memory_space<semaphore_mem>>) src(%dma_wait3A_108 : memref<128xi32, #tpu.memory_space<hbm>>) dst(%arg8 : memref<128xi32, #tpu.memory_space<vmem>>)
          tpu.yield
        }) : () -> ()
        %dma_start3A_102 = arith.constant 0 : i32
        %dma_start3A_103 = arith.constant 0 : i32
        %dma_start3A_104 = tpu.memref_slice %arg2[%dma_start3A_102, %dma_start3A_103] : memref<10000x128xf32, #tpu.memory_space<hbm>> -> memref<10000x128xf32, #tpu.memory_space<hbm>>
        tpu.enqueue_indirect_dma source(%dma_start3A_104 : memref<10000x128xf32, #tpu.memory_space<hbm>>) target(%arg9 : memref<128x128xf32, #tpu.memory_space<vmem>>) offsets(%arg7 : memref<128xi32, #tpu.memory_space<vmem>>) semaphore(%arg15 : memref<!tpu.dma_semaphore, #tpu.memory_space<semaphore_mem>>)
      } else {
      }
      %dma_wait3A_78 = arith.constant 0 : i32
      %dma_wait3A_79 = arith.constant 0 : i32
      %dma_wait3A_80 = tpu.memref_slice %arg2[%dma_wait3A_78, %dma_wait3A_79] : memref<10000x128xf32, #tpu.memory_space<hbm>> -> memref<10000x128xf32, #tpu.memory_space<hbm>>
      tpu.wait_indirect_dma semaphore(%arg16 : memref<!tpu.dma_semaphore, #tpu.memory_space<semaphore_mem>>) src(%dma_wait3A_80 : memref<10000x128xf32, #tpu.memory_space<hbm>>) dst(%arg12 : memref<128x128xf32, #tpu.memory_space<vmem>>)
      %dma_start3A_81 = arith.constant 0 : i32
      %dma_start3A_82 = arith.constant 0 : i32
      %dma_start3A_83 = tpu.memref_slice %arg14[%dma_start3A_81, %dma_start3A_82] : memref<10240x128xf32, #tpu.memory_space<vmem_shared>> -> memref<10240x128xf32, #tpu.memory_space<vmem_shared>>
      tpu.enqueue_indirect_dma source(%arg12 : memref<128x128xf32, #tpu.memory_space<vmem>>) target(%dma_start3A_83 : memref<10240x128xf32, #tpu.memory_space<vmem_shared>>) offsets(%arg11 : memref<128xi32, #tpu.memory_space<vmem>>) semaphore(%arg18 : memref<!tpu.dma_semaphore, #tpu.memory_space<semaphore_mem>>) {add = true}
      %add3A_84 = arith.constant 3 : i32
      %add3A_85 = arith.addi %mul3A_67, %add3A_84 : i32
      %lt3A_86 = arith.constant 80 : i32
      %lt3A_87 = arith.cmpi slt, %add3A_85, %lt3A_86 : i32
      %convert_element_type3A_88 = arith.extui %lt3A_87 : i1 to i32
      %cond3A_89 = arith.constant 0 : i32
      %cond3A_90 = arith.cmpi ne, %convert_element_type3A_88, %cond3A_89 : i32
      scf.if %cond3A_90 {
        %dma_wait3A_91 = arith.constant 0 : i32
        %dma_wait3A_92 = arith.constant 0 : i32
        %dma_wait3A_93 = tpu.memref_slice %arg14[%dma_wait3A_91, %dma_wait3A_92] : memref<10240x128xf32, #tpu.memory_space<vmem_shared>> -> memref<10240x128xf32, #tpu.memory_space<vmem_shared>>
        tpu.wait_indirect_dma semaphore(%arg18 : memref<!tpu.dma_semaphore, #tpu.memory_space<semaphore_mem>>) src(%arg12 : memref<128x128xf32, #tpu.memory_space<vmem>>) dst(%dma_wait3A_93 : memref<10240x128xf32, #tpu.memory_space<vmem_shared>>)
        %add3A_94 = arith.constant 3 : i32
        %add3A_95 = arith.addi %mul3A_67, %add3A_94 : i32
        %mul3A_96 = arith.constant 128 : i32
        %mul3A_97 = arith.muli %add3A_95, %mul3A_96 : i32
        %add3A_98 = arith.addi %mul3A_4, %mul3A_97 : i32
        "tpu.region"() ({
          %run_scoped3A = tpu.sem_alloc : memref<!tpu.dma_semaphore, #tpu.memory_space<semaphore_mem>>
          %dma_start3A_105 = tpu.memref_slice %arg3[%add3A_98] : memref<327680xi32, #tpu.memory_space<hbm>> -> memref<128xi32, #tpu.memory_space<hbm>>
          %dma_start3A_106 = tpu.memref_slice %arg3[%add3A_98] : memref<327680xi32, #tpu.memory_space<hbm>> -> memref<128xi32, #tpu.memory_space<hbm>>
          tpu.enqueue_dma source(%dma_start3A_106 : memref<128xi32, #tpu.memory_space<hbm>>) target(%arg10 : memref<128xi32, #tpu.memory_space<vmem>>) target_semaphore(%run_scoped3A : memref<!tpu.dma_semaphore, #tpu.memory_space<semaphore_mem>>)
          %dma_wait3A_107 = tpu.memref_slice %arg3[%add3A_98] : memref<327680xi32, #tpu.memory_space<hbm>> -> memref<128xi32, #tpu.memory_space<hbm>>
          %dma_wait3A_108 = tpu.memref_slice %arg3[%add3A_98] : memref<327680xi32, #tpu.memory_space<hbm>> -> memref<128xi32, #tpu.memory_space<hbm>>
          tpu.wait_dma2 semaphore(%run_scoped3A : memref<!tpu.dma_semaphore, #tpu.memory_space<semaphore_mem>>) src(%dma_wait3A_108 : memref<128xi32, #tpu.memory_space<hbm>>) dst(%arg10 : memref<128xi32, #tpu.memory_space<vmem>>)
          tpu.yield
        }) : () -> ()
        %mul3A_99 = arith.constant 128 : i32
        %mul3A_100 = arith.muli %add3A_95, %mul3A_99 : i32
        %add3A_101 = arith.addi %mul3A_4, %mul3A_100 : i32
        "tpu.region"() ({
          %run_scoped3A = tpu.sem_alloc : memref<!tpu.dma_semaphore, #tpu.memory_space<semaphore_mem>>
          %dma_start3A_105 = tpu.memref_slice %arg4[%add3A_101] : memref<327680xi32, #tpu.memory_space<hbm>> -> memref<128xi32, #tpu.memory_space<hbm>>
          %dma_start3A_106 = tpu.memref_slice %arg4[%add3A_101] : memref<327680xi32, #tpu.memory_space<hbm>> -> memref<128xi32, #tpu.memory_space<hbm>>
          tpu.enqueue_dma source(%dma_start3A_106 : memref<128xi32, #tpu.memory_space<hbm>>) target(%arg11 : memref<128xi32, #tpu.memory_space<vmem>>) target_semaphore(%run_scoped3A : memref<!tpu.dma_semaphore, #tpu.memory_space<semaphore_mem>>)
          %dma_wait3A_107 = tpu.memref_slice %arg4[%add3A_101] : memref<327680xi32, #tpu.memory_space<hbm>> -> memref<128xi32, #tpu.memory_space<hbm>>
          %dma_wait3A_108 = tpu.memref_slice %arg4[%add3A_101] : memref<327680xi32, #tpu.memory_space<hbm>> -> memref<128xi32, #tpu.memory_space<hbm>>
          tpu.wait_dma2 semaphore(%run_scoped3A : memref<!tpu.dma_semaphore, #tpu.memory_space<semaphore_mem>>) src(%dma_wait3A_108 : memref<128xi32, #tpu.memory_space<hbm>>) dst(%arg11 : memref<128xi32, #tpu.memory_space<vmem>>)
          tpu.yield
        }) : () -> ()
        %dma_start3A_102 = arith.constant 0 : i32
        %dma_start3A_103 = arith.constant 0 : i32
        %dma_start3A_104 = tpu.memref_slice %arg2[%dma_start3A_102, %dma_start3A_103] : memref<10000x128xf32, #tpu.memory_space<hbm>> -> memref<10000x128xf32, #tpu.memory_space<hbm>>
        tpu.enqueue_indirect_dma source(%dma_start3A_104 : memref<10000x128xf32, #tpu.memory_space<hbm>>) target(%arg12 : memref<128x128xf32, #tpu.memory_space<vmem>>) offsets(%arg10 : memref<128xi32, #tpu.memory_space<vmem>>) semaphore(%arg16 : memref<!tpu.dma_semaphore, #tpu.memory_space<semaphore_mem>>)
      } else {
      }
    }
    %scan3A_54 = arith.constant 40 : i32
    %dma_wait3A = arith.constant 0 : i32
    %dma_wait3A_55 = arith.constant 0 : i32
    %dma_wait3A_56 = tpu.memref_slice %arg14[%dma_wait3A, %dma_wait3A_55] : memref<10240x128xf32, #tpu.memory_space<vmem_shared>> -> memref<10240x128xf32, #tpu.memory_space<vmem_shared>>
    tpu.wait_indirect_dma semaphore(%arg17 : memref<!tpu.dma_semaphore, #tpu.memory_space<semaphore_mem>>) src(%arg9 : memref<128x128xf32, #tpu.memory_space<vmem>>) dst(%dma_wait3A_56 : memref<10240x128xf32, #tpu.memory_space<vmem_shared>>)
    %dma_wait3A_57 = arith.constant 0 : i32
    %dma_wait3A_58 = arith.constant 0 : i32
    %dma_wait3A_59 = tpu.memref_slice %arg14[%dma_wait3A_57, %dma_wait3A_58] : memref<10240x128xf32, #tpu.memory_space<vmem_shared>> -> memref<10240x128xf32, #tpu.memory_space<vmem_shared>>
    tpu.wait_indirect_dma semaphore(%arg18 : memref<!tpu.dma_semaphore, #tpu.memory_space<semaphore_mem>>) src(%arg12 : memref<128x128xf32, #tpu.memory_space<vmem>>) dst(%dma_wait3A_59 : memref<10240x128xf32, #tpu.memory_space<vmem_shared>>)
    %barrier3A_60 = arith.constant 0 : index
    tpu.barrier barrier_id(%barrier3A_60)
    %mul3A_61 = arith.constant 640 : i32
    %mul3A_62 = arith.muli %arg1, %mul3A_61 : i32
    %mul3A_63 = arith.constant 640 : i32
    %mul3A_64 = arith.muli %arg1, %mul3A_63 : i32
    "tpu.region"() ({
      %run_scoped3A = tpu.sem_alloc : memref<!tpu.dma_semaphore, #tpu.memory_space<semaphore_mem>>
      %dma_start3A_65 = arith.constant 0 : i32
      %dma_start3A_66 = tpu.memref_slice %arg6[%arg0, %mul3A_64, %dma_start3A_65] : memref<2x10240x128xf32, #tpu.memory_space<hbm>> -> memref<1x640x128xf32, #tpu.memory_space<hbm>>
      %dma_start3A_67 = tpu.memref_squeeze %dma_start3A_66 : memref<1x640x128xf32, #tpu.memory_space<hbm>> -> memref<640x128xf32, #tpu.memory_space<hbm>>
      %dma_start3A_68 = arith.constant 0 : i32
      %dma_start3A_69 = tpu.memref_slice %arg14[%mul3A_62, %dma_start3A_68] : memref<10240x128xf32, #tpu.memory_space<vmem_shared>> -> memref<640x128xf32, #tpu.memory_space<vmem_shared>>
      tpu.enqueue_dma source(%dma_start3A_69 : memref<640x128xf32, #tpu.memory_space<vmem_shared>>) target(%dma_start3A_67 : memref<640x128xf32, #tpu.memory_space<hbm>>) target_semaphore(%run_scoped3A : memref<!tpu.dma_semaphore, #tpu.memory_space<semaphore_mem>>)
      %dma_wait3A_70 = arith.constant 0 : i32
      %dma_wait3A_71 = tpu.memref_slice %arg6[%arg0, %mul3A_64, %dma_wait3A_70] : memref<2x10240x128xf32, #tpu.memory_space<hbm>> -> memref<1x640x128xf32, #tpu.memory_space<hbm>>
      %dma_wait3A_72 = tpu.memref_squeeze %dma_wait3A_71 : memref<1x640x128xf32, #tpu.memory_space<hbm>> -> memref<640x128xf32, #tpu.memory_space<hbm>>
      %dma_wait3A_73 = arith.constant 0 : i32
      %dma_wait3A_74 = tpu.memref_slice %arg14[%mul3A_62, %dma_wait3A_73] : memref<10240x128xf32, #tpu.memory_space<vmem_shared>> -> memref<640x128xf32, #tpu.memory_space<vmem_shared>>
      tpu.wait_dma2 semaphore(%run_scoped3A : memref<!tpu.dma_semaphore, #tpu.memory_space<semaphore_mem>>) src(%dma_wait3A_74 : memref<640x128xf32, #tpu.memory_space<vmem_shared>>) dst(%dma_wait3A_72 : memref<640x128xf32, #tpu.memory_space<hbm>>)
      tpu.yield
    }) : () -> ()
    return
  }
}

#map = affine_map<(d0, d1) -> (0, 0)>
#map1 = affine_map<(d0, d1) -> (0)>
#map2 = affine_map<(d0, d1) -> (0, 0, 0)>
module attributes {stable_mosaic.version = 14 : i64} {
  func.func @_sc_agg_body(%arg0: i32, %arg1: i32, %arg2: memref<10000x128xf32, #tpu.memory_space<hbm>>, %arg3: memref<327680xi32, #tpu.memory_space<hbm>>, %arg4: memref<327680xi32, #tpu.memory_space<hbm>>, %arg5: memref<80x128xf32, #tpu.memory_space<hbm>>, %arg6: memref<2x10240x128xf32, #tpu.memory_space<hbm>>, %arg7: memref<128xi32, #tpu.memory_space<vmem>>, %arg8: memref<128xi32, #tpu.memory_space<vmem>>, %arg9: memref<128x128xf32, #tpu.memory_space<vmem>>, %arg10: memref<128xi32, #tpu.memory_space<vmem>>, %arg11: memref<128xi32, #tpu.memory_space<vmem>>, %arg12: memref<128x128xf32, #tpu.memory_space<vmem>>, %arg13: memref<80x128xf32, #tpu.memory_space<vmem>>, %arg14: memref<10240x128xf32, #tpu.memory_space<vmem_shared>>, %arg15: memref<!tpu.dma_semaphore, #tpu.memory_space<semaphore_mem>>, %arg16: memref<!tpu.dma_semaphore, #tpu.memory_space<semaphore_mem>>, %arg17: memref<!tpu.dma_semaphore, #tpu.memory_space<semaphore_mem>>, %arg18: memref<!tpu.dma_semaphore, #tpu.memory_space<semaphore_mem>>) attributes {dimension_semantics = [#tpu.dimension_semantics<core_parallel>, #tpu.dimension_semantics<subcore_parallel>], iteration_bounds = array<i64: 2, 16>, scalar_prefetch = 0 : i64, scratch_operands = 12 : i64, tpu.core_type = #tpu.core_type<sc_vector_subcore>, window_params = [{transform_indices = #map}, {transform_indices = #map1}, {transform_indices = #map1}, {transform_indices = #map}, {transform_indices = #map2}]} {
    %mul3A = arith.constant 16 : i32
    %mul3A_0 = arith.muli %arg0, %mul3A : i32
    %add3A = arith.addi %mul3A_0, %arg1 : i32
    %mul3A_1 = arith.constant 80 : i32
    %mul3A_2 = arith.muli %add3A, %mul3A_1 : i32
    %mul3A_3 = arith.constant 128 : i32
    %mul3A_4 = arith.muli %mul3A_2, %mul3A_3 : i32
    "tpu.region"() ({
      %run_scoped3A = tpu.sem_alloc : memref<!tpu.dma_semaphore, #tpu.memory_space<semaphore_mem>>
      tpu.enqueue_dma source(%arg5 : memref<80x128xf32, #tpu.memory_space<hbm>>) target(%arg13 : memref<80x128xf32, #tpu.memory_space<vmem>>) target_semaphore(%run_scoped3A : memref<!tpu.dma_semaphore, #tpu.memory_space<semaphore_mem>>)
      tpu.wait_dma2 semaphore(%run_scoped3A : memref<!tpu.dma_semaphore, #tpu.memory_space<semaphore_mem>>) src(%arg5 : memref<80x128xf32, #tpu.memory_space<hbm>>) dst(%arg13 : memref<80x128xf32, #tpu.memory_space<vmem>>)
      tpu.yield
    }) : () -> ()
    %mul3A_5 = arith.constant 640 : i32
    %mul3A_6 = arith.muli %arg1, %mul3A_5 : i32
    %add3A_7 = arith.constant 0 : i32
    %add3A_8 = arith.addi %mul3A_6, %add3A_7 : i32
    "tpu.region"() ({
      %run_scoped3A = tpu.sem_alloc : memref<!tpu.dma_semaphore, #tpu.memory_space<semaphore_mem>>
      %dma_start3A_65 = arith.constant 0 : i32
      %dma_start3A_66 = tpu.memref_slice %arg14[%add3A_8, %dma_start3A_65] : memref<10240x128xf32, #tpu.memory_space<vmem_shared>> -> memref<80x128xf32, #tpu.memory_space<vmem_shared>>
      %dma_start3A_67 = arith.constant 0 : i32
      %dma_start3A_68 = tpu.memref_slice %arg14[%add3A_8, %dma_start3A_67] : memref<10240x128xf32, #tpu.memory_space<vmem_shared>> -> memref<80x128xf32, #tpu.memory_space<vmem_shared>>
      tpu.enqueue_dma source(%arg13 : memref<80x128xf32, #tpu.memory_space<vmem>>) target(%dma_start3A_68 : memref<80x128xf32, #tpu.memory_space<vmem_shared>>) target_semaphore(%run_scoped3A : memref<!tpu.dma_semaphore, #tpu.memory_space<semaphore_mem>>)
      %dma_wait3A_69 = arith.constant 0 : i32
      %dma_wait3A_70 = tpu.memref_slice %arg14[%add3A_8, %dma_wait3A_69] : memref<10240x128xf32, #tpu.memory_space<vmem_shared>> -> memref<80x128xf32, #tpu.memory_space<vmem_shared>>
      %dma_wait3A_71 = arith.constant 0 : i32
      %dma_wait3A_72 = tpu.memref_slice %arg14[%add3A_8, %dma_wait3A_71] : memref<10240x128xf32, #tpu.memory_space<vmem_shared>> -> memref<80x128xf32, #tpu.memory_space<vmem_shared>>
      tpu.wait_dma2 semaphore(%run_scoped3A : memref<!tpu.dma_semaphore, #tpu.memory_space<semaphore_mem>>) src(%arg13 : memref<80x128xf32, #tpu.memory_space<vmem>>) dst(%dma_wait3A_72 : memref<80x128xf32, #tpu.memory_space<vmem_shared>>)
      tpu.yield
    }) : () -> ()
    %mul3A_9 = arith.constant 640 : i32
    %mul3A_10 = arith.muli %arg1, %mul3A_9 : i32
    %add3A_11 = arith.constant 80 : i32
    %add3A_12 = arith.addi %mul3A_10, %add3A_11 : i32
    "tpu.region"() ({
      %run_scoped3A = tpu.sem_alloc : memref<!tpu.dma_semaphore, #tpu.memory_space<semaphore_mem>>
      %dma_start3A_65 = arith.constant 0 : i32
      %dma_start3A_66 = tpu.memref_slice %arg14[%add3A_12, %dma_start3A_65] : memref<10240x128xf32, #tpu.memory_space<vmem_shared>> -> memref<80x128xf32, #tpu.memory_space<vmem_shared>>
      %dma_start3A_67 = arith.constant 0 : i32
      %dma_start3A_68 = tpu.memref_slice %arg14[%add3A_12, %dma_start3A_67] : memref<10240x128xf32, #tpu.memory_space<vmem_shared>> -> memref<80x128xf32, #tpu.memory_space<vmem_shared>>
      tpu.enqueue_dma source(%arg13 : memref<80x128xf32, #tpu.memory_space<vmem>>) target(%dma_start3A_68 : memref<80x128xf32, #tpu.memory_space<vmem_shared>>) target_semaphore(%run_scoped3A : memref<!tpu.dma_semaphore, #tpu.memory_space<semaphore_mem>>)
      %dma_wait3A_69 = arith.constant 0 : i32
      %dma_wait3A_70 = tpu.memref_slice %arg14[%add3A_12, %dma_wait3A_69] : memref<10240x128xf32, #tpu.memory_space<vmem_shared>> -> memref<80x128xf32, #tpu.memory_space<vmem_shared>>
      %dma_wait3A_71 = arith.constant 0 : i32
      %dma_wait3A_72 = tpu.memref_slice %arg14[%add3A_12, %dma_wait3A_71] : memref<10240x128xf32, #tpu.memory_space<vmem_shared>> -> memref<80x128xf32, #tpu.memory_space<vmem_shared>>
      tpu.wait_dma2 semaphore(%run_scoped3A : memref<!tpu.dma_semaphore, #tpu.memory_space<semaphore_mem>>) src(%arg13 : memref<80x128xf32, #tpu.memory_space<vmem>>) dst(%dma_wait3A_72 : memref<80x128xf32, #tpu.memory_space<vmem_shared>>)
      tpu.yield
    }) : () -> ()
    %mul3A_13 = arith.constant 640 : i32
    %mul3A_14 = arith.muli %arg1, %mul3A_13 : i32
    %add3A_15 = arith.constant 160 : i32
    %add3A_16 = arith.addi %mul3A_14, %add3A_15 : i32
    "tpu.region"() ({
      %run_scoped3A = tpu.sem_alloc : memref<!tpu.dma_semaphore, #tpu.memory_space<semaphore_mem>>
      %dma_start3A_65 = arith.constant 0 : i32
      %dma_start3A_66 = tpu.memref_slice %arg14[%add3A_16, %dma_start3A_65] : memref<10240x128xf32, #tpu.memory_space<vmem_shared>> -> memref<80x128xf32, #tpu.memory_space<vmem_shared>>
      %dma_start3A_67 = arith.constant 0 : i32
      %dma_start3A_68 = tpu.memref_slice %arg14[%add3A_16, %dma_start3A_67] : memref<10240x128xf32, #tpu.memory_space<vmem_shared>> -> memref<80x128xf32, #tpu.memory_space<vmem_shared>>
      tpu.enqueue_dma source(%arg13 : memref<80x128xf32, #tpu.memory_space<vmem>>) target(%dma_start3A_68 : memref<80x128xf32, #tpu.memory_space<vmem_shared>>) target_semaphore(%run_scoped3A : memref<!tpu.dma_semaphore, #tpu.memory_space<semaphore_mem>>)
      %dma_wait3A_69 = arith.constant 0 : i32
      %dma_wait3A_70 = tpu.memref_slice %arg14[%add3A_16, %dma_wait3A_69] : memref<10240x128xf32, #tpu.memory_space<vmem_shared>> -> memref<80x128xf32, #tpu.memory_space<vmem_shared>>
      %dma_wait3A_71 = arith.constant 0 : i32
      %dma_wait3A_72 = tpu.memref_slice %arg14[%add3A_16, %dma_wait3A_71] : memref<10240x128xf32, #tpu.memory_space<vmem_shared>> -> memref<80x128xf32, #tpu.memory_space<vmem_shared>>
      tpu.wait_dma2 semaphore(%run_scoped3A : memref<!tpu.dma_semaphore, #tpu.memory_space<semaphore_mem>>) src(%arg13 : memref<80x128xf32, #tpu.memory_space<vmem>>) dst(%dma_wait3A_72 : memref<80x128xf32, #tpu.memory_space<vmem_shared>>)
      tpu.yield
    }) : () -> ()
    %mul3A_17 = arith.constant 640 : i32
    %mul3A_18 = arith.muli %arg1, %mul3A_17 : i32
    %add3A_19 = arith.constant 240 : i32
    %add3A_20 = arith.addi %mul3A_18, %add3A_19 : i32
    "tpu.region"() ({
      %run_scoped3A = tpu.sem_alloc : memref<!tpu.dma_semaphore, #tpu.memory_space<semaphore_mem>>
      %dma_start3A_65 = arith.constant 0 : i32
      %dma_start3A_66 = tpu.memref_slice %arg14[%add3A_20, %dma_start3A_65] : memref<10240x128xf32, #tpu.memory_space<vmem_shared>> -> memref<80x128xf32, #tpu.memory_space<vmem_shared>>
      %dma_start3A_67 = arith.constant 0 : i32
      %dma_start3A_68 = tpu.memref_slice %arg14[%add3A_20, %dma_start3A_67] : memref<10240x128xf32, #tpu.memory_space<vmem_shared>> -> memref<80x128xf32, #tpu.memory_space<vmem_shared>>
      tpu.enqueue_dma source(%arg13 : memref<80x128xf32, #tpu.memory_space<vmem>>) target(%dma_start3A_68 : memref<80x128xf32, #tpu.memory_space<vmem_shared>>) target_semaphore(%run_scoped3A : memref<!tpu.dma_semaphore, #tpu.memory_space<semaphore_mem>>)
      %dma_wait3A_69 = arith.constant 0 : i32
      %dma_wait3A_70 = tpu.memref_slice %arg14[%add3A_20, %dma_wait3A_69] : memref<10240x128xf32, #tpu.memory_space<vmem_shared>> -> memref<80x128xf32, #tpu.memory_space<vmem_shared>>
      %dma_wait3A_71 = arith.constant 0 : i32
      %dma_wait3A_72 = tpu.memref_slice %arg14[%add3A_20, %dma_wait3A_71] : memref<10240x128xf32, #tpu.memory_space<vmem_shared>> -> memref<80x128xf32, #tpu.memory_space<vmem_shared>>
      tpu.wait_dma2 semaphore(%run_scoped3A : memref<!tpu.dma_semaphore, #tpu.memory_space<semaphore_mem>>) src(%arg13 : memref<80x128xf32, #tpu.memory_space<vmem>>) dst(%dma_wait3A_72 : memref<80x128xf32, #tpu.memory_space<vmem_shared>>)
      tpu.yield
    }) : () -> ()
    %mul3A_21 = arith.constant 640 : i32
    %mul3A_22 = arith.muli %arg1, %mul3A_21 : i32
    %add3A_23 = arith.constant 320 : i32
    %add3A_24 = arith.addi %mul3A_22, %add3A_23 : i32
    "tpu.region"() ({
      %run_scoped3A = tpu.sem_alloc : memref<!tpu.dma_semaphore, #tpu.memory_space<semaphore_mem>>
      %dma_start3A_65 = arith.constant 0 : i32
      %dma_start3A_66 = tpu.memref_slice %arg14[%add3A_24, %dma_start3A_65] : memref<10240x128xf32, #tpu.memory_space<vmem_shared>> -> memref<80x128xf32, #tpu.memory_space<vmem_shared>>
      %dma_start3A_67 = arith.constant 0 : i32
      %dma_start3A_68 = tpu.memref_slice %arg14[%add3A_24, %dma_start3A_67] : memref<10240x128xf32, #tpu.memory_space<vmem_shared>> -> memref<80x128xf32, #tpu.memory_space<vmem_shared>>
      tpu.enqueue_dma source(%arg13 : memref<80x128xf32, #tpu.memory_space<vmem>>) target(%dma_start3A_68 : memref<80x128xf32, #tpu.memory_space<vmem_shared>>) target_semaphore(%run_scoped3A : memref<!tpu.dma_semaphore, #tpu.memory_space<semaphore_mem>>)
      %dma_wait3A_69 = arith.constant 0 : i32
      %dma_wait3A_70 = tpu.memref_slice %arg14[%add3A_24, %dma_wait3A_69] : memref<10240x128xf32, #tpu.memory_space<vmem_shared>> -> memref<80x128xf32, #tpu.memory_space<vmem_shared>>
      %dma_wait3A_71 = arith.constant 0 : i32
      %dma_wait3A_72 = tpu.memref_slice %arg14[%add3A_24, %dma_wait3A_71] : memref<10240x128xf32, #tpu.memory_space<vmem_shared>> -> memref<80x128xf32, #tpu.memory_space<vmem_shared>>
      tpu.wait_dma2 semaphore(%run_scoped3A : memref<!tpu.dma_semaphore, #tpu.memory_space<semaphore_mem>>) src(%arg13 : memref<80x128xf32, #tpu.memory_space<vmem>>) dst(%dma_wait3A_72 : memref<80x128xf32, #tpu.memory_space<vmem_shared>>)
      tpu.yield
    }) : () -> ()
    %mul3A_25 = arith.constant 640 : i32
    %mul3A_26 = arith.muli %arg1, %mul3A_25 : i32
    %add3A_27 = arith.constant 400 : i32
    %add3A_28 = arith.addi %mul3A_26, %add3A_27 : i32
    "tpu.region"() ({
      %run_scoped3A = tpu.sem_alloc : memref<!tpu.dma_semaphore, #tpu.memory_space<semaphore_mem>>
      %dma_start3A_65 = arith.constant 0 : i32
      %dma_start3A_66 = tpu.memref_slice %arg14[%add3A_28, %dma_start3A_65] : memref<10240x128xf32, #tpu.memory_space<vmem_shared>> -> memref<80x128xf32, #tpu.memory_space<vmem_shared>>
      %dma_start3A_67 = arith.constant 0 : i32
      %dma_start3A_68 = tpu.memref_slice %arg14[%add3A_28, %dma_start3A_67] : memref<10240x128xf32, #tpu.memory_space<vmem_shared>> -> memref<80x128xf32, #tpu.memory_space<vmem_shared>>
      tpu.enqueue_dma source(%arg13 : memref<80x128xf32, #tpu.memory_space<vmem>>) target(%dma_start3A_68 : memref<80x128xf32, #tpu.memory_space<vmem_shared>>) target_semaphore(%run_scoped3A : memref<!tpu.dma_semaphore, #tpu.memory_space<semaphore_mem>>)
      %dma_wait3A_69 = arith.constant 0 : i32
      %dma_wait3A_70 = tpu.memref_slice %arg14[%add3A_28, %dma_wait3A_69] : memref<10240x128xf32, #tpu.memory_space<vmem_shared>> -> memref<80x128xf32, #tpu.memory_space<vmem_shared>>
      %dma_wait3A_71 = arith.constant 0 : i32
      %dma_wait3A_72 = tpu.memref_slice %arg14[%add3A_28, %dma_wait3A_71] : memref<10240x128xf32, #tpu.memory_space<vmem_shared>> -> memref<80x128xf32, #tpu.memory_space<vmem_shared>>
      tpu.wait_dma2 semaphore(%run_scoped3A : memref<!tpu.dma_semaphore, #tpu.memory_space<semaphore_mem>>) src(%arg13 : memref<80x128xf32, #tpu.memory_space<vmem>>) dst(%dma_wait3A_72 : memref<80x128xf32, #tpu.memory_space<vmem_shared>>)
      tpu.yield
    }) : () -> ()
    %mul3A_29 = arith.constant 640 : i32
    %mul3A_30 = arith.muli %arg1, %mul3A_29 : i32
    %add3A_31 = arith.constant 480 : i32
    %add3A_32 = arith.addi %mul3A_30, %add3A_31 : i32
    "tpu.region"() ({
      %run_scoped3A = tpu.sem_alloc : memref<!tpu.dma_semaphore, #tpu.memory_space<semaphore_mem>>
      %dma_start3A_65 = arith.constant 0 : i32
      %dma_start3A_66 = tpu.memref_slice %arg14[%add3A_32, %dma_start3A_65] : memref<10240x128xf32, #tpu.memory_space<vmem_shared>> -> memref<80x128xf32, #tpu.memory_space<vmem_shared>>
      %dma_start3A_67 = arith.constant 0 : i32
      %dma_start3A_68 = tpu.memref_slice %arg14[%add3A_32, %dma_start3A_67] : memref<10240x128xf32, #tpu.memory_space<vmem_shared>> -> memref<80x128xf32, #tpu.memory_space<vmem_shared>>
      tpu.enqueue_dma source(%arg13 : memref<80x128xf32, #tpu.memory_space<vmem>>) target(%dma_start3A_68 : memref<80x128xf32, #tpu.memory_space<vmem_shared>>) target_semaphore(%run_scoped3A : memref<!tpu.dma_semaphore, #tpu.memory_space<semaphore_mem>>)
      %dma_wait3A_69 = arith.constant 0 : i32
      %dma_wait3A_70 = tpu.memref_slice %arg14[%add3A_32, %dma_wait3A_69] : memref<10240x128xf32, #tpu.memory_space<vmem_shared>> -> memref<80x128xf32, #tpu.memory_space<vmem_shared>>
      %dma_wait3A_71 = arith.constant 0 : i32
      %dma_wait3A_72 = tpu.memref_slice %arg14[%add3A_32, %dma_wait3A_71] : memref<10240x128xf32, #tpu.memory_space<vmem_shared>> -> memref<80x128xf32, #tpu.memory_space<vmem_shared>>
      tpu.wait_dma2 semaphore(%run_scoped3A : memref<!tpu.dma_semaphore, #tpu.memory_space<semaphore_mem>>) src(%arg13 : memref<80x128xf32, #tpu.memory_space<vmem>>) dst(%dma_wait3A_72 : memref<80x128xf32, #tpu.memory_space<vmem_shared>>)
      tpu.yield
    }) : () -> ()
    %mul3A_33 = arith.constant 640 : i32
    %mul3A_34 = arith.muli %arg1, %mul3A_33 : i32
    %add3A_35 = arith.constant 560 : i32
    %add3A_36 = arith.addi %mul3A_34, %add3A_35 : i32
    "tpu.region"() ({
      %run_scoped3A = tpu.sem_alloc : memref<!tpu.dma_semaphore, #tpu.memory_space<semaphore_mem>>
      %dma_start3A_65 = arith.constant 0 : i32
      %dma_start3A_66 = tpu.memref_slice %arg14[%add3A_36, %dma_start3A_65] : memref<10240x128xf32, #tpu.memory_space<vmem_shared>> -> memref<80x128xf32, #tpu.memory_space<vmem_shared>>
      %dma_start3A_67 = arith.constant 0 : i32
      %dma_start3A_68 = tpu.memref_slice %arg14[%add3A_36, %dma_start3A_67] : memref<10240x128xf32, #tpu.memory_space<vmem_shared>> -> memref<80x128xf32, #tpu.memory_space<vmem_shared>>
      tpu.enqueue_dma source(%arg13 : memref<80x128xf32, #tpu.memory_space<vmem>>) target(%dma_start3A_68 : memref<80x128xf32, #tpu.memory_space<vmem_shared>>) target_semaphore(%run_scoped3A : memref<!tpu.dma_semaphore, #tpu.memory_space<semaphore_mem>>)
      %dma_wait3A_69 = arith.constant 0 : i32
      %dma_wait3A_70 = tpu.memref_slice %arg14[%add3A_36, %dma_wait3A_69] : memref<10240x128xf32, #tpu.memory_space<vmem_shared>> -> memref<80x128xf32, #tpu.memory_space<vmem_shared>>
      %dma_wait3A_71 = arith.constant 0 : i32
      %dma_wait3A_72 = tpu.memref_slice %arg14[%add3A_36, %dma_wait3A_71] : memref<10240x128xf32, #tpu.memory_space<vmem_shared>> -> memref<80x128xf32, #tpu.memory_space<vmem_shared>>
      tpu.wait_dma2 semaphore(%run_scoped3A : memref<!tpu.dma_semaphore, #tpu.memory_space<semaphore_mem>>) src(%arg13 : memref<80x128xf32, #tpu.memory_space<vmem>>) dst(%dma_wait3A_72 : memref<80x128xf32, #tpu.memory_space<vmem_shared>>)
      tpu.yield
    }) : () -> ()
    %barrier3A = arith.constant 0 : index
    tpu.barrier barrier_id(%barrier3A)
    %add3A_37 = arith.constant 0 : i32
    %add3A_38 = arith.addi %mul3A_4, %add3A_37 : i32
    "tpu.region"() ({
      %run_scoped3A = tpu.sem_alloc : memref<!tpu.dma_semaphore, #tpu.memory_space<semaphore_mem>>
      %dma_start3A_65 = tpu.memref_slice %arg3[%add3A_38] : memref<327680xi32, #tpu.memory_space<hbm>> -> memref<128xi32, #tpu.memory_space<hbm>>
      %dma_start3A_66 = tpu.memref_slice %arg3[%add3A_38] : memref<327680xi32, #tpu.memory_space<hbm>> -> memref<128xi32, #tpu.memory_space<hbm>>
      tpu.enqueue_dma source(%dma_start3A_66 : memref<128xi32, #tpu.memory_space<hbm>>) target(%arg7 : memref<128xi32, #tpu.memory_space<vmem>>) target_semaphore(%run_scoped3A : memref<!tpu.dma_semaphore, #tpu.memory_space<semaphore_mem>>)
      %dma_wait3A_67 = tpu.memref_slice %arg3[%add3A_38] : memref<327680xi32, #tpu.memory_space<hbm>> -> memref<128xi32, #tpu.memory_space<hbm>>
      %dma_wait3A_68 = tpu.memref_slice %arg3[%add3A_38] : memref<327680xi32, #tpu.memory_space<hbm>> -> memref<128xi32, #tpu.memory_space<hbm>>
      tpu.wait_dma2 semaphore(%run_scoped3A : memref<!tpu.dma_semaphore, #tpu.memory_space<semaphore_mem>>) src(%dma_wait3A_68 : memref<128xi32, #tpu.memory_space<hbm>>) dst(%arg7 : memref<128xi32, #tpu.memory_space<vmem>>)
      tpu.yield
    }) : () -> ()
    %add3A_39 = arith.constant 0 : i32
    %add3A_40 = arith.addi %mul3A_4, %add3A_39 : i32
    "tpu.region"() ({
      %run_scoped3A = tpu.sem_alloc : memref<!tpu.dma_semaphore, #tpu.memory_space<semaphore_mem>>
      %dma_start3A_65 = tpu.memref_slice %arg4[%add3A_40] : memref<327680xi32, #tpu.memory_space<hbm>> -> memref<128xi32, #tpu.memory_space<hbm>>
      %dma_start3A_66 = tpu.memref_slice %arg4[%add3A_40] : memref<327680xi32, #tpu.memory_space<hbm>> -> memref<128xi32, #tpu.memory_space<hbm>>
      tpu.enqueue_dma source(%dma_start3A_66 : memref<128xi32, #tpu.memory_space<hbm>>) target(%arg8 : memref<128xi32, #tpu.memory_space<vmem>>) target_semaphore(%run_scoped3A : memref<!tpu.dma_semaphore, #tpu.memory_space<semaphore_mem>>)
      %dma_wait3A_67 = tpu.memref_slice %arg4[%add3A_40] : memref<327680xi32, #tpu.memory_space<hbm>> -> memref<128xi32, #tpu.memory_space<hbm>>
      %dma_wait3A_68 = tpu.memref_slice %arg4[%add3A_40] : memref<327680xi32, #tpu.memory_space<hbm>> -> memref<128xi32, #tpu.memory_space<hbm>>
      tpu.wait_dma2 semaphore(%run_scoped3A : memref<!tpu.dma_semaphore, #tpu.memory_space<semaphore_mem>>) src(%dma_wait3A_68 : memref<128xi32, #tpu.memory_space<hbm>>) dst(%arg8 : memref<128xi32, #tpu.memory_space<vmem>>)
      tpu.yield
    }) : () -> ()
    %dma_start3A = arith.constant 0 : i32
    %dma_start3A_41 = arith.constant 0 : i32
    %dma_start3A_42 = tpu.memref_slice %arg2[%dma_start3A, %dma_start3A_41] : memref<10000x128xf32, #tpu.memory_space<hbm>> -> memref<10000x128xf32, #tpu.memory_space<hbm>>
    tpu.enqueue_indirect_dma source(%dma_start3A_42 : memref<10000x128xf32, #tpu.memory_space<hbm>>) target(%arg9 : memref<128x128xf32, #tpu.memory_space<vmem>>) offsets(%arg7 : memref<128xi32, #tpu.memory_space<vmem>>) semaphore(%arg15 : memref<!tpu.dma_semaphore, #tpu.memory_space<semaphore_mem>>)
    %add3A_43 = arith.constant 128 : i32
    %add3A_44 = arith.addi %mul3A_4, %add3A_43 : i32
    "tpu.region"() ({
      %run_scoped3A = tpu.sem_alloc : memref<!tpu.dma_semaphore, #tpu.memory_space<semaphore_mem>>
      %dma_start3A_65 = tpu.memref_slice %arg3[%add3A_44] : memref<327680xi32, #tpu.memory_space<hbm>> -> memref<128xi32, #tpu.memory_space<hbm>>
      %dma_start3A_66 = tpu.memref_slice %arg3[%add3A_44] : memref<327680xi32, #tpu.memory_space<hbm>> -> memref<128xi32, #tpu.memory_space<hbm>>
      tpu.enqueue_dma source(%dma_start3A_66 : memref<128xi32, #tpu.memory_space<hbm>>) target(%arg10 : memref<128xi32, #tpu.memory_space<vmem>>) target_semaphore(%run_scoped3A : memref<!tpu.dma_semaphore, #tpu.memory_space<semaphore_mem>>)
      %dma_wait3A_67 = tpu.memref_slice %arg3[%add3A_44] : memref<327680xi32, #tpu.memory_space<hbm>> -> memref<128xi32, #tpu.memory_space<hbm>>
      %dma_wait3A_68 = tpu.memref_slice %arg3[%add3A_44] : memref<327680xi32, #tpu.memory_space<hbm>> -> memref<128xi32, #tpu.memory_space<hbm>>
      tpu.wait_dma2 semaphore(%run_scoped3A : memref<!tpu.dma_semaphore, #tpu.memory_space<semaphore_mem>>) src(%dma_wait3A_68 : memref<128xi32, #tpu.memory_space<hbm>>) dst(%arg10 : memref<128xi32, #tpu.memory_space<vmem>>)
      tpu.yield
    }) : () -> ()
    %add3A_45 = arith.constant 128 : i32
    %add3A_46 = arith.addi %mul3A_4, %add3A_45 : i32
    "tpu.region"() ({
      %run_scoped3A = tpu.sem_alloc : memref<!tpu.dma_semaphore, #tpu.memory_space<semaphore_mem>>
      %dma_start3A_65 = tpu.memref_slice %arg4[%add3A_46] : memref<327680xi32, #tpu.memory_space<hbm>> -> memref<128xi32, #tpu.memory_space<hbm>>
      %dma_start3A_66 = tpu.memref_slice %arg4[%add3A_46] : memref<327680xi32, #tpu.memory_space<hbm>> -> memref<128xi32, #tpu.memory_space<hbm>>
      tpu.enqueue_dma source(%dma_start3A_66 : memref<128xi32, #tpu.memory_space<hbm>>) target(%arg11 : memref<128xi32, #tpu.memory_space<vmem>>) target_semaphore(%run_scoped3A : memref<!tpu.dma_semaphore, #tpu.memory_space<semaphore_mem>>)
      %dma_wait3A_67 = tpu.memref_slice %arg4[%add3A_46] : memref<327680xi32, #tpu.memory_space<hbm>> -> memref<128xi32, #tpu.memory_space<hbm>>
      %dma_wait3A_68 = tpu.memref_slice %arg4[%add3A_46] : memref<327680xi32, #tpu.memory_space<hbm>> -> memref<128xi32, #tpu.memory_space<hbm>>
      tpu.wait_dma2 semaphore(%run_scoped3A : memref<!tpu.dma_semaphore, #tpu.memory_space<semaphore_mem>>) src(%dma_wait3A_68 : memref<128xi32, #tpu.memory_space<hbm>>) dst(%arg11 : memref<128xi32, #tpu.memory_space<vmem>>)
      tpu.yield
    }) : () -> ()
    %dma_start3A_47 = arith.constant 0 : i32
    %dma_start3A_48 = arith.constant 0 : i32
    %dma_start3A_49 = tpu.memref_slice %arg2[%dma_start3A_47, %dma_start3A_48] : memref<10000x128xf32, #tpu.memory_space<hbm>> -> memref<10000x128xf32, #tpu.memory_space<hbm>>
    tpu.enqueue_indirect_dma source(%dma_start3A_49 : memref<10000x128xf32, #tpu.memory_space<hbm>>) target(%arg12 : memref<128x128xf32, #tpu.memory_space<vmem>>) offsets(%arg10 : memref<128xi32, #tpu.memory_space<vmem>>) semaphore(%arg16 : memref<!tpu.dma_semaphore, #tpu.memory_space<semaphore_mem>>)
    %scan3A = arith.constant 0 : i32
    %scan3A_50 = arith.constant 0 : i32
    %scan3A_51 = arith.constant 40 : i32
    %scan3A_52 = arith.addi %scan3A_50, %scan3A_51 : i32
    %scan3A_53 = arith.constant 1 : i32
    scf.for %scan3A_65 = %scan3A_50 to %scan3A_52 step %scan3A_53  : i32 {
      %mul3A_66 = arith.constant 2 : i32
      %mul3A_67 = arith.muli %mul3A_66, %scan3A_65 : i32
      %dma_wait3A_68 = arith.constant 0 : i32
      %dma_wait3A_69 = arith.constant 0 : i32
      %dma_wait3A_70 = tpu.memref_slice %arg2[%dma_wait3A_68, %dma_wait3A_69] : memref<10000x128xf32, #tpu.memory_space<hbm>> -> memref<10000x128xf32, #tpu.memory_space<hbm>>
      tpu.wait_indirect_dma semaphore(%arg15 : memref<!tpu.dma_semaphore, #tpu.memory_space<semaphore_mem>>) src(%dma_wait3A_70 : memref<10000x128xf32, #tpu.memory_space<hbm>>) dst(%arg9 : memref<128x128xf32, #tpu.memory_space<vmem>>)
      %dma_start3A_71 = arith.constant 0 : i32
      %dma_start3A_72 = arith.constant 0 : i32
      %dma_start3A_73 = tpu.memref_slice %arg14[%dma_start3A_71, %dma_start3A_72] : memref<10240x128xf32, #tpu.memory_space<vmem_shared>> -> memref<10240x128xf32, #tpu.memory_space<vmem_shared>>
      tpu.enqueue_indirect_dma source(%arg9 : memref<128x128xf32, #tpu.memory_space<vmem>>) target(%dma_start3A_73 : memref<10240x128xf32, #tpu.memory_space<vmem_shared>>) offsets(%arg8 : memref<128xi32, #tpu.memory_space<vmem>>) semaphore(%arg17 : memref<!tpu.dma_semaphore, #tpu.memory_space<semaphore_mem>>) {add = true}
      %add3A_74 = arith.constant 2 : i32
      %add3A_75 = arith.addi %mul3A_67, %add3A_74 : i32
      %lt3A = arith.constant 80 : i32
      %lt3A_76 = arith.cmpi slt, %add3A_75, %lt3A : i32
      %convert_element_type3A = arith.extui %lt3A_76 : i1 to i32
      %cond3A = arith.constant 0 : i32
      %cond3A_77 = arith.cmpi ne, %convert_element_type3A, %cond3A : i32
      scf.if %cond3A_77 {
        %dma_wait3A_91 = arith.constant 0 : i32
        %dma_wait3A_92 = arith.constant 0 : i32
        %dma_wait3A_93 = tpu.memref_slice %arg14[%dma_wait3A_91, %dma_wait3A_92] : memref<10240x128xf32, #tpu.memory_space<vmem_shared>> -> memref<10240x128xf32, #tpu.memory_space<vmem_shared>>
        tpu.wait_indirect_dma semaphore(%arg17 : memref<!tpu.dma_semaphore, #tpu.memory_space<semaphore_mem>>) src(%arg9 : memref<128x128xf32, #tpu.memory_space<vmem>>) dst(%dma_wait3A_93 : memref<10240x128xf32, #tpu.memory_space<vmem_shared>>)
        %add3A_94 = arith.constant 2 : i32
        %add3A_95 = arith.addi %mul3A_67, %add3A_94 : i32
        %mul3A_96 = arith.constant 128 : i32
        %mul3A_97 = arith.muli %add3A_95, %mul3A_96 : i32
        %add3A_98 = arith.addi %mul3A_4, %mul3A_97 : i32
        "tpu.region"() ({
          %run_scoped3A = tpu.sem_alloc : memref<!tpu.dma_semaphore, #tpu.memory_space<semaphore_mem>>
          %dma_start3A_105 = tpu.memref_slice %arg3[%add3A_98] : memref<327680xi32, #tpu.memory_space<hbm>> -> memref<128xi32, #tpu.memory_space<hbm>>
          %dma_start3A_106 = tpu.memref_slice %arg3[%add3A_98] : memref<327680xi32, #tpu.memory_space<hbm>> -> memref<128xi32, #tpu.memory_space<hbm>>
          tpu.enqueue_dma source(%dma_start3A_106 : memref<128xi32, #tpu.memory_space<hbm>>) target(%arg7 : memref<128xi32, #tpu.memory_space<vmem>>) target_semaphore(%run_scoped3A : memref<!tpu.dma_semaphore, #tpu.memory_space<semaphore_mem>>)
          %dma_wait3A_107 = tpu.memref_slice %arg3[%add3A_98] : memref<327680xi32, #tpu.memory_space<hbm>> -> memref<128xi32, #tpu.memory_space<hbm>>
          %dma_wait3A_108 = tpu.memref_slice %arg3[%add3A_98] : memref<327680xi32, #tpu.memory_space<hbm>> -> memref<128xi32, #tpu.memory_space<hbm>>
          tpu.wait_dma2 semaphore(%run_scoped3A : memref<!tpu.dma_semaphore, #tpu.memory_space<semaphore_mem>>) src(%dma_wait3A_108 : memref<128xi32, #tpu.memory_space<hbm>>) dst(%arg7 : memref<128xi32, #tpu.memory_space<vmem>>)
          tpu.yield
        }) : () -> ()
        %mul3A_99 = arith.constant 128 : i32
        %mul3A_100 = arith.muli %add3A_95, %mul3A_99 : i32
        %add3A_101 = arith.addi %mul3A_4, %mul3A_100 : i32
        "tpu.region"() ({
          %run_scoped3A = tpu.sem_alloc : memref<!tpu.dma_semaphore, #tpu.memory_space<semaphore_mem>>
          %dma_start3A_105 = tpu.memref_slice %arg4[%add3A_101] : memref<327680xi32, #tpu.memory_space<hbm>> -> memref<128xi32, #tpu.memory_space<hbm>>
          %dma_start3A_106 = tpu.memref_slice %arg4[%add3A_101] : memref<327680xi32, #tpu.memory_space<hbm>> -> memref<128xi32, #tpu.memory_space<hbm>>
          tpu.enqueue_dma source(%dma_start3A_106 : memref<128xi32, #tpu.memory_space<hbm>>) target(%arg8 : memref<128xi32, #tpu.memory_space<vmem>>) target_semaphore(%run_scoped3A : memref<!tpu.dma_semaphore, #tpu.memory_space<semaphore_mem>>)
          %dma_wait3A_107 = tpu.memref_slice %arg4[%add3A_101] : memref<327680xi32, #tpu.memory_space<hbm>> -> memref<128xi32, #tpu.memory_space<hbm>>
          %dma_wait3A_108 = tpu.memref_slice %arg4[%add3A_101] : memref<327680xi32, #tpu.memory_space<hbm>> -> memref<128xi32, #tpu.memory_space<hbm>>
          tpu.wait_dma2 semaphore(%run_scoped3A : memref<!tpu.dma_semaphore, #tpu.memory_space<semaphore_mem>>) src(%dma_wait3A_108 : memref<128xi32, #tpu.memory_space<hbm>>) dst(%arg8 : memref<128xi32, #tpu.memory_space<vmem>>)
          tpu.yield
        }) : () -> ()
        %dma_start3A_102 = arith.constant 0 : i32
        %dma_start3A_103 = arith.constant 0 : i32
        %dma_start3A_104 = tpu.memref_slice %arg2[%dma_start3A_102, %dma_start3A_103] : memref<10000x128xf32, #tpu.memory_space<hbm>> -> memref<10000x128xf32, #tpu.memory_space<hbm>>
        tpu.enqueue_indirect_dma source(%dma_start3A_104 : memref<10000x128xf32, #tpu.memory_space<hbm>>) target(%arg9 : memref<128x128xf32, #tpu.memory_space<vmem>>) offsets(%arg7 : memref<128xi32, #tpu.memory_space<vmem>>) semaphore(%arg15 : memref<!tpu.dma_semaphore, #tpu.memory_space<semaphore_mem>>)
      } else {
      }
      %dma_wait3A_78 = arith.constant 0 : i32
      %dma_wait3A_79 = arith.constant 0 : i32
      %dma_wait3A_80 = tpu.memref_slice %arg2[%dma_wait3A_78, %dma_wait3A_79] : memref<10000x128xf32, #tpu.memory_space<hbm>> -> memref<10000x128xf32, #tpu.memory_space<hbm>>
      tpu.wait_indirect_dma semaphore(%arg16 : memref<!tpu.dma_semaphore, #tpu.memory_space<semaphore_mem>>) src(%dma_wait3A_80 : memref<10000x128xf32, #tpu.memory_space<hbm>>) dst(%arg12 : memref<128x128xf32, #tpu.memory_space<vmem>>)
      %dma_start3A_81 = arith.constant 0 : i32
      %dma_start3A_82 = arith.constant 0 : i32
      %dma_start3A_83 = tpu.memref_slice %arg14[%dma_start3A_81, %dma_start3A_82] : memref<10240x128xf32, #tpu.memory_space<vmem_shared>> -> memref<10240x128xf32, #tpu.memory_space<vmem_shared>>
      tpu.enqueue_indirect_dma source(%arg12 : memref<128x128xf32, #tpu.memory_space<vmem>>) target(%dma_start3A_83 : memref<10240x128xf32, #tpu.memory_space<vmem_shared>>) offsets(%arg11 : memref<128xi32, #tpu.memory_space<vmem>>) semaphore(%arg18 : memref<!tpu.dma_semaphore, #tpu.memory_space<semaphore_mem>>) {add = true}
      %add3A_84 = arith.constant 3 : i32
      %add3A_85 = arith.addi %mul3A_67, %add3A_84 : i32
      %lt3A_86 = arith.constant 80 : i32
      %lt3A_87 = arith.cmpi slt, %add3A_85, %lt3A_86 : i32
      %convert_element_type3A_88 = arith.extui %lt3A_87 : i1 to i32
      %cond3A_89 = arith.constant 0 : i32
      %cond3A_90 = arith.cmpi ne, %convert_element_type3A_88, %cond3A_89 : i32
      scf.if %cond3A_90 {
        %dma_wait3A_91 = arith.constant 0 : i32
        %dma_wait3A_92 = arith.constant 0 : i32
        %dma_wait3A_93 = tpu.memref_slice %arg14[%dma_wait3A_91, %dma_wait3A_92] : memref<10240x128xf32, #tpu.memory_space<vmem_shared>> -> memref<10240x128xf32, #tpu.memory_space<vmem_shared>>
        tpu.wait_indirect_dma semaphore(%arg18 : memref<!tpu.dma_semaphore, #tpu.memory_space<semaphore_mem>>) src(%arg12 : memref<128x128xf32, #tpu.memory_space<vmem>>) dst(%dma_wait3A_93 : memref<10240x128xf32, #tpu.memory_space<vmem_shared>>)
        %add3A_94 = arith.constant 3 : i32
        %add3A_95 = arith.addi %mul3A_67, %add3A_94 : i32
        %mul3A_96 = arith.constant 128 : i32
        %mul3A_97 = arith.muli %add3A_95, %mul3A_96 : i32
        %add3A_98 = arith.addi %mul3A_4, %mul3A_97 : i32
        "tpu.region"() ({
          %run_scoped3A = tpu.sem_alloc : memref<!tpu.dma_semaphore, #tpu.memory_space<semaphore_mem>>
          %dma_start3A_105 = tpu.memref_slice %arg3[%add3A_98] : memref<327680xi32, #tpu.memory_space<hbm>> -> memref<128xi32, #tpu.memory_space<hbm>>
          %dma_start3A_106 = tpu.memref_slice %arg3[%add3A_98] : memref<327680xi32, #tpu.memory_space<hbm>> -> memref<128xi32, #tpu.memory_space<hbm>>
          tpu.enqueue_dma source(%dma_start3A_106 : memref<128xi32, #tpu.memory_space<hbm>>) target(%arg10 : memref<128xi32, #tpu.memory_space<vmem>>) target_semaphore(%run_scoped3A : memref<!tpu.dma_semaphore, #tpu.memory_space<semaphore_mem>>)
          %dma_wait3A_107 = tpu.memref_slice %arg3[%add3A_98] : memref<327680xi32, #tpu.memory_space<hbm>> -> memref<128xi32, #tpu.memory_space<hbm>>
          %dma_wait3A_108 = tpu.memref_slice %arg3[%add3A_98] : memref<327680xi32, #tpu.memory_space<hbm>> -> memref<128xi32, #tpu.memory_space<hbm>>
          tpu.wait_dma2 semaphore(%run_scoped3A : memref<!tpu.dma_semaphore, #tpu.memory_space<semaphore_mem>>) src(%dma_wait3A_108 : memref<128xi32, #tpu.memory_space<hbm>>) dst(%arg10 : memref<128xi32, #tpu.memory_space<vmem>>)
          tpu.yield
        }) : () -> ()
        %mul3A_99 = arith.constant 128 : i32
        %mul3A_100 = arith.muli %add3A_95, %mul3A_99 : i32
        %add3A_101 = arith.addi %mul3A_4, %mul3A_100 : i32
        "tpu.region"() ({
          %run_scoped3A = tpu.sem_alloc : memref<!tpu.dma_semaphore, #tpu.memory_space<semaphore_mem>>
          %dma_start3A_105 = tpu.memref_slice %arg4[%add3A_101] : memref<327680xi32, #tpu.memory_space<hbm>> -> memref<128xi32, #tpu.memory_space<hbm>>
          %dma_start3A_106 = tpu.memref_slice %arg4[%add3A_101] : memref<327680xi32, #tpu.memory_space<hbm>> -> memref<128xi32, #tpu.memory_space<hbm>>
          tpu.enqueue_dma source(%dma_start3A_106 : memref<128xi32, #tpu.memory_space<hbm>>) target(%arg11 : memref<128xi32, #tpu.memory_space<vmem>>) target_semaphore(%run_scoped3A : memref<!tpu.dma_semaphore, #tpu.memory_space<semaphore_mem>>)
          %dma_wait3A_107 = tpu.memref_slice %arg4[%add3A_101] : memref<327680xi32, #tpu.memory_space<hbm>> -> memref<128xi32, #tpu.memory_space<hbm>>
          %dma_wait3A_108 = tpu.memref_slice %arg4[%add3A_101] : memref<327680xi32, #tpu.memory_space<hbm>> -> memref<128xi32, #tpu.memory_space<hbm>>
          tpu.wait_dma2 semaphore(%run_scoped3A : memref<!tpu.dma_semaphore, #tpu.memory_space<semaphore_mem>>) src(%dma_wait3A_108 : memref<128xi32, #tpu.memory_space<hbm>>) dst(%arg11 : memref<128xi32, #tpu.memory_space<vmem>>)
          tpu.yield
        }) : () -> ()
        %dma_start3A_102 = arith.constant 0 : i32
        %dma_start3A_103 = arith.constant 0 : i32
        %dma_start3A_104 = tpu.memref_slice %arg2[%dma_start3A_102, %dma_start3A_103] : memref<10000x128xf32, #tpu.memory_space<hbm>> -> memref<10000x128xf32, #tpu.memory_space<hbm>>
        tpu.enqueue_indirect_dma source(%dma_start3A_104 : memref<10000x128xf32, #tpu.memory_space<hbm>>) target(%arg12 : memref<128x128xf32, #tpu.memory_space<vmem>>) offsets(%arg10 : memref<128xi32, #tpu.memory_space<vmem>>) semaphore(%arg16 : memref<!tpu.dma_semaphore, #tpu.memory_space<semaphore_mem>>)
      } else {
      }
    }
    %scan3A_54 = arith.constant 40 : i32
    %dma_wait3A = arith.constant 0 : i32
    %dma_wait3A_55 = arith.constant 0 : i32
    %dma_wait3A_56 = tpu.memref_slice %arg14[%dma_wait3A, %dma_wait3A_55] : memref<10240x128xf32, #tpu.memory_space<vmem_shared>> -> memref<10240x128xf32, #tpu.memory_space<vmem_shared>>
    tpu.wait_indirect_dma semaphore(%arg17 : memref<!tpu.dma_semaphore, #tpu.memory_space<semaphore_mem>>) src(%arg9 : memref<128x128xf32, #tpu.memory_space<vmem>>) dst(%dma_wait3A_56 : memref<10240x128xf32, #tpu.memory_space<vmem_shared>>)
    %dma_wait3A_57 = arith.constant 0 : i32
    %dma_wait3A_58 = arith.constant 0 : i32
    %dma_wait3A_59 = tpu.memref_slice %arg14[%dma_wait3A_57, %dma_wait3A_58] : memref<10240x128xf32, #tpu.memory_space<vmem_shared>> -> memref<10240x128xf32, #tpu.memory_space<vmem_shared>>
    tpu.wait_indirect_dma semaphore(%arg18 : memref<!tpu.dma_semaphore, #tpu.memory_space<semaphore_mem>>) src(%arg12 : memref<128x128xf32, #tpu.memory_space<vmem>>) dst(%dma_wait3A_59 : memref<10240x128xf32, #tpu.memory_space<vmem_shared>>)
    %barrier3A_60 = arith.constant 0 : index
    tpu.barrier barrier_id(%barrier3A_60)
    %mul3A_61 = arith.constant 640 : i32
    %mul3A_62 = arith.muli %arg1, %mul3A_61 : i32
    %mul3A_63 = arith.constant 640 : i32
    %mul3A_64 = arith.muli %arg1, %mul3A_63 : i32
    "tpu.region"() ({
      %run_scoped3A = tpu.sem_alloc : memref<!tpu.dma_semaphore, #tpu.memory_space<semaphore_mem>>
      %dma_start3A_65 = arith.constant 0 : i32
      %dma_start3A_66 = tpu.memref_slice %arg6[%arg0, %mul3A_64, %dma_start3A_65] : memref<2x10240x128xf32, #tpu.memory_space<hbm>> -> memref<1x640x128xf32, #tpu.memory_space<hbm>>
      %dma_start3A_67 = tpu.memref_squeeze %dma_start3A_66 : memref<1x640x128xf32, #tpu.memory_space<hbm>> -> memref<640x128xf32, #tpu.memory_space<hbm>>
      %dma_start3A_68 = arith.constant 0 : i32
      %dma_start3A_69 = tpu.memref_slice %arg14[%mul3A_62, %dma_start3A_68] : memref<10240x128xf32, #tpu.memory_space<vmem_shared>> -> memref<640x128xf32, #tpu.memory_space<vmem_shared>>
      tpu.enqueue_dma source(%dma_start3A_69 : memref<640x128xf32, #tpu.memory_space<vmem_shared>>) target(%dma_start3A_67 : memref<640x128xf32, #tpu.memory_space<hbm>>) target_semaphore(%run_scoped3A : memref<!tpu.dma_semaphore, #tpu.memory_space<semaphore_mem>>)
      %dma_wait3A_70 = arith.constant 0 : i32
      %dma_wait3A_71 = tpu.memref_slice %arg6[%arg0, %mul3A_64, %dma_wait3A_70] : memref<2x10240x128xf32, #tpu.memory_space<hbm>> -> memref<1x640x128xf32, #tpu.memory_space<hbm>>
      %dma_wait3A_72 = tpu.memref_squeeze %dma_wait3A_71 : memref<1x640x128xf32, #tpu.memory_space<hbm>> -> memref<640x128xf32, #tpu.memory_space<hbm>>
      %dma_wait3A_73 = arith.constant 0 : i32
      %dma_wait3A_74 = tpu.memref_slice %arg14[%mul3A_62, %dma_wait3A_73] : memref<10240x128xf32, #tpu.memory_space<vmem_shared>> -> memref<640x128xf32, #tpu.memory_space<vmem_shared>>
      tpu.wait_dma2 semaphore(%run_scoped3A : memref<!tpu.dma_semaphore, #tpu.memory_space<semaphore_mem>>) src(%dma_wait3A_74 : memref<640x128xf32, #tpu.memory_space<vmem_shared>>) dst(%dma_wait3A_72 : memref<640x128xf32, #tpu.memory_space<hbm>>)
      tpu.yield
    }) : () -> ()
    return
  }
}

module attributes {stable_mosaic.version = 14 : i64} {
  func.func @_tc_layer_body(%arg0: i32, %arg1: memref<2000x128xf32, #tpu.memory_space<vmem>>, %arg2: memref<2x2000x128xf32, #tpu.memory_space<vmem>>, %arg3: memref<2x2000x128xf32, #tpu.memory_space<vmem>>, %arg4: memref<128x128xf32, #tpu.memory_space<vmem>>, %arg5: memref<1x128xf32, #tpu.memory_space<vmem>>, %arg6: memref<128x128xf32, #tpu.memory_space<vmem>>, %arg7: memref<2000x128xf32, #tpu.memory_space<vmem>>) attributes {dimension_semantics = [#tpu.dimension_semantics<arbitrary>], iteration_bounds = array<i64: 5>, scalar_prefetch = 0 : i64, scratch_operands = 0 : i64, tpu.core_type = #tpu.core_type<tc>, window_params = [{transform_indices = @transform_0, window_bounds = array<i64: 2000, 128>}, {transform_indices = @transform_1, window_bounds = array<i64: 2, 2000, 128>}, {transform_indices = @transform_2, window_bounds = array<i64: 2, 2000, 128>}, {pipeline_mode = #tpu.pipeline_mode<synchronous>, transform_indices = @transform_3, window_bounds = array<i64: 128, 128>}, {pipeline_mode = #tpu.pipeline_mode<synchronous>, transform_indices = @transform_4, window_bounds = array<i64: 1, 128>}, {pipeline_mode = #tpu.pipeline_mode<synchronous>, transform_indices = @transform_5, window_bounds = array<i64: 128, 128>}, {transform_indices = @transform_6, window_bounds = array<i64: 2000, 128>}]} {
    %get3A = arith.constant 0 : index
    %get3A_0 = arith.constant 0 : index
    %get3A_1 = arith.constant 0 : index
    %get3A_2 = vector.load %arg3[%get3A, %get3A_0, %get3A_1] : memref<2x2000x128xf32, #tpu.memory_space<vmem>>, vector<1x2000x1xf32>
    %get3A_3 = vector.shape_cast %get3A_2 : vector<1x2000x1xf32> to vector<2000x1xf32>
    %get3A_4 = arith.constant 1 : index
    %get3A_5 = arith.constant 0 : index
    %get3A_6 = arith.constant 0 : index
    %get3A_7 = vector.load %arg3[%get3A_4, %get3A_5, %get3A_6] : memref<2x2000x128xf32, #tpu.memory_space<vmem>>, vector<1x2000x1xf32>
    %get3A_8 = vector.shape_cast %get3A_7 : vector<1x2000x1xf32> to vector<2000x1xf32>
    %add3A = arith.addf %get3A_3, %get3A_8 : vector<2000x1xf32>
    %get3A_9 = arith.constant 0 : index
    %get3A_10 = arith.constant 0 : index
    %get3A_11 = arith.constant 0 : index
    %get3A_12 = vector.load %arg2[%get3A_9, %get3A_10, %get3A_11] : memref<2x2000x128xf32, #tpu.memory_space<vmem>>, vector<1x2000x128xf32>
    %get3A_13 = vector.shape_cast %get3A_12 : vector<1x2000x128xf32> to vector<2000x128xf32>
    %get3A_14 = arith.constant 1 : index
    %get3A_15 = arith.constant 0 : index
    %get3A_16 = arith.constant 0 : index
    %get3A_17 = vector.load %arg2[%get3A_14, %get3A_15, %get3A_16] : memref<2x2000x128xf32, #tpu.memory_space<vmem>>, vector<1x2000x128xf32>
    %get3A_18 = vector.shape_cast %get3A_17 : vector<1x2000x128xf32> to vector<2000x128xf32>
    %add3A_19 = arith.addf %get3A_13, %get3A_18 : vector<2000x128xf32>
    %max3A = arith.constant 1.000000e+00 : f32
    %max3A_20 = vector.broadcast %max3A : f32 to vector<2000x1xf32>
    %max3A_21 = arith.maximumf %add3A, %max3A_20 : vector<2000x1xf32>
    %div3A = arith.constant 1.000000e+00 : f32
    %div3A_22 = vector.broadcast %div3A : f32 to vector<2000x1xf32>
    %div3A_23 = arith.divf %div3A_22, %max3A_21 : vector<2000x1xf32>
    %mul3A = vector.broadcast %div3A_23 : vector<2000x1xf32> to vector<2000x128xf32>
    %mul3A_24 = arith.mulf %add3A_19, %mul3A : vector<2000x128xf32>
    %get3A_25 = arith.constant 0 : index
    %get3A_26 = arith.constant 0 : index
    %get3A_27 = vector.load %arg4[%get3A_25, %get3A_26] : memref<128x128xf32, #tpu.memory_space<vmem>>, vector<128x128xf32>
    %dot_general3A = arith.constant dense<0.000000e+00> : vector<2000x128xf32>
    %dot_general3A_28 = tpu.matmul %mul3A_24, %get3A_27, %dot_general3A {dimension_numbers = #tpu.dot_dimension_numbers<[1], [0], [0], [1], [0, 0, 1, 1], [], []>, transpose_lhs_hint = false} : vector<2000x128xf32>, vector<128x128xf32>, vector<2000x128xf32> -> vector<2000x128xf32>
    %get3A_29 = arith.constant 0 : index
    %get3A_30 = arith.constant 0 : index
    %get3A_31 = vector.load %arg5[%get3A_29, %get3A_30] : memref<1x128xf32, #tpu.memory_space<vmem>>, vector<1x128xf32>
    %add3A_32 = vector.broadcast %get3A_31 : vector<1x128xf32> to vector<2000x128xf32>
    %add3A_33 = arith.addf %dot_general3A_28, %add3A_32 : vector<2000x128xf32>
    %get3A_34 = arith.constant 0 : index
    %get3A_35 = arith.constant 0 : index
    %get3A_36 = vector.load %arg1[%get3A_34, %get3A_35] : memref<2000x128xf32, #tpu.memory_space<vmem>>, vector<2000x128xf32>
    %get3A_37 = arith.constant 0 : index
    %get3A_38 = arith.constant 0 : index
    %get3A_39 = vector.load %arg6[%get3A_37, %get3A_38] : memref<128x128xf32, #tpu.memory_space<vmem>>, vector<128x128xf32>
    %dot_general3A_40 = arith.constant dense<0.000000e+00> : vector<2000x128xf32>
    %dot_general3A_41 = tpu.matmul %get3A_36, %get3A_39, %dot_general3A_40 {dimension_numbers = #tpu.dot_dimension_numbers<[1], [0], [0], [1], [0, 0, 1, 1], [], []>, transpose_lhs_hint = false} : vector<2000x128xf32>, vector<128x128xf32>, vector<2000x128xf32> -> vector<2000x128xf32>
    %add3A_42 = arith.addf %add3A_33, %dot_general3A_41 : vector<2000x128xf32>
    %max3A_43 = arith.constant 0.000000e+00 : f32
    %max3A_44 = vector.broadcast %max3A_43 : f32 to vector<2000x128xf32>
    %max3A_45 = arith.maximumf %add3A_42, %max3A_44 : vector<2000x128xf32>
    %swap3A = arith.constant 0 : index
    %swap3A_46 = arith.constant 0 : index
    %swap3A_47 = vector.load %arg7[%swap3A, %swap3A_46] : memref<2000x128xf32, #tpu.memory_space<vmem>>, vector<2000x128xf32>
    tpu.vector_store %arg7[%swap3A, %swap3A_46], %max3A_45 {strides = array<i32>} : memref<2000x128xf32, #tpu.memory_space<vmem>>, vector<2000x128xf32>,
    return
  }
  func.func @transform_0(%arg0: i32) -> (i32, i32) {
    %c0_i32 = arith.constant 0 : i32
    %c0_i32_0 = arith.constant 0 : i32
    return %arg0, %c0_i32 : i32, i32
  }
  func.func @transform_1(%arg0: i32) -> (i32, i32, i32) {
    %c0_i32 = arith.constant 0 : i32
    %c0_i32_0 = arith.constant 0 : i32
    %c0_i32_1 = arith.constant 0 : i32
    return %c0_i32, %arg0, %c0_i32_0 : i32, i32, i32
  }
  func.func @transform_2(%arg0: i32) -> (i32, i32, i32) {
    %c0_i32 = arith.constant 0 : i32
    %c0_i32_0 = arith.constant 0 : i32
    %c0_i32_1 = arith.constant 0 : i32
    return %c0_i32, %arg0, %c0_i32_0 : i32, i32, i32
  }
  func.func @transform_3(%arg0: i32) -> (i32, i32) {
    %c0_i32 = arith.constant 0 : i32
    %c0_i32_0 = arith.constant 0 : i32
    %c0_i32_1 = arith.constant 0 : i32
    return %c0_i32, %c0_i32_0 : i32, i32
  }
  func.func @transform_4(%arg0: i32) -> (i32, i32) {
    %c0_i32 = arith.constant 0 : i32
    %c0_i32_0 = arith.constant 0 : i32
    %c0_i32_1 = arith.constant 0 : i32
    return %c0_i32, %c0_i32_0 : i32, i32
  }
  func.func @transform_5(%arg0: i32) -> (i32, i32) {
    %c0_i32 = arith.constant 0 : i32
    %c0_i32_0 = arith.constant 0 : i32
    %c0_i32_1 = arith.constant 0 : i32
    return %c0_i32, %c0_i32_0 : i32, i32
  }
  func.func @transform_6(%arg0: i32) -> (i32, i32) {
    %c0_i32 = arith.constant 0 : i32
    %c0_i32_0 = arith.constant 0 : i32
    return %arg0, %c0_i32 : i32, i32
  }
}

module attributes {stable_mosaic.version = 14 : i64} {
  func.func @_tc_layer_body(%arg0: i32, %arg1: memref<2000x128xf32, #tpu.memory_space<vmem>>, %arg2: memref<2x2000x128xf32, #tpu.memory_space<vmem>>, %arg3: memref<2x2000x128xf32, #tpu.memory_space<vmem>>, %arg4: memref<128x128xf32, #tpu.memory_space<vmem>>, %arg5: memref<1x128xf32, #tpu.memory_space<vmem>>, %arg6: memref<128x128xf32, #tpu.memory_space<vmem>>, %arg7: memref<2000x128xf32, #tpu.memory_space<vmem>>) attributes {dimension_semantics = [#tpu.dimension_semantics<arbitrary>], iteration_bounds = array<i64: 5>, scalar_prefetch = 0 : i64, scratch_operands = 0 : i64, tpu.core_type = #tpu.core_type<tc>, window_params = [{transform_indices = @transform_0, window_bounds = array<i64: 2000, 128>}, {transform_indices = @transform_1, window_bounds = array<i64: 2, 2000, 128>}, {transform_indices = @transform_2, window_bounds = array<i64: 2, 2000, 128>}, {pipeline_mode = #tpu.pipeline_mode<synchronous>, transform_indices = @transform_3, window_bounds = array<i64: 128, 128>}, {pipeline_mode = #tpu.pipeline_mode<synchronous>, transform_indices = @transform_4, window_bounds = array<i64: 1, 128>}, {pipeline_mode = #tpu.pipeline_mode<synchronous>, transform_indices = @transform_5, window_bounds = array<i64: 128, 128>}, {transform_indices = @transform_6, window_bounds = array<i64: 2000, 128>}]} {
    %get3A = arith.constant 0 : index
    %get3A_0 = arith.constant 0 : index
    %get3A_1 = arith.constant 0 : index
    %get3A_2 = vector.load %arg3[%get3A, %get3A_0, %get3A_1] : memref<2x2000x128xf32, #tpu.memory_space<vmem>>, vector<1x2000x1xf32>
    %get3A_3 = vector.shape_cast %get3A_2 : vector<1x2000x1xf32> to vector<2000x1xf32>
    %get3A_4 = arith.constant 1 : index
    %get3A_5 = arith.constant 0 : index
    %get3A_6 = arith.constant 0 : index
    %get3A_7 = vector.load %arg3[%get3A_4, %get3A_5, %get3A_6] : memref<2x2000x128xf32, #tpu.memory_space<vmem>>, vector<1x2000x1xf32>
    %get3A_8 = vector.shape_cast %get3A_7 : vector<1x2000x1xf32> to vector<2000x1xf32>
    %add3A = arith.addf %get3A_3, %get3A_8 : vector<2000x1xf32>
    %get3A_9 = arith.constant 0 : index
    %get3A_10 = arith.constant 0 : index
    %get3A_11 = arith.constant 0 : index
    %get3A_12 = vector.load %arg2[%get3A_9, %get3A_10, %get3A_11] : memref<2x2000x128xf32, #tpu.memory_space<vmem>>, vector<1x2000x128xf32>
    %get3A_13 = vector.shape_cast %get3A_12 : vector<1x2000x128xf32> to vector<2000x128xf32>
    %get3A_14 = arith.constant 1 : index
    %get3A_15 = arith.constant 0 : index
    %get3A_16 = arith.constant 0 : index
    %get3A_17 = vector.load %arg2[%get3A_14, %get3A_15, %get3A_16] : memref<2x2000x128xf32, #tpu.memory_space<vmem>>, vector<1x2000x128xf32>
    %get3A_18 = vector.shape_cast %get3A_17 : vector<1x2000x128xf32> to vector<2000x128xf32>
    %add3A_19 = arith.addf %get3A_13, %get3A_18 : vector<2000x128xf32>
    %max3A = arith.constant 1.000000e+00 : f32
    %max3A_20 = vector.broadcast %max3A : f32 to vector<2000x1xf32>
    %max3A_21 = arith.maximumf %add3A, %max3A_20 : vector<2000x1xf32>
    %div3A = arith.constant 1.000000e+00 : f32
    %div3A_22 = vector.broadcast %div3A : f32 to vector<2000x1xf32>
    %div3A_23 = arith.divf %div3A_22, %max3A_21 : vector<2000x1xf32>
    %mul3A = vector.broadcast %div3A_23 : vector<2000x1xf32> to vector<2000x128xf32>
    %mul3A_24 = arith.mulf %add3A_19, %mul3A : vector<2000x128xf32>
    %get3A_25 = arith.constant 0 : index
    %get3A_26 = arith.constant 0 : index
    %get3A_27 = vector.load %arg4[%get3A_25, %get3A_26] : memref<128x128xf32, #tpu.memory_space<vmem>>, vector<128x128xf32>
    %dot_general3A = arith.constant dense<0.000000e+00> : vector<2000x128xf32>
    %dot_general3A_28 = tpu.matmul %mul3A_24, %get3A_27, %dot_general3A {dimension_numbers = #tpu.dot_dimension_numbers<[1], [0], [0], [1], [0, 0, 1, 1], [], []>, transpose_lhs_hint = false} : vector<2000x128xf32>, vector<128x128xf32>, vector<2000x128xf32> -> vector<2000x128xf32>
    %get3A_29 = arith.constant 0 : index
    %get3A_30 = arith.constant 0 : index
    %get3A_31 = vector.load %arg5[%get3A_29, %get3A_30] : memref<1x128xf32, #tpu.memory_space<vmem>>, vector<1x128xf32>
    %add3A_32 = vector.broadcast %get3A_31 : vector<1x128xf32> to vector<2000x128xf32>
    %add3A_33 = arith.addf %dot_general3A_28, %add3A_32 : vector<2000x128xf32>
    %get3A_34 = arith.constant 0 : index
    %get3A_35 = arith.constant 0 : index
    %get3A_36 = vector.load %arg1[%get3A_34, %get3A_35] : memref<2000x128xf32, #tpu.memory_space<vmem>>, vector<2000x128xf32>
    %get3A_37 = arith.constant 0 : index
    %get3A_38 = arith.constant 0 : index
    %get3A_39 = vector.load %arg6[%get3A_37, %get3A_38] : memref<128x128xf32, #tpu.memory_space<vmem>>, vector<128x128xf32>
    %dot_general3A_40 = arith.constant dense<0.000000e+00> : vector<2000x128xf32>
    %dot_general3A_41 = tpu.matmul %get3A_36, %get3A_39, %dot_general3A_40 {dimension_numbers = #tpu.dot_dimension_numbers<[1], [0], [0], [1], [0, 0, 1, 1], [], []>, transpose_lhs_hint = false} : vector<2000x128xf32>, vector<128x128xf32>, vector<2000x128xf32> -> vector<2000x128xf32>
    %add3A_42 = arith.addf %add3A_33, %dot_general3A_41 : vector<2000x128xf32>
    %max3A_43 = arith.constant 0.000000e+00 : f32
    %max3A_44 = vector.broadcast %max3A_43 : f32 to vector<2000x128xf32>
    %max3A_45 = arith.maximumf %add3A_42, %max3A_44 : vector<2000x128xf32>
    %swap3A = arith.constant 0 : index
    %swap3A_46 = arith.constant 0 : index
    %swap3A_47 = vector.load %arg7[%swap3A, %swap3A_46] : memref<2000x128xf32, #tpu.memory_space<vmem>>, vector<2000x128xf32>
    tpu.vector_store %arg7[%swap3A, %swap3A_46], %max3A_45 {strides = array<i32>} : memref<2000x128xf32, #tpu.memory_space<vmem>>, vector<2000x128xf32>,
    return
  }
  func.func @transform_0(%arg0: i32) -> (i32, i32) {
    %c0_i32 = arith.constant 0 : i32
    %c0_i32_0 = arith.constant 0 : i32
    return %arg0, %c0_i32 : i32, i32
  }
  func.func @transform_1(%arg0: i32) -> (i32, i32, i32) {
    %c0_i32 = arith.constant 0 : i32
    %c0_i32_0 = arith.constant 0 : i32
    %c0_i32_1 = arith.constant 0 : i32
    return %c0_i32, %arg0, %c0_i32_0 : i32, i32, i32
  }
  func.func @transform_2(%arg0: i32) -> (i32, i32, i32) {
    %c0_i32 = arith.constant 0 : i32
    %c0_i32_0 = arith.constant 0 : i32
    %c0_i32_1 = arith.constant 0 : i32
    return %c0_i32, %arg0, %c0_i32_0 : i32, i32, i32
  }
  func.func @transform_3(%arg0: i32) -> (i32, i32) {
    %c0_i32 = arith.constant 0 : i32
    %c0_i32_0 = arith.constant 0 : i32
    %c0_i32_1 = arith.constant 0 : i32
    return %c0_i32, %c0_i32_0 : i32, i32
  }
  func.func @transform_4(%arg0: i32) -> (i32, i32) {
    %c0_i32 = arith.constant 0 : i32
    %c0_i32_0 = arith.constant 0 : i32
    %c0_i32_1 = arith.constant 0 : i32
    return %c0_i32, %c0_i32_0 : i32, i32
  }
  func.func @transform_5(%arg0: i32) -> (i32, i32) {
    %c0_i32 = arith.constant 0 : i32
    %c0_i32_0 = arith.constant 0 : i32
    %c0_i32_1 = arith.constant 0 : i32
    return %c0_i32, %c0_i32_0 : i32, i32
  }
  func.func @transform_6(%arg0: i32) -> (i32, i32) {
    %c0_i32 = arith.constant 0 : i32
    %c0_i32_0 = arith.constant 0 : i32
    return %arg0, %c0_i32 : i32, i32
  }
}

</mosaic_0001>

<sc_bundles>
// kernel: kernel.10.cloned.1.call-start
scs
__scs_entry_jumppad:
0x0: {  	(pc) =	sbr.rel $0x88, $3  }
0x1: {  	(tag) =	ssettag $0x0;
	lr =	simm.s32 $0x1  }
0x2: {  	[smem:$0x3F99] =	sst lr;
	_ =	strace $0xD0000000  }
0x3: {  	_ = 	snop  }
0x4: {  	_ = 	snop  }
0x5: {  	_ = 	snop  }
0x6: {  	_ = 	snop  }
0x7: {  	_ = 	snop  }
__scs_overlays_trampoline_lowered:
0x8: {  	[smem:$0x3FA8] =	sst s0  }
0x9: {  	[smem:$0x3FA9] =	sst s1  }
0xa: {  	[smem:$0x3FAA] =	sst s2  }
0xb: {  	[smem:$0x3FAB] =	sst s3  }
0xc: {  	[smem:$0x3FAC] =	sst s4  }
0xd: {  	[smem:$0x3FAD] =	sst s5  }
0xe: {  	[smem:$0x3FAE] =	sst s6  }
0xf: {  	[smem:$0x3FAF] =	sst s7  }
0x10: {  	[smem:$0x3FB0] =	sst s8  }
0x11: {  	[smem:$0x3FB1] =	sst s9;
	s0 =	simm.s32 @!p0 $0x0  }
0x12: {  	s1 =	sld [smem:$0x3F97];
	s0 =	simm.s32 @p0 $0x1  }
0x13: {  	[smem:$0x3FB2] =	sst s0;
	s0 =	simm.s32 @!p1 $0x0  }
0x14: {  	s2 =	sld [smem:$0x3F96];
	s0 =	simm.s32 @p1 $0x1  }
0x15: {  	[smem:$0x3FB3] =	sst s0;
	s0 =	simm.s32 @!p2 $0x0  }
0x16: {  	s3 =	sld [smem:$0x3FDB];
	s0 =	simm.s32 @p2 $0x1  }
0x17: {  	s4 =	simm.s32 $0x1BF5;
	[smem:$0x3FB5] =	sst s0  }
0x18: {  	s0 =	sld [smem:$0x3F98];
	_ =	swait.ge [sflag:s4], $0x0  }
0x19: {  	s7 =	sld [smem:$0x3F99]  }
0x1a: {  	s8 =	sadd.s32 $0xFFFFE003, lr  }
0x1b: {  	s9 =	sadd.s32 $0xFFFFFEF7, lr;
	s5 =	simm.s32 $0xFFFFFFFF;
	p2 =	slt.u32 s8, $0xFFFFF086  }
0x1c: {  	p1 =	slt.u32 s9, $0xF7A;
	s5 =	simm.s32 @!p2 $0x0  }
0x1d: {  	s5 =	simm.s32 @p1 $0x1;
	p0 =	seq.s32 s7, s2  }
0x1e: {  	s7 =	smul.u32 @!p0 $0xF7A, s2;
	p2 =	seq.s32 @!p0 s5, $0x0  }
0x1f: {  	s9 =	smul.u32 $0xF7A, s1;
	s8 =	simm.s32 @!p0 $0x1BF5;
	p2 =	por !p2, p0  }
0x20: {  	[sflag:s8] =	ssyncset.s32 @!p0 $0xFFFFF086;
	s6 =	sadd.s32 @!p0 s3, s7;
	s7 =	simm.s32 @!p0 $0x108  }
0x21: {  	s3 =	sadd.s32 s3, s9;
	s6 =	sadd.s32 @!p0 $0x88, s6;
	s7 =	simm.s32 @p2 $0x1082  }
0x22: {  	[simem:s7], [sflag:s8] =	dma.local @!p0 [hbm:s6], $0xF7A  }
0x23: {  	s9 =	sor.u32 $0xD0000000, s2;
	s6 =	simm.s32 $0x108;
	_ =	swait.ge @!p0 [sflag:s8], $0x0  }
0x24: {  	s3 =	sadd.s32 $0x88, s3;
	s6 =	simm.s32 @!p1 $0x1082;
	[sflag:s4] =	ssyncset.s32 $0xFFFFF086  }
0x25: {  	[simem:s6], [sflag:s4] =	dma.local [hbm:s3], $0xF7A  }
0x26: {  	[smem:$0x3F99] =	sst s1;
	(tag) =	ssettag s2;
	_ =	strace s9  }
0x27: {  	s1 =	sld [smem:$0x3FA9]  }
0x28: {  	s2 =	sld [smem:$0x3FAA]  }
0x29: {  	s4 =	sld [smem:$0x3FAC]  }
0x2a: {  	p0 =	seq.s32 s5, $0x0;
	s5 =	sld [smem:$0x3FAD]  }
0x2b: {  	s6 =	sld [smem:$0x3FAE]  }
0x2c: {  	s7 =	sld [smem:$0x3FAF]  }
0x2d: {  	s3 =	simm.s32 $0x108;
	s8 =	sld [smem:$0x3FB0]  }
0x2e: {  	s3 =	simm.s32 @!p0 $0x1082;
	s9 =	sld [smem:$0x3FB1]  }
0x2f: {  	lr =	sadd.s32 s0, s3;
	s0 =	sld [smem:$0x3FA8]  }
0x30: {  	s3 =	sld [smem:$0x3FAB]  }
0x31: {  	[smem:$0x3FB4] =	sst s10  }
0x32: {  	s10 =	sld [smem:$0x3FB2];
	_ =	sdelay $0x3  }
0x33: {  	p0 =	seq.s32 s10, $0x1;
	s10 =	sld [smem:$0x3FB4];
	_ =	sdelay $0x3  }
0x34: {  	[smem:$0x3FB4] =	sst s10  }
0x35: {  	s10 =	sld [smem:$0x3FB3];
	_ =	sdelay $0x3  }
0x36: {  	p1 =	seq.s32 s10, $0x1;
	s10 =	sld [smem:$0x3FB4];
	_ =	sdelay $0x3  }
0x37: {  	[smem:$0x3FB4] =	sst s10  }
0x38: {  	s10 =	sld [smem:$0x3FB5]  }
0x39: {  	_ = 	snop;
	(pc) =	sbr.ind lr, $3  }
0x3a: {  	_ = 	snop  }
0x3b: {  	_ = 	snop  }
0x3c: {  	p2 =	seq.s32 s10, $0x1;
	s10 =	sld [smem:$0x3FB4]  }
0x3d: {  	_ =	shalt  }
0x3e: {  	_ =	shalt  }
0x3f: {  	_ =	shalt  }
0x40: {  	_ =	shalt  }
0x41: {  	_ =	shalt  }
0x42: {  	_ =	shalt  }
0x43: {  	_ =	shalt  }
0x44: {  	_ =	shalt  }
0x45: {  	_ =	shalt  }
0x46: {  	_ =	shalt  }
0x47: {  	_ =	shalt  }
0x48: {  	_ =	shalt  }
0x49: {  	_ =	shalt  }
0x4a: {  	_ =	shalt  }
0x4b: {  	_ =	shalt  }
0x4c: {  	_ =	shalt  }
0x4d: {  	_ =	shalt  }
0x4e: {  	_ =	shalt  }
0x4f: {  	_ =	shalt  }
0x50: {  	_ =	shalt  }
0x51: {  	_ =	shalt  }
0x52: {  	_ =	shalt  }
0x53: {  	_ =	shalt  }
0x54: {  	_ =	shalt  }
0x55: {  	_ =	shalt  }
0x56: {  	_ =	shalt  }
0x57: {  	_ =	shalt  }
0x58: {  	_ =	shalt  }
0x59: {  	_ =	shalt  }
0x5a: {  	_ =	shalt  }
0x5b: {  	_ =	shalt  }
0x5c: {  	_ =	shalt  }
0x5d: {  	_ =	shalt  }
0x5e: {  	_ =	shalt  }
0x5f: {  	_ =	shalt  }
0x60: {  	_ =	shalt  }
0x61: {  	_ =	shalt  }
0x62: {  	_ =	shalt  }
0x63: {  	_ =	shalt  }
0x64: {  	_ =	shalt  }
0x65: {  	_ =	shalt  }
0x66: {  	_ =	shalt  }
0x67: {  	_ =	shalt  }
0x68: {  	_ =	shalt  }
0x69: {  	_ =	shalt  }
0x6a: {  	_ =	shalt  }
0x6b: {  	_ =	shalt  }
0x6c: {  	_ =	shalt  }
0x6d: {  	_ =	shalt  }
0x6e: {  	_ =	shalt  }
0x6f: {  	_ =	shalt  }
0x70: {  	_ =	shalt  }
0x71: {  	_ =	shalt  }
0x72: {  	_ =	shalt  }
0x73: {  	_ =	shalt  }
0x74: {  	_ =	shalt  }
0x75: {  	_ =	shalt  }
0x76: {  	_ =	shalt  }
0x77: {  	_ =	shalt  }
0x78: {  	_ =	shalt  }
0x79: {  	_ =	shalt  }
0x7a: {  	_ =	shalt  }
0x7b: {  	_ =	shalt  }
0x7c: {  	_ =	shalt  }
0x7d: {  	_ =	shalt  }
0x7e: {  	_ =	shalt  }
0x7f: {  	_ =	shalt  }
0x80: {  	_ =	shalt  }
0x81: {  	_ =	shalt  }
0x82: {  	_ =	shalt  }
0x83: {  	_ =	shalt  }
0x84: {  	_ =	shalt  }
0x85: {  	_ =	shalt  }
0x86: {  	_ =	shalt  }
0x87: {  	_ =	shalt  }
.Lfunc_end0:
.L_simem_size_0:
called_computation.1_lowered:
.L_overlay_start_0:
0x88: {  	s2 =	sld [smem:$0x3FD9]  }
0x89: {  	s3 =	sld [smem:$0x3FFE];
	_ =	sdelay $0x1  }
0x8a: {  	s1 =	srdreg.scid  }
0x8b: {  	s0 =	sand.u32 $0x1, s1  }
0x8c: {  	s17 =	sshll.u32 s0, $0xA;
	s2 =	sadd.s32 s3, s2  }
0x8d: {  	s2 =	sadd.s32 s2, s17  }
0x8e: {  	[smem:$0x3FC0] =	sst s2  }
0x8f: {  	_ = 	snop  }
0x90: {  	s2 =	sld [smem:$0x3FC9];
	(tm) =	ssettm $0x1  }
0x91: {  	s18 =	sld [smem:$0x3FFB];
	_ =	sdelay $0x3  }
0x92: {  	_ =	strace s18  }
0x93: {  	s3 =	sld [smem:$0x3FFC];
	_ =	sdelay $0x3  }
0x94: {  	_ =	strace s3  }
0x95: {  	s3 =	sld [smem:$0x3FFD];
	_ =	sdelay $0x3  }
0x96: {  	_ =	strace s3  }
0x97: {  	_ =	strace $0x8FFFFFFF  }
0x98: {  	s19 =	sld [smem:$0x3FDB];
	_ =	sdelay $0x1  }
0x99: {  	s4 =	simm.s32 $_scs_section_size  }
0x9a: {  	s5 =	simm.s32 $_size__tile_overlayer_lowered;
	s6 =	simm.s32 $_tile_overlayer_lowered  }
0x9b: {  	s22 =	simm.s32 $0x1BFF;
	s21 =	sshll.u32 s6, $0x1;
	s3 =	sadd.s32 s4, s19  }
0x9c: {  	s7 =	simm.s32 $0x0;
	s20 =	sshll.u32 s5, $0x1;
	s5 =	sadd.s32 s21, s3  }
0x9d: {  	[timem:s7], [sflag:s22] =	dma.local [hbm:s5], s20  }
0x9e: {  	_ =	swait.ge [sflag:s22], s20  }
0x9f: {  	s4 =	ssub.s32 $0x0, s20;
	[sflag:s22] =	ssyncset.done $0x0  }
0xa0: {  	[sflag:s22] =	ssyncadd.s32 s4;
	_ =	sdelay $0x1  }
0xa1: {  	s23 =	simm.s32 $0x1B8B  }
0xa2: {  	_ =	swait.ge [sflag:s23], $0x1  }
0xa3: {  	[sflag:s23] =	ssyncset.done $0x0  }
0xa4: {  	s25 =	simm.s32 $0x1B8E;
	s24 =	sld [smem:$0x3FFE];
	[sflag:s23] =	ssyncadd.s32 $0xFFFFFFFF  }
0xa5: {  	s26 =	simm.s32 $execute0_lowered;
	[smem:$0x3FD2] =	sst s25  }
0xa6: {  	s5 =	sshll.u32 s26, $0x1;
	_ =	strace $0x80000046;
	[dreg:$0x1] =	wrdreg $0xFFFFFFFF  }
0xa7: {  	s28 =	simm.s32 $_size_execute0_lowered;
	s3 =	sadd.s32 s3, s5;
	[dreg:$0x0] =	wrdreg $0x0  }
0xa8: {  	s5 =	sshll.u32 s28, $0x1;
	[dreg:$0x2] =	wrdreg s3  }
0xa9: {  	[dreg:$0x3] =	wrdreg s5  }
0xaa: {  	[dreg:$0x4] =	wrdreg $0xC0  }
0xab: {  	_ =	task [dreg:s7], $0x5FFFF  }
0xac: {  	[dreg:$0x1] =	wrdreg $0xFFFFFFFF  }
0xad: {  	[dreg:$0x0] =	wrdreg $0x60  }
0xae: {  	[dreg:$0x2] =	wrdreg s2  }
0xaf: {  	[dreg:$0x3] =	wrdreg s24  }
0xb0: {  	[dreg:$0x4] =	wrdreg $0xAA000  }
0xb1: {  	[dreg:$0x5] =	wrdreg $0xA  }
0xb2: {  	_ =	task.clear_ibuf [dreg:s7], $0x6FFFF;
	_ =	strace $0x90000046  }
0xb3: {  	s29 =	simm.s32 $0xA;
	_ =	strace $0x80000048  }
0xb4: {  	_ =	swait.ge [sflag:s29], $0x1  }
0xb5: {  	[sflag:s29] =	ssyncadd.s32 $0xFFFFFFFF  }
0xb6: {  	_ =	strace $0x90000048  }
0xb7: {  	_ =	sfence  }
0xb8: {  	s30 =	sld [smem:$0x0];
	_ =	sdelay $0x2  }
0xb9: {  	s31 =	sshll.u32 s1, $0xD;
	s1 =	sshrl.u32 s1, $0x2  }
0xba: {  	s3 =	sand.u32 $0x4000, s31;
	s1 =	sadd.s32 s1, s30  }
0xbb: {  	s0 =	sor.u32 s3, s0;
	s1 =	sshll.u32 s1, $0x11  }
0xbc: {  	s0 =	sor.u32 s1, s0  }
0xbd: {  	s0 =	sadd.s32 $0x8F2B, s0  }
0xbe: {  	[sflag:s0] =	ssyncadd.remote.s32 $0x1  }
0xbf: {  	_ =	sfence.sel $0xFFFF  }
0xc0: {  	[dreg:$0x0] =	wrdreg $0xFFFFFFFF;
	(pc) =	sbr.abs _section_cstart, $3  }
0xc1: {  	[dreg:$0x1] =	wrdreg $0xFFFFFFFF  }
0xc2: {  	_ =	task.clear_ibuf [dreg:s7], $0x2FFFF;
	_ =	strace $0x9FFFFFFF  }
0xc3: {  	(tm) =	ssettm $0x7FFFFFFF  }
tec
execute0_lowered:
.L_overlay_start_1:
0x0: {  	(tag) =	ssettag $0x1  }
0x1: {  	s0 =	rddreg [dreg:$0x0]  }
0x2: {  	s1 =	rddreg [dreg:$0x1]  }
0x3: {  	s2 =	srdreg.scid;
	s3 =	rddreg [dreg:$0x2]  }
0x4: {  	s11 =	stileid.u32;
	s4 =	simm.s32 $0x0;
	s28 =	simm.s32 $0x100  }
0x5: {  	s29 =	simm.s32 $0x4100;
	s30 =	simm.s32 $0x4180;
	s31 =	simm.s32 $0x4200  }
0x6: {  	s2 =	sand.u32 $0x1, s2;
	s6 =	smul.u32 $0x14000, s11;
	[smem:$0x7FF] =	sst s4  }
0x7: {  	s7 =	sadd.s32 $0xC000, s1;
	s8 =	sadd.s32 $0x2000, s1;
	s16 =	smul.u32 $0x50000, s11  }
0x8: {  	s9 =	sadd.s32 $0x16000, s1;
	s5 =	smul.u32 $0x140000, s2;
	_ =	strace $0x80000047  }
0x9: {  	[dreg:$0x4] =	wrdreg s9;
	s17 =	ssub.s32 $0x2, s2;
	s10 =	sshll.u32 s2, $0x4  }
0xa: {  	s2 =	smul.u32 $0x28000, s2;
	s18 =	sshrl.u32 s17, $0x1;
	s19 =	sor.u32 s11, s10  }
0xb: {  	s5 =	sadd.s32 s6, s5;
	s6 =	sshrl.u32 s16, $0x2;
	s9 =	smul.u32 $0x2800, s19  }
0xc: {  	s16 =	smul.u32 $0x2800, s11;
	s5 =	sshrl.u32 s5, $0x3;
	s6 =	sadd.s32 s6, s3  }
0xd: {  	s1 =	sadd.s32 s5, s1;
	s5 =	ssub.s32 s17, s18;
	s20 =	sadd.s32 $0x2800, s6  }
0xe: {  	s21 =	sadd.s32 $0x5000, s6;
	s22 =	sadd.s32 $0x7800, s6;
	[dreg:$0x5] =	wrdreg s20  }
0xf: {  	s23 =	sadd.s32 $0xA000, s6;
	s24 =	sadd.s32 $0xC800, s6;
	[dreg:$0x6] =	wrdreg s21  }
0x10: {  	s9 =	sshrl.u32 s9, $0x3;
	s12 =	sadd.s32 $0xF000, s6;
	[dreg:$0x7] =	wrdreg s22  }
0x11: {  	s13 =	sadd.s32 $0x11800, s6;
	s2 =	sadd.s32 s16, s2;
	[dreg:$0x8] =	wrdreg s23  }
0x12: {  	[dreg:$0x9] =	wrdreg s24;
	s14 =	sadd.s32 s7, s9;
	s15 =	sadd.s32 s8, s9  }
0x13: {  	s9 =	sor.u32 $0x10, s9;
	s25 =	sor.u32 $0x180, s2;
	s18 =	sadd.s32 $0x16600, s1  }
0x14: {  	s2 =	sor.u32 $0x100, s2;
	s19 =	smax.u32 s5, $0x1;
	s24 =	simm.s32 $0x8200  }
0x15: {  	s1 =	simm.s32 $0x1;
	s5 =	simm.s32 $0x2;
	s16 =	sadd.s32 s7, s9  }
0x16: {  	s17 =	sadd.s32 s8, s9;
	s26 =	sshrl.u32 s25, $0x3;
	s2 =	sshrl.u32 s2, $0x3  }
0x17: {  	s25 =	simm.s32 $0x5;
	s20 =	sadd.s32 s26, s8;
	s21 =	sadd.s32 s26, s7  }
0x18: {  	s22 =	sadd.s32 s2, s8;
	s23 =	sadd.s32 s2, s7;
	s26 =	simm.s32 $0x80  }
0x19: {  	s2 =	simm.s32 $0x3;
	s7 =	simm.s32 $0x4;
	s8 =	simm.s32 $0x0  }
.LBB2_1:
0x1a: {  	s9 =	rddreg [dreg:$0x4]  }
0x1b: {  	[tilespmem:s24], [sflag:$0x5] =	stream.linear.gather [hbm4b:s9+s4], $0x2800, $0x38;
	[tilespmem:$0x1EA00] =	vst v63  }
0x1c: {  	_ =	swait.ge [sflag:s25], $0x2800  }
0x1d: {  	[sflag:s25] =	ssyncset.done $0x0  }
0x1e: {  	[sflag:s25] =	ssyncadd.s32 $0xFFFFD800  }
0x1f: {  	[spmem:s6] =	stream.linear.scatter [tilespmem:s24], [sflag:$0x5], $0x2800, $0x38;
	[tilespmem:$0x1EA00] =	vst v63  }
0x20: {  	_ =	swait.ge [sflag:s25], $0x2800  }
0x21: {  	[sflag:s25] =	ssyncset.done $0x0  }
0x22: {  	s11 =	rddreg [dreg:$0x5];
	[sflag:s25] =	ssyncadd.s32 $0xFFFFD800  }
0x23: {  	[spmem:s11] =	stream.linear.scatter [tilespmem:s24], [sflag:$0x5], $0x2800, $0x38;
	[tilespmem:$0x1EA00] =	vst v63  }
0x24: {  	_ =	swait.ge [sflag:s25], $0x2800  }
0x25: {  	[sflag:s25] =	ssyncset.done $0x0  }
0x26: {  	s10 =	rddreg [dreg:$0x6];
	[sflag:s25] =	ssyncadd.s32 $0xFFFFD800  }
0x27: {  	[spmem:s10] =	stream.linear.scatter [tilespmem:s24], [sflag:$0x5], $0x2800, $0x38;
	[tilespmem:$0x1EA00] =	vst v63  }
0x28: {  	_ =	swait.ge [sflag:s25], $0x2800  }
0x29: {  	[sflag:s25] =	ssyncset.done $0x0  }
0x2a: {  	s11 =	rddreg [dreg:$0x7];
	[sflag:s25] =	ssyncadd.s32 $0xFFFFD800  }
0x2b: {  	[spmem:s11] =	stream.linear.scatter [tilespmem:s24], [sflag:$0x5], $0x2800, $0x38;
	[tilespmem:$0x1EA00] =	vst v63  }
0x2c: {  	_ =	swait.ge [sflag:s25], $0x2800  }
0x2d: {  	[sflag:s25] =	ssyncset.done $0x0  }
0x2e: {  	s10 =	rddreg [dreg:$0x8];
	[sflag:s25] =	ssyncadd.s32 $0xFFFFD800  }
0x2f: {  	[spmem:s10] =	stream.linear.scatter [tilespmem:s24], [sflag:$0x5], $0x2800, $0x38;
	[tilespmem:$0x1EA00] =	vst v63  }
0x30: {  	_ =	swait.ge [sflag:s25], $0x2800  }
0x31: {  	[sflag:s25] =	ssyncset.done $0x0  }
0x32: {  	s11 =	rddreg [dreg:$0x9];
	[sflag:s25] =	ssyncadd.s32 $0xFFFFD800  }
0x33: {  	[spmem:s11] =	stream.linear.scatter [tilespmem:s24], [sflag:$0x5], $0x2800, $0x38;
	[tilespmem:$0x1EA00] =	vst v63  }
0x34: {  	_ =	swait.ge [sflag:s25], $0x2800  }
0x35: {  	[sflag:s25] =	ssyncset.done $0x0  }
0x36: {  	[sflag:s25] =	ssyncadd.s32 $0xFFFFD800  }
0x37: {  	[spmem:s12] =	stream.linear.scatter [tilespmem:s24], [sflag:$0x5], $0x2800, $0x38;
	[tilespmem:$0x1EA00] =	vst v63  }
0x38: {  	_ =	swait.ge [sflag:s25], $0x2800  }
0x39: {  	[sflag:s25] =	ssyncset.done $0x0  }
0x3a: {  	[sflag:s25] =	ssyncadd.s32 $0xFFFFD800  }
0x3b: {  	[spmem:s13] =	stream.linear.scatter [tilespmem:s24], [sflag:$0x5], $0x2800, $0x38;
	[tilespmem:$0x1EA00] =	vst v63  }
0x3c: {  	_ =	swait.ge [sflag:s25], $0x2800  }
0x3d: {  	[sflag:s25] =	ssyncset.done $0x0  }
0x3e: {  	[sflag:s25] =	ssyncadd.s32 $0xFFFFD800  }
0x3f: {  	[bflag:$0x0] =	sbarrier.arrive $0xFFFF  }
0x40: {  	[tilespmem:s4], [sflag:$0x5] =	stream.linear.gather [hbm4b:s14+s4], $0x80, $0x38;
	[tilespmem:$0x1EA00] =	vst v63  }
0x41: {  	_ =	swait.ge [sflag:s25], $0x80  }
0x42: {  	[sflag:s25] =	ssyncset.done $0x0  }
0x43: {  	[sflag:s25] =	ssyncadd.s32 $0xFFFFFF80  }
0x44: {  	[tilespmem:s26], [sflag:$0x5] =	stream.linear.gather [hbm4b:s15+s4], $0x80, $0x38;
	[tilespmem:$0x1EA00] =	vst v63  }
0x45: {  	_ =	swait.ge [sflag:s25], $0x80  }
0x46: {  	[sflag:s25] =	ssyncset.done $0x0  }
0x47: {  	[sflag:s25] =	ssyncadd.s32 $0xFFFFFF80  }
0x48: {  	[tilespmem:s28], [sflag:$0x1] =	stream.indirect.gather [hbm4b:s0+s26], $0x80, s4, s26, $0xb8;
	[tilespmem:$0x1EA00] =	vst v63  }
0x49: {  	_ = 	snop  }
0x4a: {  	[tilespmem:s29], [sflag:$0x5] =	stream.linear.gather [hbm4b:s16+s4], $0x80, $0x38;
	[tilespmem:$0x1EA00] =	vst v63  }
0x4b: {  	_ =	swait.ge [sflag:s25], $0x80  }
0x4c: {  	[sflag:s25] =	ssyncset.done $0x0  }
0x4d: {  	[sflag:s25] =	ssyncadd.s32 $0xFFFFFF80  }
0x4e: {  	[tilespmem:s30], [sflag:$0x5] =	stream.linear.gather [hbm4b:s17+s4], $0x80, $0x38;
	[tilespmem:$0x1EA00] =	vst v63  }
0x4f: {  	_ =	swait.ge [sflag:s25], $0x80  }
0x50: {  	[sflag:s25] =	ssyncset.done $0x0  }
0x51: {  	[sflag:s25] =	ssyncadd.s32 $0xFFFFFF80  }
0x52: {  	[tilespmem:s31], [sflag:$0x2] =	stream.indirect.gather [hbm4b:s0+s26], $0x80, s29, s26, $0xb8;
	[tilespmem:$0x1EA00] =	vst v63  }
0x53: {  	_ =	swait.ge [sflag:s1], $0x4000  }
0x54: {  	[sflag:s1] =	ssyncset.done $0x0  }
0x55: {  	[sflag:s1] =	ssyncadd.s32 $0xFFFFC000  }
0x56: {  	[spmem:s3] =	stream.indirect.scatter.add.f32 [tilespmem:s28], [sflag:$0x3], $0x80, s26, s26, $0xb8;
	[tilespmem:$0x1EA00] =	vst v63  }
0x57: {  	_ =	swait.ge [sflag:s2], $0x4000  }
0x58: {  	[sflag:s2] =	ssyncset.done $0x0  }
0x59: {  	s10 =	sadd.s32 $0x0, s23;
	[sflag:s2] =	ssyncadd.s32 $0xFFFFC000  }
0x5a: {  	[tilespmem:s4], [sflag:$0x5] =	stream.linear.gather [hbm4b:s10+s4], $0x80, $0x38;
	[tilespmem:$0x1EA00] =	vst v63  }
0x5b: {  	_ =	swait.ge [sflag:s25], $0x80  }
0x5c: {  	[sflag:s25] =	ssyncset.done $0x0  }
0x5d: {  	s11 =	sadd.s32 $0x0, s22;
	[sflag:s25] =	ssyncadd.s32 $0xFFFFFF80  }
0x5e: {  	[tilespmem:s26], [sflag:$0x5] =	stream.linear.gather [hbm4b:s11+s4], $0x80, $0x38;
	[tilespmem:$0x1EA00] =	vst v63  }
0x5f: {  	_ =	swait.ge [sflag:s25], $0x80  }
0x60: {  	[sflag:s25] =	ssyncset.done $0x0  }
0x61: {  	[sflag:s25] =	ssyncadd.s32 $0xFFFFFF80  }
0x62: {  	[tilespmem:s28], [sflag:$0x1] =	stream.indirect.gather [hbm4b:s0+s26], $0x80, s4, s26, $0xb8;
	[tilespmem:$0x1EA00] =	vst v63  }
0x63: {  	_ =	swait.ge [sflag:s5], $0x4000  }
0x64: {  	[sflag:s5] =	ssyncset.done $0x0  }
0x65: {  	[sflag:s5] =	ssyncadd.s32 $0xFFFFC000  }
0x66: {  	[spmem:s3] =	stream.indirect.scatter.add.f32 [tilespmem:s31], [sflag:$0x4], $0x80, s30, s26, $0xb8;
	[tilespmem:$0x1EA00] =	vst v63  }
0x67: {  	_ =	swait.ge [sflag:s7], $0x4000  }
0x68: {  	[sflag:s7] =	ssyncset.done $0x0  }
0x69: {  	s10 =	sadd.s32 $0x0, s21;
	[sflag:s7] =	ssyncadd.s32 $0xFFFFC000  }
0x6a: {  	[tilespmem:s29], [sflag:$0x5] =	stream.linear.gather [hbm4b:s10+s4], $0x80, $0x38;
	[tilespmem:$0x1EA00] =	vst v63  }
0x6b: {  	_ =	swait.ge [sflag:s25], $0x80  }
0x6c: {  	[sflag:s25] =	ssyncset.done $0x0  }
0x6d: {  	s11 =	sadd.s32 $0x0, s20;
	[sflag:s25] =	ssyncadd.s32 $0xFFFFFF80  }
0x6e: {  	[tilespmem:s30], [sflag:$0x5] =	stream.linear.gather [hbm4b:s11+s4], $0x80, $0x38;
	[tilespmem:$0x1EA00] =	vst v63  }
0x6f: {  	_ =	swait.ge [sflag:s25], $0x80  }
0x70: {  	[sflag:s25] =	ssyncset.done $0x0  }
0x71: {  	s9 =	simm.s32 $0x20;
	[sflag:s25] =	ssyncadd.s32 $0xFFFFFF80  }
.LBB2_2:
0x72: {  	[tilespmem:s31], [sflag:$0x2] =	stream.indirect.gather [hbm4b:s0+s26], $0x80, s29, s26, $0xb8;
	[tilespmem:$0x1EA00] =	vst v63  }
0x73: {  	s10 =	smov.u32 s9  }
0x74: {  	p0 =	sne.s32 s9, $0x4C0;
	s9 =	sadd.s32 $0x20, s9;
	_ =	swait.ge [sflag:s1], $0x4000  }
0x75: {  	[sflag:s1] =	ssyncset.done $0x0  }
0x76: {  	[sflag:s1] =	ssyncadd.s32 $0xFFFFC000  }
0x77: {  	[spmem:s3] =	stream.indirect.scatter.add.f32 [tilespmem:s28], [sflag:$0x3], $0x80, s26, s26, $0xb8;
	[tilespmem:$0x1EA00] =	vst v63  }
0x78: {  	_ =	swait.ge [sflag:s2], $0x4000  }
0x79: {  	[sflag:s2] =	ssyncset.done $0x0  }
0x7a: {  	s11 =	sadd.s32 s10, s23;
	[sflag:s2] =	ssyncadd.s32 $0xFFFFC000  }
0x7b: {  	[tilespmem:s4], [sflag:$0x5] =	stream.linear.gather [hbm4b:s11+s4], $0x80, $0x38;
	[tilespmem:$0x1EA00] =	vst v63  }
0x7c: {  	_ =	swait.ge [sflag:s25], $0x80  }
0x7d: {  	[sflag:s25] =	ssyncset.done $0x0  }
0x7e: {  	s11 =	sadd.s32 s10, s22;
	[sflag:s25] =	ssyncadd.s32 $0xFFFFFF80  }
0x7f: {  	[tilespmem:s26], [sflag:$0x5] =	stream.linear.gather [hbm4b:s11+s4], $0x80, $0x38;
	[tilespmem:$0x1EA00] =	vst v63  }
0x80: {  	_ =	swait.ge [sflag:s25], $0x80  }
0x81: {  	[sflag:s25] =	ssyncset.done $0x0  }
0x82: {  	[sflag:s25] =	ssyncadd.s32 $0xFFFFFF80  }
0x83: {  	[tilespmem:s28], [sflag:$0x1] =	stream.indirect.gather [hbm4b:s0+s26], $0x80, s4, s26, $0xb8;
	[tilespmem:$0x1EA00] =	vst v63  }
0x84: {  	_ =	swait.ge [sflag:s5], $0x4000  }
0x85: {  	[sflag:s5] =	ssyncset.done $0x0  }
0x86: {  	[sflag:s5] =	ssyncadd.s32 $0xFFFFC000  }
0x87: {  	[spmem:s3] =	stream.indirect.scatter.add.f32 [tilespmem:s31], [sflag:$0x4], $0x80, s30, s26, $0xb8;
	[tilespmem:$0x1EA00] =	vst v63  }
0x88: {  	_ =	swait.ge [sflag:s7], $0x4000  }
0x89: {  	[sflag:s7] =	ssyncset.done $0x0  }
0x8a: {  	s11 =	sadd.s32 s10, s21;
	[sflag:s7] =	ssyncadd.s32 $0xFFFFC000  }
0x8b: {  	[tilespmem:s29], [sflag:$0x5] =	stream.linear.gather [hbm4b:s11+s4], $0x80, $0x38;
	[tilespmem:$0x1EA00] =	vst v63  }
0x8c: {  	_ =	swait.ge [sflag:s25], $0x80  }
0x8d: {  	[sflag:s25] =	ssyncset.done $0x0  }
.Ltmp0:
0x8e: {  	s10 =	sadd.s32 s10, s20;
	[sflag:s25] =	ssyncadd.s32 $0xFFFFFF80;
	(pc) =	sbr.rel @p0 .LBB2_2-.Ltmp0, $4  }
0x8f: {  	[tilespmem:s30], [sflag:$0x5] =	stream.linear.gather [hbm4b:s10+s4], $0x80, $0x38;
	[tilespmem:$0x1EA00] =	vst v63  }
0x90: {  	_ =	swait.ge [sflag:s25], $0x80  }
0x91: {  	[sflag:s25] =	ssyncset.done $0x0  }
0x92: {  	[sflag:s25] =	ssyncadd.s32 $0xFFFFFF80  }
0x93: {  	[tilespmem:s31], [sflag:$0x2] =	stream.indirect.gather [hbm4b:s0+s26], $0x80, s29, s26, $0xb8;
	[tilespmem:$0x1EA00] =	vst v63  }
0x94: {  	_ =	swait.ge [sflag:s1], $0x4000  }
0x95: {  	[sflag:s1] =	ssyncset.done $0x0  }
0x96: {  	[sflag:s1] =	ssyncadd.s32 $0xFFFFC000  }
0x97: {  	[spmem:s3] =	stream.indirect.scatter.add.f32 [tilespmem:s28], [sflag:$0x3], $0x80, s26, s26, $0xb8;
	[tilespmem:$0x1EA00] =	vst v63  }
0x98: {  	_ =	swait.ge [sflag:s5], $0x4000  }
0x99: {  	[sflag:s5] =	ssyncset.done $0x0  }
0x9a: {  	[sflag:s5] =	ssyncadd.s32 $0xFFFFC000  }
0x9b: {  	[spmem:s3] =	stream.indirect.scatter.add.f32 [tilespmem:s31], [sflag:$0x4], $0x80, s30, s26, $0xb8;
	[tilespmem:$0x1EA00] =	vst v63  }
0x9c: {  	_ =	swait.ge [sflag:s2], $0x4000  }
0x9d: {  	[sflag:s2] =	ssyncset.done $0x0  }
0x9e: {  	[sflag:s2] =	ssyncadd.s32 $0xFFFFC000  }
0x9f: {  	s9 =	stileid.u32;
	_ =	swait.ge [sflag:s7], $0x4000  }
0xa0: {  	s10 =	sshrl.u32 s6, $0x3;
	s8 =	sadd.s32 $0x1, s8;
	[sflag:s7] =	ssyncset.done $0x0  }
0xa1: {  	s9 =	sshll.u32 s9, $0x6;
	p0 =	sne.s32 s8, s19;
	[sflag:s7] =	ssyncadd.s32 $0xFFFFC000  }
.Ltmp1:
0xa2: {  	s9 =	sor.u32 $0x1C05, s9;
	[bflag:$0x0] =	sbarrier.arrive $0xFFFF;
	(pc) =	sbr.rel @p0 .LBB2_1-.Ltmp1, $4  }
0xa3: {  	[hbm:s18], [sflag:s9] =	dma.local [spmem:s10], $0x2800  }
0xa4: {  	_ =	swait.ge [sflag:s25], $0x2800  }
0xa5: {  	[sflag:s25] =	ssyncset.done $0x0  }
0xa6: {  	[sflag:s25] =	ssyncadd.s32 $0xFFFFD800  }
0xa7: {  	_ =	sfence.sel $0x180000  }
0xa8: {  	[bflag:$0x0] =	sbarrier.arrive $0xFFFF  }
0xa9: {  	_ =	strace $0x90000047  }
0xaa: {  	s0 =	stileid.u32;
	[bflag:$0x2] =	sbarrier.arrive $0xFFFF  }
0xab: {  	p0 =	sne.s32 s0, $0x0;
	s0 =	rddreg [dreg:$0x3]  }
0xac: {  	s0 =	sadd.s32 @!p0 $0x100000, s0  }
0xad: {  	[sflag:s0] =	ssyncadd.tile.s32 @!p0 $0x1;
	_ =	shalt  }
.Lfunc_end2:
_tile_overlayer_lowered:
.L_overlay_start_2:
0xae: {  	(tag) =	ssettag $0x2  }
0xaf: {  	s0 =	rddreg [dreg:$0x0];
	s2 =	stileid.u32  }
0xb0: {  	s1 =	rddreg [dreg:$0x1];
	p0 =	sne.s32 s2, $0x0  }
0xb1: {  	s3 =	rddreg [dreg:$0x2];
	[bflag:$0x3] =	sbarrier.arrive $0xFFFF;
	s2 =	simm.s32 @!p0 $0x1C05  }
0xb2: {  	[timem:s3], [sflag:s2] =	dma.local @!p0 [hbm:s0], s1  }
0xb3: {  	s0 =	simm.s32 @!p0 $0x5  }
0xb4: {  	_ =	swait.ge @!p0 [sflag:s0], s1  }
0xb5: {  	s1 =	ssub.s32 @!p0 $0x0, s1;
	[sflag:s0] =	ssyncset.done @!p0 $0x0  }
0xb6: {  	[sflag:s0] =	ssyncadd.s32 @!p0 s1  }
0xb7: {  	[bflag:$0x3] =	sbarrier.arrive $0xFFFF  }
0xb8: {  	_ =	shalt  }

// kernel: kernel.13.cloned.1.call-start
scs
__scs_entry_jumppad:
0x0: {  	(pc) =	sbr.rel $0x88, $3  }
0x1: {  	(tag) =	ssettag $0x0;
	lr =	simm.s32 $0x1  }
0x2: {  	[smem:$0x3F99] =	sst lr;
	_ =	strace $0xD0000000  }
0x3: {  	_ = 	snop  }
0x4: {  	_ = 	snop  }
0x5: {  	_ = 	snop  }
0x6: {  	_ = 	snop  }
0x7: {  	_ = 	snop  }
__scs_overlays_trampoline_lowered:
0x8: {  	[smem:$0x3FA8] =	sst s0  }
0x9: {  	[smem:$0x3FA9] =	sst s1  }
0xa: {  	[smem:$0x3FAA] =	sst s2  }
0xb: {  	[smem:$0x3FAB] =	sst s3  }
0xc: {  	[smem:$0x3FAC] =	sst s4  }
0xd: {  	[smem:$0x3FAD] =	sst s5  }
0xe: {  	[smem:$0x3FAE] =	sst s6  }
0xf: {  	[smem:$0x3FAF] =	sst s7  }
0x10: {  	[smem:$0x3FB0] =	sst s8  }
0x11: {  	[smem:$0x3FB1] =	sst s9;
	s0 =	simm.s32 @!p0 $0x0  }
0x12: {  	s1 =	sld [smem:$0x3F97];
	s0 =	simm.s32 @p0 $0x1  }
0x13: {  	[smem:$0x3FB2] =	sst s0;
	s0 =	simm.s32 @!p1 $0x0  }
0x14: {  	s2 =	sld [smem:$0x3F96];
	s0 =	simm.s32 @p1 $0x1  }
0x15: {  	[smem:$0x3FB3] =	sst s0;
	s0 =	simm.s32 @!p2 $0x0  }
0x16: {  	s3 =	sld [smem:$0x3FDB];
	s0 =	simm.s32 @p2 $0x1  }
0x17: {  	s4 =	simm.s32 $0x1BF5;
	[smem:$0x3FB5] =	sst s0  }
0x18: {  	s0 =	sld [smem:$0x3F98];
	_ =	swait.ge [sflag:s4], $0x0  }
0x19: {  	s7 =	sld [smem:$0x3F99]  }
0x1a: {  	s8 =	sadd.s32 $0xFFFFE003, lr  }
0x1b: {  	s9 =	sadd.s32 $0xFFFFFEF7, lr;
	s5 =	simm.s32 $0xFFFFFFFF;
	p2 =	slt.u32 s8, $0xFFFFF086  }
0x1c: {  	p1 =	slt.u32 s9, $0xF7A;
	s5 =	simm.s32 @!p2 $0x0  }
0x1d: {  	s5 =	simm.s32 @p1 $0x1;
	p0 =	seq.s32 s7, s2  }
0x1e: {  	s7 =	smul.u32 @!p0 $0xF7A, s2;
	p2 =	seq.s32 @!p0 s5, $0x0  }
0x1f: {  	s9 =	smul.u32 $0xF7A, s1;
	s8 =	simm.s32 @!p0 $0x1BF5;
	p2 =	por !p2, p0  }
0x20: {  	[sflag:s8] =	ssyncset.s32 @!p0 $0xFFFFF086;
	s6 =	sadd.s32 @!p0 s3, s7;
	s7 =	simm.s32 @!p0 $0x108  }
0x21: {  	s3 =	sadd.s32 s3, s9;
	s6 =	sadd.s32 @!p0 $0x88, s6;
	s7 =	simm.s32 @p2 $0x1082  }
0x22: {  	[simem:s7], [sflag:s8] =	dma.local @!p0 [hbm:s6], $0xF7A  }
0x23: {  	s9 =	sor.u32 $0xD0000000, s2;
	s6 =	simm.s32 $0x108;
	_ =	swait.ge @!p0 [sflag:s8], $0x0  }
0x24: {  	s3 =	sadd.s32 $0x88, s3;
	s6 =	simm.s32 @!p1 $0x1082;
	[sflag:s4] =	ssyncset.s32 $0xFFFFF086  }
0x25: {  	[simem:s6], [sflag:s4] =	dma.local [hbm:s3], $0xF7A  }
0x26: {  	[smem:$0x3F99] =	sst s1;
	(tag) =	ssettag s2;
	_ =	strace s9  }
0x27: {  	s1 =	sld [smem:$0x3FA9]  }
0x28: {  	s2 =	sld [smem:$0x3FAA]  }
0x29: {  	s4 =	sld [smem:$0x3FAC]  }
0x2a: {  	p0 =	seq.s32 s5, $0x0;
	s5 =	sld [smem:$0x3FAD]  }
0x2b: {  	s6 =	sld [smem:$0x3FAE]  }
0x2c: {  	s7 =	sld [smem:$0x3FAF]  }
0x2d: {  	s3 =	simm.s32 $0x108;
	s8 =	sld [smem:$0x3FB0]  }
0x2e: {  	s3 =	simm.s32 @!p0 $0x1082;
	s9 =	sld [smem:$0x3FB1]  }
0x2f: {  	lr =	sadd.s32 s0, s3;
	s0 =	sld [smem:$0x3FA8]  }
0x30: {  	s3 =	sld [smem:$0x3FAB]  }
0x31: {  	[smem:$0x3FB4] =	sst s10  }
0x32: {  	s10 =	sld [smem:$0x3FB2];
	_ =	sdelay $0x3  }
0x33: {  	p0 =	seq.s32 s10, $0x1;
	s10 =	sld [smem:$0x3FB4];
	_ =	sdelay $0x3  }
0x34: {  	[smem:$0x3FB4] =	sst s10  }
0x35: {  	s10 =	sld [smem:$0x3FB3];
	_ =	sdelay $0x3  }
0x36: {  	p1 =	seq.s32 s10, $0x1;
	s10 =	sld [smem:$0x3FB4];
	_ =	sdelay $0x3  }
0x37: {  	[smem:$0x3FB4] =	sst s10  }
0x38: {  	s10 =	sld [smem:$0x3FB5]  }
0x39: {  	_ = 	snop;
	(pc) =	sbr.ind lr, $3  }
0x3a: {  	_ = 	snop  }
0x3b: {  	_ = 	snop  }
0x3c: {  	p2 =	seq.s32 s10, $0x1;
	s10 =	sld [smem:$0x3FB4]  }
0x3d: {  	_ =	shalt  }
0x3e: {  	_ =	shalt  }
0x3f: {  	_ =	shalt  }
0x40: {  	_ =	shalt  }
0x41: {  	_ =	shalt  }
0x42: {  	_ =	shalt  }
0x43: {  	_ =	shalt  }
0x44: {  	_ =	shalt  }
0x45: {  	_ =	shalt  }
0x46: {  	_ =	shalt  }
0x47: {  	_ =	shalt  }
0x48: {  	_ =	shalt  }
0x49: {  	_ =	shalt  }
0x4a: {  	_ =	shalt  }
0x4b: {  	_ =	shalt  }
0x4c: {  	_ =	shalt  }
0x4d: {  	_ =	shalt  }
0x4e: {  	_ =	shalt  }
0x4f: {  	_ =	shalt  }
0x50: {  	_ =	shalt  }
0x51: {  	_ =	shalt  }
0x52: {  	_ =	shalt  }
0x53: {  	_ =	shalt  }
0x54: {  	_ =	shalt  }
0x55: {  	_ =	shalt  }
0x56: {  	_ =	shalt  }
0x57: {  	_ =	shalt  }
0x58: {  	_ =	shalt  }
0x59: {  	_ =	shalt  }
0x5a: {  	_ =	shalt  }
0x5b: {  	_ =	shalt  }
0x5c: {  	_ =	shalt  }
0x5d: {  	_ =	shalt  }
0x5e: {  	_ =	shalt  }
0x5f: {  	_ =	shalt  }
0x60: {  	_ =	shalt  }
0x61: {  	_ =	shalt  }
0x62: {  	_ =	shalt  }
0x63: {  	_ =	shalt  }
0x64: {  	_ =	shalt  }
0x65: {  	_ =	shalt  }
0x66: {  	_ =	shalt  }
0x67: {  	_ =	shalt  }
0x68: {  	_ =	shalt  }
0x69: {  	_ =	shalt  }
0x6a: {  	_ =	shalt  }
0x6b: {  	_ =	shalt  }
0x6c: {  	_ =	shalt  }
0x6d: {  	_ =	shalt  }
0x6e: {  	_ =	shalt  }
0x6f: {  	_ =	shalt  }
0x70: {  	_ =	shalt  }
0x71: {  	_ =	shalt  }
0x72: {  	_ =	shalt  }
0x73: {  	_ =	shalt  }
0x74: {  	_ =	shalt  }
0x75: {  	_ =	shalt  }
0x76: {  	_ =	shalt  }
0x77: {  	_ =	shalt  }
0x78: {  	_ =	shalt  }
0x79: {  	_ =	shalt  }
0x7a: {  	_ =	shalt  }
0x7b: {  	_ =	shalt  }
0x7c: {  	_ =	shalt  }
0x7d: {  	_ =	shalt  }
0x7e: {  	_ =	shalt  }
0x7f: {  	_ =	shalt  }
0x80: {  	_ =	shalt  }
0x81: {  	_ =	shalt  }
0x82: {  	_ =	shalt  }
0x83: {  	_ =	shalt  }
0x84: {  	_ =	shalt  }
0x85: {  	_ =	shalt  }
0x86: {  	_ =	shalt  }
0x87: {  	_ =	shalt  }
.Lfunc_end0:
.L_simem_size_0:
called_computation.2_lowered:
.L_overlay_start_0:
0x88: {  	s2 =	sld [smem:$0x3FD9]  }
0x89: {  	s3 =	sld [smem:$0x3FFE];
	_ =	sdelay $0x1  }
0x8a: {  	s1 =	srdreg.scid  }
0x8b: {  	s0 =	sand.u32 $0x1, s1  }
0x8c: {  	s17 =	sshll.u32 s0, $0xA;
	s2 =	sadd.s32 s3, s2  }
0x8d: {  	s2 =	sadd.s32 s2, s17  }
0x8e: {  	[smem:$0x3FC0] =	sst s2  }
0x8f: {  	_ = 	snop  }
0x90: {  	s2 =	sld [smem:$0x3FD0];
	(tm) =	ssettm $0x1  }
0x91: {  	s18 =	sld [smem:$0x3FFB];
	_ =	sdelay $0x3  }
0x92: {  	_ =	strace s18  }
0x93: {  	s3 =	sld [smem:$0x3FFC];
	_ =	sdelay $0x3  }
0x94: {  	_ =	strace s3  }
0x95: {  	s3 =	sld [smem:$0x3FFD];
	_ =	sdelay $0x3  }
0x96: {  	_ =	strace s3  }
0x97: {  	_ =	strace $0x8FFFFFFF  }
0x98: {  	s19 =	sld [smem:$0x3FDB];
	_ =	sdelay $0x1  }
0x99: {  	s4 =	simm.s32 $_scs_section_size  }
0x9a: {  	s5 =	simm.s32 $_size__tile_overlayer_lowered;
	s6 =	simm.s32 $_tile_overlayer_lowered  }
0x9b: {  	s22 =	simm.s32 $0x1BFF;
	s21 =	sshll.u32 s6, $0x1;
	s3 =	sadd.s32 s4, s19  }
0x9c: {  	s7 =	simm.s32 $0x0;
	s20 =	sshll.u32 s5, $0x1;
	s5 =	sadd.s32 s21, s3  }
0x9d: {  	[timem:s7], [sflag:s22] =	dma.local [hbm:s5], s20  }
0x9e: {  	_ =	swait.ge [sflag:s22], s20  }
0x9f: {  	s4 =	ssub.s32 $0x0, s20;
	[sflag:s22] =	ssyncset.done $0x0  }
0xa0: {  	[sflag:s22] =	ssyncadd.s32 s4;
	_ =	sdelay $0x1  }
0xa1: {  	s23 =	simm.s32 $0x1B8B  }
0xa2: {  	_ =	swait.ge [sflag:s23], $0x1  }
0xa3: {  	[sflag:s23] =	ssyncset.done $0x0  }
0xa4: {  	s25 =	simm.s32 $0x1B8E;
	s24 =	sld [smem:$0x3FFE];
	[sflag:s23] =	ssyncadd.s32 $0xFFFFFFFF  }
0xa5: {  	s26 =	simm.s32 $execute0_lowered;
	[smem:$0x3FD2] =	sst s25  }
0xa6: {  	s5 =	sshll.u32 s26, $0x1;
	_ =	strace $0x8000004C;
	[dreg:$0x1] =	wrdreg $0xFFFFFFFF  }
0xa7: {  	s28 =	simm.s32 $_size_execute0_lowered;
	s3 =	sadd.s32 s3, s5;
	[dreg:$0x0] =	wrdreg $0x0  }
0xa8: {  	s5 =	sshll.u32 s28, $0x1;
	[dreg:$0x2] =	wrdreg s3  }
0xa9: {  	[dreg:$0x3] =	wrdreg s5  }
0xaa: {  	[dreg:$0x4] =	wrdreg $0xC0  }
0xab: {  	_ =	task [dreg:s7], $0x5FFFF  }
0xac: {  	[dreg:$0x1] =	wrdreg $0xFFFFFFFF  }
0xad: {  	[dreg:$0x0] =	wrdreg $0x60  }
0xae: {  	[dreg:$0x2] =	wrdreg s2  }
0xaf: {  	[dreg:$0x3] =	wrdreg s24  }
0xb0: {  	[dreg:$0x4] =	wrdreg $0xAA000  }
0xb1: {  	[dreg:$0x5] =	wrdreg $0x9  }
0xb2: {  	_ =	task.clear_ibuf [dreg:s7], $0x6FFFF;
	_ =	strace $0x9000004C  }
0xb3: {  	s29 =	simm.s32 $0x9;
	_ =	strace $0x8000004E  }
0xb4: {  	_ =	swait.ge [sflag:s29], $0x1  }
0xb5: {  	[sflag:s29] =	ssyncadd.s32 $0xFFFFFFFF  }
0xb6: {  	_ =	strace $0x9000004E  }
0xb7: {  	_ =	sfence  }
0xb8: {  	s30 =	sld [smem:$0x0];
	_ =	sdelay $0x2  }
0xb9: {  	s31 =	sshll.u32 s1, $0xD;
	s1 =	sshrl.u32 s1, $0x2  }
0xba: {  	s3 =	sand.u32 $0x4000, s31;
	s1 =	sadd.s32 s1, s30  }
0xbb: {  	s0 =	sor.u32 s3, s0;
	s1 =	sshll.u32 s1, $0x11  }
0xbc: {  	s0 =	sor.u32 s1, s0  }
0xbd: {  	s0 =	sadd.s32 $0x8F2B, s0  }
0xbe: {  	[sflag:s0] =	ssyncadd.remote.s32 $0x1  }
0xbf: {  	_ =	sfence.sel $0xFFFF  }
0xc0: {  	[dreg:$0x0] =	wrdreg $0xFFFFFFFF;
	(pc) =	sbr.abs _section_cstart, $3  }
0xc1: {  	[dreg:$0x1] =	wrdreg $0xFFFFFFFF  }
0xc2: {  	_ =	task.clear_ibuf [dreg:s7], $0x2FFFF;
	_ =	strace $0x9FFFFFFF  }
0xc3: {  	(tm) =	ssettm $0x7FFFFFFF  }
tec
execute0_lowered:
.L_overlay_start_1:
0x0: {  	(tag) =	ssettag $0x1  }
0x1: {  	s0 =	rddreg [dreg:$0x0]  }
0x2: {  	s1 =	rddreg [dreg:$0x1]  }
0x3: {  	s2 =	srdreg.scid;
	s3 =	rddreg [dreg:$0x2]  }
0x4: {  	s11 =	stileid.u32;
	s4 =	simm.s32 $0x0;
	s28 =	simm.s32 $0x100  }
0x5: {  	s29 =	simm.s32 $0x4100;
	s30 =	simm.s32 $0x4180;
	s31 =	simm.s32 $0x4200  }
0x6: {  	s2 =	sand.u32 $0x1, s2;
	s6 =	smul.u32 $0x14000, s11;
	[smem:$0x7FF] =	sst s4  }
0x7: {  	s7 =	sadd.s32 $0xC000, s1;
	s8 =	sadd.s32 $0x2000, s1;
	s16 =	smul.u32 $0x50000, s11  }
0x8: {  	s9 =	sadd.s32 $0x16000, s1;
	s5 =	smul.u32 $0x140000, s2;
	_ =	strace $0x8000004D  }
0x9: {  	[dreg:$0x4] =	wrdreg s9;
	s17 =	ssub.s32 $0x2, s2;
	s10 =	sshll.u32 s2, $0x4  }
0xa: {  	s2 =	smul.u32 $0x28000, s2;
	s18 =	sshrl.u32 s17, $0x1;
	s19 =	sor.u32 s11, s10  }
0xb: {  	s5 =	sadd.s32 s6, s5;
	s6 =	sshrl.u32 s16, $0x2;
	s9 =	smul.u32 $0x2800, s19  }
0xc: {  	s16 =	smul.u32 $0x2800, s11;
	s5 =	sshrl.u32 s5, $0x3;
	s6 =	sadd.s32 s6, s3  }
0xd: {  	s1 =	sadd.s32 s5, s1;
	s5 =	ssub.s32 s17, s18;
	s20 =	sadd.s32 $0x2800, s6  }
0xe: {  	s21 =	sadd.s32 $0x5000, s6;
	s22 =	sadd.s32 $0x7800, s6;
	[dreg:$0x5] =	wrdreg s20  }
0xf: {  	s23 =	sadd.s32 $0xA000, s6;
	s24 =	sadd.s32 $0xC800, s6;
	[dreg:$0x6] =	wrdreg s21  }
0x10: {  	s9 =	sshrl.u32 s9, $0x3;
	s12 =	sadd.s32 $0xF000, s6;
	[dreg:$0x7] =	wrdreg s22  }
0x11: {  	s13 =	sadd.s32 $0x11800, s6;
	s2 =	sadd.s32 s16, s2;
	[dreg:$0x8] =	wrdreg s23  }
0x12: {  	[dreg:$0x9] =	wrdreg s24;
	s14 =	sadd.s32 s7, s9;
	s15 =	sadd.s32 s8, s9  }
0x13: {  	s9 =	sor.u32 $0x10, s9;
	s25 =	sor.u32 $0x180, s2;
	s18 =	sadd.s32 $0x16600, s1  }
0x14: {  	s2 =	sor.u32 $0x100, s2;
	s19 =	smax.u32 s5, $0x1;
	s24 =	simm.s32 $0x8200  }
0x15: {  	s1 =	simm.s32 $0x1;
	s5 =	simm.s32 $0x2;
	s16 =	sadd.s32 s7, s9  }
0x16: {  	s17 =	sadd.s32 s8, s9;
	s26 =	sshrl.u32 s25, $0x3;
	s2 =	sshrl.u32 s2, $0x3  }
0x17: {  	s25 =	simm.s32 $0x5;
	s20 =	sadd.s32 s26, s8;
	s21 =	sadd.s32 s26, s7  }
0x18: {  	s22 =	sadd.s32 s2, s8;
	s23 =	sadd.s32 s2, s7;
	s26 =	simm.s32 $0x80  }
0x19: {  	s2 =	simm.s32 $0x3;
	s7 =	simm.s32 $0x4;
	s8 =	simm.s32 $0x0  }
.LBB2_1:
0x1a: {  	s9 =	rddreg [dreg:$0x4]  }
0x1b: {  	[tilespmem:s24], [sflag:$0x5] =	stream.linear.gather [hbm4b:s9+s4], $0x2800, $0x38;
	[tilespmem:$0x1EA00] =	vst v63  }
0x1c: {  	_ =	swait.ge [sflag:s25], $0x2800  }
0x1d: {  	[sflag:s25] =	ssyncset.done $0x0  }
0x1e: {  	[sflag:s25] =	ssyncadd.s32 $0xFFFFD800  }
0x1f: {  	[spmem:s6] =	stream.linear.scatter [tilespmem:s24], [sflag:$0x5], $0x2800, $0x38;
	[tilespmem:$0x1EA00] =	vst v63  }
0x20: {  	_ =	swait.ge [sflag:s25], $0x2800  }
0x21: {  	[sflag:s25] =	ssyncset.done $0x0  }
0x22: {  	s11 =	rddreg [dreg:$0x5];
	[sflag:s25] =	ssyncadd.s32 $0xFFFFD800  }
0x23: {  	[spmem:s11] =	stream.linear.scatter [tilespmem:s24], [sflag:$0x5], $0x2800, $0x38;
	[tilespmem:$0x1EA00] =	vst v63  }
0x24: {  	_ =	swait.ge [sflag:s25], $0x2800  }
0x25: {  	[sflag:s25] =	ssyncset.done $0x0  }
0x26: {  	s10 =	rddreg [dreg:$0x6];
	[sflag:s25] =	ssyncadd.s32 $0xFFFFD800  }
0x27: {  	[spmem:s10] =	stream.linear.scatter [tilespmem:s24], [sflag:$0x5], $0x2800, $0x38;
	[tilespmem:$0x1EA00] =	vst v63  }
0x28: {  	_ =	swait.ge [sflag:s25], $0x2800  }
0x29: {  	[sflag:s25] =	ssyncset.done $0x0  }
0x2a: {  	s11 =	rddreg [dreg:$0x7];
	[sflag:s25] =	ssyncadd.s32 $0xFFFFD800  }
0x2b: {  	[spmem:s11] =	stream.linear.scatter [tilespmem:s24], [sflag:$0x5], $0x2800, $0x38;
	[tilespmem:$0x1EA00] =	vst v63  }
0x2c: {  	_ =	swait.ge [sflag:s25], $0x2800  }
0x2d: {  	[sflag:s25] =	ssyncset.done $0x0  }
0x2e: {  	s10 =	rddreg [dreg:$0x8];
	[sflag:s25] =	ssyncadd.s32 $0xFFFFD800  }
0x2f: {  	[spmem:s10] =	stream.linear.scatter [tilespmem:s24], [sflag:$0x5], $0x2800, $0x38;
	[tilespmem:$0x1EA00] =	vst v63  }
0x30: {  	_ =	swait.ge [sflag:s25], $0x2800  }
0x31: {  	[sflag:s25] =	ssyncset.done $0x0  }
0x32: {  	s11 =	rddreg [dreg:$0x9];
	[sflag:s25] =	ssyncadd.s32 $0xFFFFD800  }
0x33: {  	[spmem:s11] =	stream.linear.scatter [tilespmem:s24], [sflag:$0x5], $0x2800, $0x38;
	[tilespmem:$0x1EA00] =	vst v63  }
0x34: {  	_ =	swait.ge [sflag:s25], $0x2800  }
0x35: {  	[sflag:s25] =	ssyncset.done $0x0  }
0x36: {  	[sflag:s25] =	ssyncadd.s32 $0xFFFFD800  }
0x37: {  	[spmem:s12] =	stream.linear.scatter [tilespmem:s24], [sflag:$0x5], $0x2800, $0x38;
	[tilespmem:$0x1EA00] =	vst v63  }
0x38: {  	_ =	swait.ge [sflag:s25], $0x2800  }
0x39: {  	[sflag:s25] =	ssyncset.done $0x0  }
0x3a: {  	[sflag:s25] =	ssyncadd.s32 $0xFFFFD800  }
0x3b: {  	[spmem:s13] =	stream.linear.scatter [tilespmem:s24], [sflag:$0x5], $0x2800, $0x38;
	[tilespmem:$0x1EA00] =	vst v63  }
0x3c: {  	_ =	swait.ge [sflag:s25], $0x2800  }
0x3d: {  	[sflag:s25] =	ssyncset.done $0x0  }
0x3e: {  	[sflag:s25] =	ssyncadd.s32 $0xFFFFD800  }
0x3f: {  	[bflag:$0x0] =	sbarrier.arrive $0xFFFF  }
0x40: {  	[tilespmem:s4], [sflag:$0x5] =	stream.linear.gather [hbm4b:s14+s4], $0x80, $0x38;
	[tilespmem:$0x1EA00] =	vst v63  }
0x41: {  	_ =	swait.ge [sflag:s25], $0x80  }
0x42: {  	[sflag:s25] =	ssyncset.done $0x0  }
0x43: {  	[sflag:s25] =	ssyncadd.s32 $0xFFFFFF80  }
0x44: {  	[tilespmem:s26], [sflag:$0x5] =	stream.linear.gather [hbm4b:s15+s4], $0x80, $0x38;
	[tilespmem:$0x1EA00] =	vst v63  }
0x45: {  	_ =	swait.ge [sflag:s25], $0x80  }
0x46: {  	[sflag:s25] =	ssyncset.done $0x0  }
0x47: {  	[sflag:s25] =	ssyncadd.s32 $0xFFFFFF80  }
0x48: {  	[tilespmem:s28], [sflag:$0x1] =	stream.indirect.gather [hbm4b:s0+s26], $0x80, s4, s26, $0xb8;
	[tilespmem:$0x1EA00] =	vst v63  }
0x49: {  	_ = 	snop  }
0x4a: {  	[tilespmem:s29], [sflag:$0x5] =	stream.linear.gather [hbm4b:s16+s4], $0x80, $0x38;
	[tilespmem:$0x1EA00] =	vst v63  }
0x4b: {  	_ =	swait.ge [sflag:s25], $0x80  }
0x4c: {  	[sflag:s25] =	ssyncset.done $0x0  }
0x4d: {  	[sflag:s25] =	ssyncadd.s32 $0xFFFFFF80  }
0x4e: {  	[tilespmem:s30], [sflag:$0x5] =	stream.linear.gather [hbm4b:s17+s4], $0x80, $0x38;
	[tilespmem:$0x1EA00] =	vst v63  }
0x4f: {  	_ =	swait.ge [sflag:s25], $0x80  }
0x50: {  	[sflag:s25] =	ssyncset.done $0x0  }
0x51: {  	[sflag:s25] =	ssyncadd.s32 $0xFFFFFF80  }
0x52: {  	[tilespmem:s31], [sflag:$0x2] =	stream.indirect.gather [hbm4b:s0+s26], $0x80, s29, s26, $0xb8;
	[tilespmem:$0x1EA00] =	vst v63  }
0x53: {  	_ =	swait.ge [sflag:s1], $0x4000  }
0x54: {  	[sflag:s1] =	ssyncset.done $0x0  }
0x55: {  	[sflag:s1] =	ssyncadd.s32 $0xFFFFC000  }
0x56: {  	[spmem:s3] =	stream.indirect.scatter.add.f32 [tilespmem:s28], [sflag:$0x3], $0x80, s26, s26, $0xb8;
	[tilespmem:$0x1EA00] =	vst v63  }
0x57: {  	_ =	swait.ge [sflag:s2], $0x4000  }
0x58: {  	[sflag:s2] =	ssyncset.done $0x0  }
0x59: {  	s10 =	sadd.s32 $0x0, s23;
	[sflag:s2] =	ssyncadd.s32 $0xFFFFC000  }
0x5a: {  	[tilespmem:s4], [sflag:$0x5] =	stream.linear.gather [hbm4b:s10+s4], $0x80, $0x38;
	[tilespmem:$0x1EA00] =	vst v63  }
0x5b: {  	_ =	swait.ge [sflag:s25], $0x80  }
0x5c: {  	[sflag:s25] =	ssyncset.done $0x0  }
0x5d: {  	s11 =	sadd.s32 $0x0, s22;
	[sflag:s25] =	ssyncadd.s32 $0xFFFFFF80  }
0x5e: {  	[tilespmem:s26], [sflag:$0x5] =	stream.linear.gather [hbm4b:s11+s4], $0x80, $0x38;
	[tilespmem:$0x1EA00] =	vst v63  }
0x5f: {  	_ =	swait.ge [sflag:s25], $0x80  }
0x60: {  	[sflag:s25] =	ssyncset.done $0x0  }
0x61: {  	[sflag:s25] =	ssyncadd.s32 $0xFFFFFF80  }
0x62: {  	[tilespmem:s28], [sflag:$0x1] =	stream.indirect.gather [hbm4b:s0+s26], $0x80, s4, s26, $0xb8;
	[tilespmem:$0x1EA00] =	vst v63  }
0x63: {  	_ =	swait.ge [sflag:s5], $0x4000  }
0x64: {  	[sflag:s5] =	ssyncset.done $0x0  }
0x65: {  	[sflag:s5] =	ssyncadd.s32 $0xFFFFC000  }
0x66: {  	[spmem:s3] =	stream.indirect.scatter.add.f32 [tilespmem:s31], [sflag:$0x4], $0x80, s30, s26, $0xb8;
	[tilespmem:$0x1EA00] =	vst v63  }
0x67: {  	_ =	swait.ge [sflag:s7], $0x4000  }
0x68: {  	[sflag:s7] =	ssyncset.done $0x0  }
0x69: {  	s10 =	sadd.s32 $0x0, s21;
	[sflag:s7] =	ssyncadd.s32 $0xFFFFC000  }
0x6a: {  	[tilespmem:s29], [sflag:$0x5] =	stream.linear.gather [hbm4b:s10+s4], $0x80, $0x38;
	[tilespmem:$0x1EA00] =	vst v63  }
0x6b: {  	_ =	swait.ge [sflag:s25], $0x80  }
0x6c: {  	[sflag:s25] =	ssyncset.done $0x0  }
0x6d: {  	s11 =	sadd.s32 $0x0, s20;
	[sflag:s25] =	ssyncadd.s32 $0xFFFFFF80  }
0x6e: {  	[tilespmem:s30], [sflag:$0x5] =	stream.linear.gather [hbm4b:s11+s4], $0x80, $0x38;
	[tilespmem:$0x1EA00] =	vst v63  }
0x6f: {  	_ =	swait.ge [sflag:s25], $0x80  }
0x70: {  	[sflag:s25] =	ssyncset.done $0x0  }
0x71: {  	s9 =	simm.s32 $0x20;
	[sflag:s25] =	ssyncadd.s32 $0xFFFFFF80  }
.LBB2_2:
0x72: {  	[tilespmem:s31], [sflag:$0x2] =	stream.indirect.gather [hbm4b:s0+s26], $0x80, s29, s26, $0xb8;
	[tilespmem:$0x1EA00] =	vst v63  }
0x73: {  	s10 =	smov.u32 s9  }
0x74: {  	p0 =	sne.s32 s9, $0x4C0;
	s9 =	sadd.s32 $0x20, s9;
	_ =	swait.ge [sflag:s1], $0x4000  }
0x75: {  	[sflag:s1] =	ssyncset.done $0x0  }
0x76: {  	[sflag:s1] =	ssyncadd.s32 $0xFFFFC000  }
0x77: {  	[spmem:s3] =	stream.indirect.scatter.add.f32 [tilespmem:s28], [sflag:$0x3], $0x80, s26, s26, $0xb8;
	[tilespmem:$0x1EA00] =	vst v63  }
0x78: {  	_ =	swait.ge [sflag:s2], $0x4000  }
0x79: {  	[sflag:s2] =	ssyncset.done $0x0  }
0x7a: {  	s11 =	sadd.s32 s10, s23;
	[sflag:s2] =	ssyncadd.s32 $0xFFFFC000  }
0x7b: {  	[tilespmem:s4], [sflag:$0x5] =	stream.linear.gather [hbm4b:s11+s4], $0x80, $0x38;
	[tilespmem:$0x1EA00] =	vst v63  }
0x7c: {  	_ =	swait.ge [sflag:s25], $0x80  }
0x7d: {  	[sflag:s25] =	ssyncset.done $0x0  }
0x7e: {  	s11 =	sadd.s32 s10, s22;
	[sflag:s25] =	ssyncadd.s32 $0xFFFFFF80  }
0x7f: {  	[tilespmem:s26], [sflag:$0x5] =	stream.linear.gather [hbm4b:s11+s4], $0x80, $0x38;
	[tilespmem:$0x1EA00] =	vst v63  }
0x80: {  	_ =	swait.ge [sflag:s25], $0x80  }
0x81: {  	[sflag:s25] =	ssyncset.done $0x0  }
0x82: {  	[sflag:s25] =	ssyncadd.s32 $0xFFFFFF80  }
0x83: {  	[tilespmem:s28], [sflag:$0x1] =	stream.indirect.gather [hbm4b:s0+s26], $0x80, s4, s26, $0xb8;
	[tilespmem:$0x1EA00] =	vst v63  }
0x84: {  	_ =	swait.ge [sflag:s5], $0x4000  }
0x85: {  	[sflag:s5] =	ssyncset.done $0x0  }
0x86: {  	[sflag:s5] =	ssyncadd.s32 $0xFFFFC000  }
0x87: {  	[spmem:s3] =	stream.indirect.scatter.add.f32 [tilespmem:s31], [sflag:$0x4], $0x80, s30, s26, $0xb8;
	[tilespmem:$0x1EA00] =	vst v63  }
0x88: {  	_ =	swait.ge [sflag:s7], $0x4000  }
0x89: {  	[sflag:s7] =	ssyncset.done $0x0  }
0x8a: {  	s11 =	sadd.s32 s10, s21;
	[sflag:s7] =	ssyncadd.s32 $0xFFFFC000  }
0x8b: {  	[tilespmem:s29], [sflag:$0x5] =	stream.linear.gather [hbm4b:s11+s4], $0x80, $0x38;
	[tilespmem:$0x1EA00] =	vst v63  }
0x8c: {  	_ =	swait.ge [sflag:s25], $0x80  }
0x8d: {  	[sflag:s25] =	ssyncset.done $0x0  }
.Ltmp0:
0x8e: {  	s10 =	sadd.s32 s10, s20;
	[sflag:s25] =	ssyncadd.s32 $0xFFFFFF80;
	(pc) =	sbr.rel @p0 .LBB2_2-.Ltmp0, $4  }
0x8f: {  	[tilespmem:s30], [sflag:$0x5] =	stream.linear.gather [hbm4b:s10+s4], $0x80, $0x38;
	[tilespmem:$0x1EA00] =	vst v63  }
0x90: {  	_ =	swait.ge [sflag:s25], $0x80  }
0x91: {  	[sflag:s25] =	ssyncset.done $0x0  }
0x92: {  	[sflag:s25] =	ssyncadd.s32 $0xFFFFFF80  }
0x93: {  	[tilespmem:s31], [sflag:$0x2] =	stream.indirect.gather [hbm4b:s0+s26], $0x80, s29, s26, $0xb8;
	[tilespmem:$0x1EA00] =	vst v63  }
0x94: {  	_ =	swait.ge [sflag:s1], $0x4000  }
0x95: {  	[sflag:s1] =	ssyncset.done $0x0  }
0x96: {  	[sflag:s1] =	ssyncadd.s32 $0xFFFFC000  }
0x97: {  	[spmem:s3] =	stream.indirect.scatter.add.f32 [tilespmem:s28], [sflag:$0x3], $0x80, s26, s26, $0xb8;
	[tilespmem:$0x1EA00] =	vst v63  }
0x98: {  	_ =	swait.ge [sflag:s5], $0x4000  }
0x99: {  	[sflag:s5] =	ssyncset.done $0x0  }
0x9a: {  	[sflag:s5] =	ssyncadd.s32 $0xFFFFC000  }
0x9b: {  	[spmem:s3] =	stream.indirect.scatter.add.f32 [tilespmem:s31], [sflag:$0x4], $0x80, s30, s26, $0xb8;
	[tilespmem:$0x1EA00] =	vst v63  }
0x9c: {  	_ =	swait.ge [sflag:s2], $0x4000  }
0x9d: {  	[sflag:s2] =	ssyncset.done $0x0  }
0x9e: {  	[sflag:s2] =	ssyncadd.s32 $0xFFFFC000  }
0x9f: {  	s9 =	stileid.u32;
	_ =	swait.ge [sflag:s7], $0x4000  }
0xa0: {  	s10 =	sshrl.u32 s6, $0x3;
	s8 =	sadd.s32 $0x1, s8;
	[sflag:s7] =	ssyncset.done $0x0  }
0xa1: {  	s9 =	sshll.u32 s9, $0x6;
	p0 =	sne.s32 s8, s19;
	[sflag:s7] =	ssyncadd.s32 $0xFFFFC000  }
.Ltmp1:
0xa2: {  	s9 =	sor.u32 $0x1C05, s9;
	[bflag:$0x0] =	sbarrier.arrive $0xFFFF;
	(pc) =	sbr.rel @p0 .LBB2_1-.Ltmp1, $4  }
0xa3: {  	[hbm:s18], [sflag:s9] =	dma.local [spmem:s10], $0x2800  }
0xa4: {  	_ =	swait.ge [sflag:s25], $0x2800  }
0xa5: {  	[sflag:s25] =	ssyncset.done $0x0  }
0xa6: {  	[sflag:s25] =	ssyncadd.s32 $0xFFFFD800  }
0xa7: {  	_ =	sfence.sel $0x180000  }
0xa8: {  	[bflag:$0x0] =	sbarrier.arrive $0xFFFF  }
0xa9: {  	_ =	strace $0x9000004D  }
0xaa: {  	s0 =	stileid.u32;
	[bflag:$0x2] =	sbarrier.arrive $0xFFFF  }
0xab: {  	p0 =	sne.s32 s0, $0x0;
	s0 =	rddreg [dreg:$0x3]  }
0xac: {  	s0 =	sadd.s32 @!p0 $0x100000, s0  }
0xad: {  	[sflag:s0] =	ssyncadd.tile.s32 @!p0 $0x1;
	_ =	shalt  }
.Lfunc_end2:
_tile_overlayer_lowered:
.L_overlay_start_2:
0xae: {  	(tag) =	ssettag $0x2  }
0xaf: {  	s0 =	rddreg [dreg:$0x0];
	s2 =	stileid.u32  }
0xb0: {  	s1 =	rddreg [dreg:$0x1];
	p0 =	sne.s32 s2, $0x0  }
0xb1: {  	s3 =	rddreg [dreg:$0x2];
	[bflag:$0x3] =	sbarrier.arrive $0xFFFF;
	s2 =	simm.s32 @!p0 $0x1C05  }
0xb2: {  	[timem:s3], [sflag:s2] =	dma.local @!p0 [hbm:s0], s1  }
0xb3: {  	s0 =	simm.s32 @!p0 $0x5  }
0xb4: {  	_ =	swait.ge @!p0 [sflag:s0], s1  }
0xb5: {  	s1 =	ssub.s32 @!p0 $0x0, s1;
	[sflag:s0] =	ssyncset.done @!p0 $0x0  }
0xb6: {  	[sflag:s0] =	ssyncadd.s32 @!p0 s1  }
0xb7: {  	[bflag:$0x3] =	sbarrier.arrive $0xFFFF  }
0xb8: {  	_ =	shalt  }

// kernel: kernel.7.cloned.1.call-start
scs
__scs_entry_jumppad:
0x0: {  	(pc) =	sbr.rel $0x88, $3  }
0x1: {  	(tag) =	ssettag $0x0;
	lr =	simm.s32 $0x1  }
0x2: {  	[smem:$0x3F99] =	sst lr;
	_ =	strace $0xD0000000  }
0x3: {  	_ = 	snop  }
0x4: {  	_ = 	snop  }
0x5: {  	_ = 	snop  }
0x6: {  	_ = 	snop  }
0x7: {  	_ = 	snop  }
__scs_overlays_trampoline_lowered:
0x8: {  	[smem:$0x3FA8] =	sst s0  }
0x9: {  	[smem:$0x3FA9] =	sst s1  }
0xa: {  	[smem:$0x3FAA] =	sst s2  }
0xb: {  	[smem:$0x3FAB] =	sst s3  }
0xc: {  	[smem:$0x3FAC] =	sst s4  }
0xd: {  	[smem:$0x3FAD] =	sst s5  }
0xe: {  	[smem:$0x3FAE] =	sst s6  }
0xf: {  	[smem:$0x3FAF] =	sst s7  }
0x10: {  	[smem:$0x3FB0] =	sst s8  }
0x11: {  	[smem:$0x3FB1] =	sst s9;
	s0 =	simm.s32 @!p0 $0x0  }
0x12: {  	s1 =	sld [smem:$0x3F97];
	s0 =	simm.s32 @p0 $0x1  }
0x13: {  	[smem:$0x3FB2] =	sst s0;
	s0 =	simm.s32 @!p1 $0x0  }
0x14: {  	s2 =	sld [smem:$0x3F96];
	s0 =	simm.s32 @p1 $0x1  }
0x15: {  	[smem:$0x3FB3] =	sst s0;
	s0 =	simm.s32 @!p2 $0x0  }
0x16: {  	s3 =	sld [smem:$0x3FDB];
	s0 =	simm.s32 @p2 $0x1  }
0x17: {  	s4 =	simm.s32 $0x1BF5;
	[smem:$0x3FB5] =	sst s0  }
0x18: {  	s0 =	sld [smem:$0x3F98];
	_ =	swait.ge [sflag:s4], $0x0  }
0x19: {  	s7 =	sld [smem:$0x3F99]  }
0x1a: {  	s8 =	sadd.s32 $0xFFFFE003, lr  }
0x1b: {  	s9 =	sadd.s32 $0xFFFFFEF7, lr;
	s5 =	simm.s32 $0xFFFFFFFF;
	p2 =	slt.u32 s8, $0xFFFFF086  }
0x1c: {  	p1 =	slt.u32 s9, $0xF7A;
	s5 =	simm.s32 @!p2 $0x0  }
0x1d: {  	s5 =	simm.s32 @p1 $0x1;
	p0 =	seq.s32 s7, s2  }
0x1e: {  	s7 =	smul.u32 @!p0 $0xF7A, s2;
	p2 =	seq.s32 @!p0 s5, $0x0  }
0x1f: {  	s9 =	smul.u32 $0xF7A, s1;
	s8 =	simm.s32 @!p0 $0x1BF5;
	p2 =	por !p2, p0  }
0x20: {  	[sflag:s8] =	ssyncset.s32 @!p0 $0xFFFFF086;
	s6 =	sadd.s32 @!p0 s3, s7;
	s7 =	simm.s32 @!p0 $0x108  }
0x21: {  	s3 =	sadd.s32 s3, s9;
	s6 =	sadd.s32 @!p0 $0x88, s6;
	s7 =	simm.s32 @p2 $0x1082  }
0x22: {  	[simem:s7], [sflag:s8] =	dma.local @!p0 [hbm:s6], $0xF7A  }
0x23: {  	s9 =	sor.u32 $0xD0000000, s2;
	s6 =	simm.s32 $0x108;
	_ =	swait.ge @!p0 [sflag:s8], $0x0  }
0x24: {  	s3 =	sadd.s32 $0x88, s3;
	s6 =	simm.s32 @!p1 $0x1082;
	[sflag:s4] =	ssyncset.s32 $0xFFFFF086  }
0x25: {  	[simem:s6], [sflag:s4] =	dma.local [hbm:s3], $0xF7A  }
0x26: {  	[smem:$0x3F99] =	sst s1;
	(tag) =	ssettag s2;
	_ =	strace s9  }
0x27: {  	s1 =	sld [smem:$0x3FA9]  }
0x28: {  	s2 =	sld [smem:$0x3FAA]  }
0x29: {  	s4 =	sld [smem:$0x3FAC]  }
0x2a: {  	p0 =	seq.s32 s5, $0x0;
	s5 =	sld [smem:$0x3FAD]  }
0x2b: {  	s6 =	sld [smem:$0x3FAE]  }
0x2c: {  	s7 =	sld [smem:$0x3FAF]  }
0x2d: {  	s3 =	simm.s32 $0x108;
	s8 =	sld [smem:$0x3FB0]  }
0x2e: {  	s3 =	simm.s32 @!p0 $0x1082;
	s9 =	sld [smem:$0x3FB1]  }
0x2f: {  	lr =	sadd.s32 s0, s3;
	s0 =	sld [smem:$0x3FA8]  }
0x30: {  	s3 =	sld [smem:$0x3FAB]  }
0x31: {  	[smem:$0x3FB4] =	sst s10  }
0x32: {  	s10 =	sld [smem:$0x3FB2];
	_ =	sdelay $0x3  }
0x33: {  	p0 =	seq.s32 s10, $0x1;
	s10 =	sld [smem:$0x3FB4];
	_ =	sdelay $0x3  }
0x34: {  	[smem:$0x3FB4] =	sst s10  }
0x35: {  	s10 =	sld [smem:$0x3FB3];
	_ =	sdelay $0x3  }
0x36: {  	p1 =	seq.s32 s10, $0x1;
	s10 =	sld [smem:$0x3FB4];
	_ =	sdelay $0x3  }
0x37: {  	[smem:$0x3FB4] =	sst s10  }
0x38: {  	s10 =	sld [smem:$0x3FB5]  }
0x39: {  	_ = 	snop;
	(pc) =	sbr.ind lr, $3  }
0x3a: {  	_ = 	snop  }
0x3b: {  	_ = 	snop  }
0x3c: {  	p2 =	seq.s32 s10, $0x1;
	s10 =	sld [smem:$0x3FB4]  }
0x3d: {  	_ =	shalt  }
0x3e: {  	_ =	shalt  }
0x3f: {  	_ =	shalt  }
0x40: {  	_ =	shalt  }
0x41: {  	_ =	shalt  }
0x42: {  	_ =	shalt  }
0x43: {  	_ =	shalt  }
0x44: {  	_ =	shalt  }
0x45: {  	_ =	shalt  }
0x46: {  	_ =	shalt  }
0x47: {  	_ =	shalt  }
0x48: {  	_ =	shalt  }
0x49: {  	_ =	shalt  }
0x4a: {  	_ =	shalt  }
0x4b: {  	_ =	shalt  }
0x4c: {  	_ =	shalt  }
0x4d: {  	_ =	shalt  }
0x4e: {  	_ =	shalt  }
0x4f: {  	_ =	shalt  }
0x50: {  	_ =	shalt  }
0x51: {  	_ =	shalt  }
0x52: {  	_ =	shalt  }
0x53: {  	_ =	shalt  }
0x54: {  	_ =	shalt  }
0x55: {  	_ =	shalt  }
0x56: {  	_ =	shalt  }
0x57: {  	_ =	shalt  }
0x58: {  	_ =	shalt  }
0x59: {  	_ =	shalt  }
0x5a: {  	_ =	shalt  }
0x5b: {  	_ =	shalt  }
0x5c: {  	_ =	shalt  }
0x5d: {  	_ =	shalt  }
0x5e: {  	_ =	shalt  }
0x5f: {  	_ =	shalt  }
0x60: {  	_ =	shalt  }
0x61: {  	_ =	shalt  }
0x62: {  	_ =	shalt  }
0x63: {  	_ =	shalt  }
0x64: {  	_ =	shalt  }
0x65: {  	_ =	shalt  }
0x66: {  	_ =	shalt  }
0x67: {  	_ =	shalt  }
0x68: {  	_ =	shalt  }
0x69: {  	_ =	shalt  }
0x6a: {  	_ =	shalt  }
0x6b: {  	_ =	shalt  }
0x6c: {  	_ =	shalt  }
0x6d: {  	_ =	shalt  }
0x6e: {  	_ =	shalt  }
0x6f: {  	_ =	shalt  }
0x70: {  	_ =	shalt  }
0x71: {  	_ =	shalt  }
0x72: {  	_ =	shalt  }
0x73: {  	_ =	shalt  }
0x74: {  	_ =	shalt  }
0x75: {  	_ =	shalt  }
0x76: {  	_ =	shalt  }
0x77: {  	_ =	shalt  }
0x78: {  	_ =	shalt  }
0x79: {  	_ =	shalt  }
0x7a: {  	_ =	shalt  }
0x7b: {  	_ =	shalt  }
0x7c: {  	_ =	shalt  }
0x7d: {  	_ =	shalt  }
0x7e: {  	_ =	shalt  }
0x7f: {  	_ =	shalt  }
0x80: {  	_ =	shalt  }
0x81: {  	_ =	shalt  }
0x82: {  	_ =	shalt  }
0x83: {  	_ =	shalt  }
0x84: {  	_ =	shalt  }
0x85: {  	_ =	shalt  }
0x86: {  	_ =	shalt  }
0x87: {  	_ =	shalt  }
.Lfunc_end0:
.L_simem_size_0:
called_computation_lowered:
.L_overlay_start_0:
0x88: {  	s2 =	sld [smem:$0x3FD9]  }
0x89: {  	s3 =	sld [smem:$0x3FFE];
	_ =	sdelay $0x1  }
0x8a: {  	s1 =	srdreg.scid  }
0x8b: {  	s0 =	sand.u32 $0x1, s1  }
0x8c: {  	s17 =	sshll.u32 s0, $0xA;
	s2 =	sadd.s32 s3, s2  }
0x8d: {  	s2 =	sadd.s32 s2, s17  }
0x8e: {  	[smem:$0x3FC0] =	sst s2  }
0x8f: {  	_ = 	snop  }
0x90: {  	s18 =	sld [smem:$0x3FD0];
	(tm) =	ssettm $0x1  }
0x91: {  	s19 =	sld [smem:$0x3FFB];
	_ =	sdelay $0x3  }
0x92: {  	_ =	strace s19  }
0x93: {  	s2 =	sld [smem:$0x3FFC];
	_ =	sdelay $0x3  }
0x94: {  	_ =	strace s2  }
0x95: {  	s2 =	sld [smem:$0x3FFD];
	_ =	sdelay $0x3  }
0x96: {  	_ =	strace s2  }
0x97: {  	_ =	strace $0x8FFFFFFF  }
0x98: {  	s20 =	sld [smem:$0x3FDB];
	_ =	sdelay $0x1  }
0x99: {  	s4 =	simm.s32 $_scs_section_size  }
0x9a: {  	s5 =	simm.s32 $_size__tile_overlayer_lowered;
	s6 =	simm.s32 $_tile_overlayer_lowered  }
0x9b: {  	s7 =	simm.s32 $0x1BFF;
	s21 =	sshll.u32 s6, $0x1;
	s4 =	sadd.s32 s4, s20  }
0x9c: {  	s22 =	simm.s32 $0x0;
	s5 =	sshll.u32 s5, $0x1;
	s6 =	sadd.s32 s21, s4  }
0x9d: {  	[timem:s22], [sflag:s7] =	dma.local [hbm:s6], s5  }
0x9e: {  	_ =	swait.ge [sflag:s7], s5  }
0x9f: {  	s5 =	ssub.s32 $0x0, s5;
	[sflag:s7] =	ssyncset.done $0x0  }
0xa0: {  	[sflag:s7] =	ssyncadd.s32 s5;
	_ =	sdelay $0x1  }
0xa1: {  	s23 =	simm.s32 $0x1B8B  }
0xa2: {  	_ =	swait.ge [sflag:s23], $0x1  }
0xa3: {  	[sflag:s23] =	ssyncset.done $0x0  }
0xa4: {  	[sflag:s23] =	ssyncadd.s32 $0xFFFFFFFF  }
0xa5: {  	s5 =	sld [smem:$0x0]  }
0xa6: {  	s6 =	sand.u32 $0xFFFFFFFE, s1  }
0xa7: {  	p0 =	sne.s32 s1, s6  }
0xa8: {  	s6 =	sshll.u32 @p0 s6, $0xE  }
0xa9: {  	s6 =	sadd.s32 @p0 $0x11B8D, s6;
	s7 =	sshll.u32 @p0 s5, $0x11  }
0xaa: {  	s6 =	sor.u32 @p0 s7, s6  }
0xab: {  	[sflag:s6] =	ssyncadd.remote.s32 @p0 $0x1;
	_ =	sdelay $0x1  }
0xac: {  	s6 =	simm.s32 @p0 $0x1B8D  }
0xad: {  	_ =	swait.eq @p0 [sflag:s6], $0x1  }
0xae: {  	[sflag:s6] =	ssyncadd.s32 @p0 $0xFFFFFFFF  }
0xaf: {  	s7 =	sshll.u32 @!p0 s1, $0xE  }
0xb0: {  	s7 =	sor.u32 @!p0 $0x4000, s7;
	s6 =	simm.s32 @!p0 $0x1B8D  }
0xb1: {  	s5 =	sshll.u32 @!p0 s5, $0x11;
	s7 =	sadd.s32 @!p0 $0x11B8D, s7;
	_ =	swait.eq @!p0 [sflag:s6], $0x1  }
0xb2: {  	s5 =	sor.u32 @!p0 s5, s7;
	[sflag:s6] =	ssyncadd.s32 @!p0 $0xFFFFFFFF  }
0xb3: {  	s25 =	simm.s32 $0x1B8E;
	s24 =	sld [smem:$0x3FFE];
	[sflag:s5] =	ssyncadd.remote.s32 @!p0 $0x1  }
0xb4: {  	s26 =	simm.s32 $execute0_lowered;
	[smem:$0x3FD2] =	sst s25  }
0xb5: {  	s6 =	sshll.u32 s26, $0x1;
	_ =	strace $0x80000049;
	[dreg:$0x1] =	wrdreg $0xFFFFFFFF  }
0xb6: {  	s28 =	simm.s32 $_size_execute0_lowered;
	s4 =	sadd.s32 s4, s6;
	[dreg:$0x0] =	wrdreg $0x0  }
0xb7: {  	s6 =	sshll.u32 s28, $0x1;
	[dreg:$0x2] =	wrdreg s4  }
0xb8: {  	[dreg:$0x3] =	wrdreg s6  }
0xb9: {  	[dreg:$0x4] =	wrdreg $0xC0  }
0xba: {  	_ =	task [dreg:s22], $0x5FFFF  }
0xbb: {  	[dreg:$0x1] =	wrdreg $0xFFFFFFFF  }
0xbc: {  	[dreg:$0x0] =	wrdreg $0x60  }
0xbd: {  	[dreg:$0x2] =	wrdreg s24  }
0xbe: {  	[dreg:$0x3] =	wrdreg s18  }
0xbf: {  	[dreg:$0x4] =	wrdreg $0x41000  }
0xc0: {  	[dreg:$0x5] =	wrdreg $0x9  }
0xc1: {  	_ =	task.clear_ibuf [dreg:s22], $0x6FFFF;
	_ =	strace $0x90000049  }
0xc2: {  	s29 =	simm.s32 $0x9;
	_ =	strace $0x8000004B  }
0xc3: {  	_ =	swait.ge [sflag:s29], $0x1  }
0xc4: {  	[sflag:s29] =	ssyncadd.s32 $0xFFFFFFFF  }
0xc5: {  	_ =	strace $0x9000004B  }
0xc6: {  	_ =	sfence  }
0xc7: {  	s30 =	sld [smem:$0x0];
	_ =	sdelay $0x2  }
0xc8: {  	s31 =	sshll.u32 s1, $0xD;
	s1 =	sshrl.u32 s1, $0x2  }
0xc9: {  	s4 =	sand.u32 $0x4000, s31;
	s1 =	sadd.s32 s1, s30  }
0xca: {  	s0 =	sor.u32 s4, s0;
	s1 =	sshll.u32 s1, $0x11  }
0xcb: {  	s0 =	sor.u32 s1, s0  }
0xcc: {  	s0 =	sadd.s32 $0x8F2B, s0  }
0xcd: {  	[sflag:s0] =	ssyncadd.remote.s32 $0x1  }
0xce: {  	_ =	sfence.sel $0xFFFF  }
0xcf: {  	[dreg:$0x0] =	wrdreg $0xFFFFFFFF;
	(pc) =	sbr.abs _section_cstart, $3  }
0xd0: {  	[dreg:$0x1] =	wrdreg $0xFFFFFFFF  }
0xd1: {  	_ =	task.clear_ibuf [dreg:s22], $0x2FFFF;
	_ =	strace $0x9FFFFFFF  }
0xd2: {  	(tm) =	ssettm $0x7FFFFFFF  }
0xd3: {  	_ =	shalt  }
tec
execute0_lowered:
.L_overlay_start_1:
0x0: {  	(tag) =	ssettag $0x1  }
0x1: {  	s6 =	rddreg [dreg:$0x0]  }
0x2: {  	s2 =	rddreg [dreg:$0x1];
	s0 =	srdreg.scid  }
0x3: {  	s3 =	rddreg [dreg:$0x2];
	s1 =	stileid.u32;
	s4 =	simm.s32 $0x0  }
0x4: {  	s21 =	simm.s32 $0x3;
	s22 =	simm.s32 $0x80;
	s23 =	simm.s32 $0x1  }
0x5: {  	s24 =	simm.s32 $0x2;
	s26 =	simm.s32 $0x0;
	s7 =	smul.u32 $0x14000, s1  }
0x6: {  	s8 =	sand.u32 $0x1, s0;
	[smem:$0x7FF] =	sst s4;
	s9 =	smul.u32 $0x50000, s1  }
0x7: {  	s19 =	sadd.s32 $0x2000, s6;
	s18 =	smul.u32 $0x2800, s1;
	s25 =	sshll.u32 s1, $0x6  }
0x8: {  	s5 =	smul.u32 $0x140000, s8;
	_ =	strace $0x8000004A;
	s30 =	sshll.u32 s8, $0x4  }
0x9: {  	s31 =	ssub.s32 $0x2, s8;
	s17 =	smul.u32 $0x28000, s8;
	s25 =	sor.u32 $0x1C03, s25  }
0xa: {  	s9 =	sshrl.u32 s9, $0x2;
	s10 =	sshrl.u32 s31, $0x1;
	s5 =	sadd.s32 s7, s5  }
0xb: {  	s16 =	ssub.s32 s31, s10;
	s17 =	sadd.s32 s18, s17;
	s7 =	sshrl.u32 s5, $0x3  }
0xc: {  	s5 =	sadd.s32 $0x16000, s6;
	s18 =	sor.u32 $0x100, s17;
	s16 =	smax.u32 s16, $0x1  }
0xd: {  	s20 =	sor.u32 $0x80, s17;
	s15 =	sadd.s32 s7, s6;
	s6 =	sor.u32 s1, s30  }
0xe: {  	s18 =	sshrl.u32 s18, $0x3;
	s20 =	sshrl.u32 s20, $0x3;
	s14 =	smul.u32 $0x2800, s6  }
0xf: {  	s6 =	sadd.s32 s9, s3;
	s15 =	sadd.s32 $0x66600, s15;
	s18 =	sadd.s32 s18, s19  }
0x10: {  	s7 =	sadd.s32 $0x2800, s6;
	s8 =	sadd.s32 $0x5000, s6;
	s9 =	sadd.s32 $0x7800, s6  }
0x11: {  	s10 =	sadd.s32 $0xA000, s6;
	s11 =	sadd.s32 $0xC800, s6;
	s14 =	sshrl.u32 s14, $0x3  }
0x12: {  	s12 =	sadd.s32 $0xF000, s6;
	s13 =	sadd.s32 $0x11800, s6;
	s14 =	sadd.s32 s19, s14  }
0x13: {  	s19 =	sadd.s32 s20, s19;
	s20 =	simm.s32 $0x100;
	s17 =	sadd.s32 $0x4F0, s14  }
.LBB2_1:
0x14: {  	[tilespmem:s20], [sflag:$0x3] =	stream.linear.gather [hbm4b:s5+s4], $0x2800, $0x38;
	[tilespmem:$0x18100] =	vst v63  }
0x15: {  	_ =	swait.ge [sflag:s21], $0x2800  }
0x16: {  	[sflag:s21] =	ssyncset.done $0x0  }
0x17: {  	[sflag:s21] =	ssyncadd.s32 $0xFFFFD800  }
0x18: {  	[spmem:s6] =	stream.linear.scatter [tilespmem:s20], [sflag:$0x3], $0x2800, $0x38;
	[tilespmem:$0x18100] =	vst v63  }
0x19: {  	_ =	swait.ge [sflag:s21], $0x2800  }
0x1a: {  	[sflag:s21] =	ssyncset.done $0x0  }
0x1b: {  	[sflag:s21] =	ssyncadd.s32 $0xFFFFD800  }
0x1c: {  	[spmem:s7] =	stream.linear.scatter [tilespmem:s20], [sflag:$0x3], $0x2800, $0x38;
	[tilespmem:$0x18100] =	vst v63  }
0x1d: {  	_ =	swait.ge [sflag:s21], $0x2800  }
0x1e: {  	[sflag:s21] =	ssyncset.done $0x0  }
0x1f: {  	[sflag:s21] =	ssyncadd.s32 $0xFFFFD800  }
0x20: {  	[spmem:s8] =	stream.linear.scatter [tilespmem:s20], [sflag:$0x3], $0x2800, $0x38;
	[tilespmem:$0x18100] =	vst v63  }
0x21: {  	_ =	swait.ge [sflag:s21], $0x2800  }
0x22: {  	[sflag:s21] =	ssyncset.done $0x0  }
0x23: {  	[sflag:s21] =	ssyncadd.s32 $0xFFFFD800  }
0x24: {  	[spmem:s9] =	stream.linear.scatter [tilespmem:s20], [sflag:$0x3], $0x2800, $0x38;
	[tilespmem:$0x18100] =	vst v63  }
0x25: {  	_ =	swait.ge [sflag:s21], $0x2800  }
0x26: {  	[sflag:s21] =	ssyncset.done $0x0  }
0x27: {  	[sflag:s21] =	ssyncadd.s32 $0xFFFFD800  }
0x28: {  	[spmem:s10] =	stream.linear.scatter [tilespmem:s20], [sflag:$0x3], $0x2800, $0x38;
	[tilespmem:$0x18100] =	vst v63  }
0x29: {  	_ =	swait.ge [sflag:s21], $0x2800  }
0x2a: {  	[sflag:s21] =	ssyncset.done $0x0  }
0x2b: {  	[sflag:s21] =	ssyncadd.s32 $0xFFFFD800  }
0x2c: {  	[spmem:s11] =	stream.linear.scatter [tilespmem:s20], [sflag:$0x3], $0x2800, $0x38;
	[tilespmem:$0x18100] =	vst v63  }
0x2d: {  	_ =	swait.ge [sflag:s21], $0x2800  }
0x2e: {  	[sflag:s21] =	ssyncset.done $0x0  }
0x2f: {  	[sflag:s21] =	ssyncadd.s32 $0xFFFFD800  }
0x30: {  	[spmem:s12] =	stream.linear.scatter [tilespmem:s20], [sflag:$0x3], $0x2800, $0x38;
	[tilespmem:$0x18100] =	vst v63  }
0x31: {  	_ =	swait.ge [sflag:s21], $0x2800  }
0x32: {  	[sflag:s21] =	ssyncset.done $0x0  }
0x33: {  	[sflag:s21] =	ssyncadd.s32 $0xFFFFD800  }
0x34: {  	[spmem:s13] =	stream.linear.scatter [tilespmem:s20], [sflag:$0x3], $0x2800, $0x38;
	[tilespmem:$0x18100] =	vst v63  }
0x35: {  	_ =	swait.ge [sflag:s21], $0x2800  }
0x36: {  	[sflag:s21] =	ssyncset.done $0x0  }
0x37: {  	[sflag:s21] =	ssyncadd.s32 $0xFFFFD800  }
0x38: {  	[tilespmem:s20], [sflag:$0x3] =	stream.linear.gather [hbm4b:s2+s4], $0x4000, $0x38;
	[tilespmem:$0x18100] =	vst v63  }
0x39: {  	_ =	swait.ge [sflag:s21], $0x4000  }
0x3a: {  	[sflag:s21] =	ssyncset.done $0x0  }
0x3b: {  	[sflag:s21] =	ssyncadd.s32 $0xFFFFC000  }
0x3c: {  	[bflag:$0x0] =	sbarrier.arrive $0xFFFF  }
0x3d: {  	[tilespmem:s4], [sflag:$0x3] =	stream.linear.gather [hbm4b:s14+s4], $0x80, $0x38;
	[tilespmem:$0x18100] =	vst v63  }
0x3e: {  	_ =	swait.ge [sflag:s21], $0x80  }
0x3f: {  	[sflag:s21] =	ssyncset.done $0x0  }
0x40: {  	[sflag:s21] =	ssyncadd.s32 $0xFFFFFF80  }
0x41: {  	[spmem:s3] =	stream.indirect.scatter.add.f32 [tilespmem:s20], [sflag:$0x1], $0x80, s4, s22, $0xb8;
	[tilespmem:$0x18100] =	vst v63  }
0x42: {  	s28 =	sadd.s32 $0x0, s19  }
0x43: {  	[tilespmem:s22], [sflag:$0x3] =	stream.linear.gather [hbm4b:s28+s4], $0x80, $0x38;
	[tilespmem:$0x18100] =	vst v63  }
0x44: {  	_ =	swait.ge [sflag:s21], $0x80  }
0x45: {  	[sflag:s21] =	ssyncset.done $0x0  }
0x46: {  	[sflag:s21] =	ssyncadd.s32 $0xFFFFFF80  }
0x47: {  	[spmem:s3] =	stream.indirect.scatter.add.f32 [tilespmem:s20], [sflag:$0x2], $0x80, s22, s22, $0xb8;
	[tilespmem:$0x18100] =	vst v63  }
0x48: {  	_ =	swait.ge [sflag:s23], $0x4000  }
0x49: {  	[sflag:s23] =	ssyncset.done $0x0  }
0x4a: {  	s28 =	sadd.s32 $0x0, s18;
	[sflag:s23] =	ssyncadd.s32 $0xFFFFC000  }
0x4b: {  	[tilespmem:s4], [sflag:$0x3] =	stream.linear.gather [hbm4b:s28+s4], $0x80, $0x38;
	[tilespmem:$0x18100] =	vst v63  }
0x4c: {  	_ =	swait.ge [sflag:s21], $0x80  }
0x4d: {  	[sflag:s21] =	ssyncset.done $0x0  }
0x4e: {  	[sflag:s21] =	ssyncadd.s32 $0xFFFFFF80  }
0x4f: {  	[spmem:s3] =	stream.indirect.scatter.add.f32 [tilespmem:s20], [sflag:$0x1], $0x80, s4, s22, $0xb8;
	[tilespmem:$0x18100] =	vst v63  }
0x50: {  	_ =	swait.ge [sflag:s24], $0x4000  }
0x51: {  	s29 =	simm.s32 $0x40;
	s28 =	simm.s32 $0x20;
	[sflag:s24] =	ssyncset.done $0x0  }
.LBB2_2:
0x52: {  	s30 =	sadd.s32 s28, s19  }
0x53: {  	[sflag:s24] =	ssyncadd.s32 $0xFFFFC000;
	s31 =	smov.u32 s29;
	s0 =	sadd.s32 $0x20, s29  }
0x54: {  	[tilespmem:s22], [sflag:$0x3] =	stream.linear.gather [hbm4b:s30+s4], $0x80, $0x38;
	[tilespmem:$0x18100] =	vst v63  }
0x55: {  	p0 =	sne.s32 s29, $0x4C0;
	_ =	swait.ge [sflag:s21], $0x80  }
0x56: {  	[sflag:s21] =	ssyncset.done $0x0  }
0x57: {  	[sflag:s21] =	ssyncadd.s32 $0xFFFFFF80  }
0x58: {  	[spmem:s3] =	stream.indirect.scatter.add.f32 [tilespmem:s20], [sflag:$0x2], $0x80, s22, s22, $0xb8;
	[tilespmem:$0x18100] =	vst v63  }
0x59: {  	_ =	swait.ge [sflag:s23], $0x4000  }
0x5a: {  	[sflag:s23] =	ssyncset.done $0x0  }
0x5b: {  	s29 =	sadd.s32 s28, s18;
	s28 =	smov.u32 s31;
	[sflag:s23] =	ssyncadd.s32 $0xFFFFC000  }
0x5c: {  	[tilespmem:s4], [sflag:$0x3] =	stream.linear.gather [hbm4b:s29+s4], $0x80, $0x38;
	[tilespmem:$0x18100] =	vst v63  }
0x5d: {  	_ =	swait.ge [sflag:s21], $0x80  }
.Ltmp0:
0x5e: {  	[sflag:s21] =	ssyncset.done $0x0;
	(pc) =	sbr.rel @p0 .LBB2_2-.Ltmp0, $4  }
0x5f: {  	[sflag:s21] =	ssyncadd.s32 $0xFFFFFF80  }
0x60: {  	[spmem:s3] =	stream.indirect.scatter.add.f32 [tilespmem:s20], [sflag:$0x1], $0x80, s4, s22, $0xb8;
	[tilespmem:$0x18100] =	vst v63  }
0x61: {  	_ =	swait.ge [sflag:s24], $0x4000  }
0x62: {  	s29 =	smov.u32 s0;
	[sflag:s24] =	ssyncset.done $0x0  }
0x63: {  	s0 =	sadd.s32 s28, s19;
	[sflag:s24] =	ssyncadd.s32 $0xFFFFC000  }
0x64: {  	[tilespmem:s22], [sflag:$0x3] =	stream.linear.gather [hbm4b:s0+s4], $0x80, $0x38;
	[tilespmem:$0x18100] =	vst v63  }
0x65: {  	_ =	swait.ge [sflag:s21], $0x80  }
0x66: {  	[sflag:s21] =	ssyncset.done $0x0  }
0x67: {  	[sflag:s21] =	ssyncadd.s32 $0xFFFFFF80  }
0x68: {  	[spmem:s3] =	stream.indirect.scatter.add.f32 [tilespmem:s20], [sflag:$0x2], $0x80, s22, s22, $0xb8;
	[tilespmem:$0x18100] =	vst v63  }
0x69: {  	_ =	swait.ge [sflag:s23], $0x4000  }
0x6a: {  	[sflag:s23] =	ssyncset.done $0x0  }
0x6b: {  	s30 =	sadd.s32 s28, s18;
	[sflag:s23] =	ssyncadd.s32 $0xFFFFC000  }
0x6c: {  	[tilespmem:s4], [sflag:$0x3] =	stream.linear.gather [hbm4b:s30+s4], $0x80, $0x38;
	[tilespmem:$0x18100] =	vst v63  }
0x6d: {  	_ =	swait.ge [sflag:s21], $0x80  }
0x6e: {  	[sflag:s21] =	ssyncset.done $0x0  }
0x6f: {  	[sflag:s21] =	ssyncadd.s32 $0xFFFFFF80  }
0x70: {  	[spmem:s3] =	stream.indirect.scatter.add.f32 [tilespmem:s20], [sflag:$0x1], $0x80, s4, s22, $0xb8;
	[tilespmem:$0x18100] =	vst v63  }
0x71: {  	_ =	swait.ge [sflag:s24], $0x4000  }
0x72: {  	[sflag:s24] =	ssyncset.done $0x0  }
0x73: {  	[sflag:s24] =	ssyncadd.s32 $0xFFFFC000  }
0x74: {  	[tilespmem:s22], [sflag:$0x3] =	stream.linear.gather [hbm4b:s17+s4], $0x80, $0x38;
	[tilespmem:$0x18100] =	vst v63  }
0x75: {  	_ =	swait.ge [sflag:s21], $0x80  }
0x76: {  	[sflag:s21] =	ssyncset.done $0x0  }
0x77: {  	[sflag:s21] =	ssyncadd.s32 $0xFFFFFF80  }
0x78: {  	[spmem:s3] =	stream.indirect.scatter.add.f32 [tilespmem:s20], [sflag:$0x2], $0x80, s22, s22, $0xb8;
	[tilespmem:$0x18100] =	vst v63  }
0x79: {  	_ =	swait.ge [sflag:s23], $0x4000  }
0x7a: {  	[sflag:s23] =	ssyncset.done $0x0  }
0x7b: {  	[sflag:s23] =	ssyncadd.s32 $0xFFFFC000  }
0x7c: {  	_ =	swait.ge [sflag:s24], $0x4000  }
0x7d: {  	s26 =	sadd.s32 $0x1, s26;
	[sflag:s24] =	ssyncset.done $0x0  }
0x7e: {  	p0 =	sne.s32 s26, s16;
	[sflag:s24] =	ssyncadd.s32 $0xFFFFC000  }
.Ltmp1:
0x7f: {  	s31 =	sshrl.u32 s6, $0x3;
	[bflag:$0x0] =	sbarrier.arrive $0xFFFF;
	(pc) =	sbr.rel @p0 .LBB2_1-.Ltmp1, $4  }
0x80: {  	[hbm:s15], [sflag:s25] =	dma.local [spmem:s31], $0x2800  }
0x81: {  	_ =	swait.ge [sflag:s21], $0x2800  }
0x82: {  	[sflag:s21] =	ssyncset.done $0x0  }
0x83: {  	[sflag:s21] =	ssyncadd.s32 $0xFFFFD800  }
0x84: {  	_ =	sfence.sel $0x180000  }
0x85: {  	[bflag:$0x0] =	sbarrier.arrive $0xFFFF  }
0x86: {  	_ =	strace $0x9000004A  }
0x87: {  	[bflag:$0x2] =	sbarrier.arrive $0xFFFF  }
0x88: {  	p0 =	sne.s32 s1, $0x0;
	s0 =	rddreg [dreg:$0x3]  }
0x89: {  	s0 =	sadd.s32 @!p0 $0x100000, s0  }
0x8a: {  	[sflag:s0] =	ssyncadd.tile.s32 @!p0 $0x1;
	_ =	shalt  }
.Lfunc_end2:
_tile_overlayer_lowered:
.L_overlay_start_2:
0x8b: {  	(tag) =	ssettag $0x2  }
0x8c: {  	s0 =	rddreg [dreg:$0x0];
	s2 =	stileid.u32  }
0x8d: {  	s1 =	rddreg [dreg:$0x1];
	p0 =	sne.s32 s2, $0x0  }
0x8e: {  	s3 =	rddreg [dreg:$0x2];
	[bflag:$0x3] =	sbarrier.arrive $0xFFFF;
	s2 =	simm.s32 @!p0 $0x1C03  }
0x8f: {  	[timem:s3], [sflag:s2] =	dma.local @!p0 [hbm:s0], s1  }
0x90: {  	s0 =	simm.s32 @!p0 $0x3  }
0x91: {  	_ =	swait.ge @!p0 [sflag:s0], s1  }
0x92: {  	s1 =	ssub.s32 @!p0 $0x0, s1;
	[sflag:s0] =	ssyncset.done @!p0 $0x0  }
0x93: {  	[sflag:s0] =	ssyncadd.s32 @!p0 s1  }
0x94: {  	[bflag:$0x3] =	sbarrier.arrive $0xFFFF  }
0x95: {  	_ =	shalt  }

</sc_bundles>
